<compile_context>
chip_gen: v7x
topology: tpu7x:2x2x1
jax: 0.10.2.dev20260603
libtpu: 0.0.44.dev20260713+nightly
codegen_flags: <defaults>
</compile_context>

<pallas_src>
import jax
import jax.numpy as jnp
from jax import lax
from jax.experimental import pallas as pl
from jax.experimental.pallas import tpu as pltpu
from jax.experimental.pallas import tpu_sc as plsc

GRID = (128, 128, 128)
NVOX = GRID[0] * GRID[1] * GRID[2]
HALF = NVOX // 2
N_LORS = 100000
N_SAMPLES = 32
NC, NS, L = 2, 16, 16
BLK = 2048
NPAD = 50 * BLK
E = N_SAMPLES * NPAD
EPT = E // NS
CW = 1024
NCH = EPT // CW
NITER = NCH // 4
WPT = HALF // NS
OCHUNK = 16384


def _tc_body(lt_ref, pr_ref, oi_ref, ow_ref):
    p0x = lt_ref[0:1, :]
    p0y = lt_ref[1:2, :]
    p0z = lt_ref[2:3, :]
    dx = lt_ref[3:4, :] - p0x
    dy = lt_ref[4:5, :] - p0y
    dz = lt_ref[5:6, :] - p0z
    pj = pr_ref[0:1, :]
    w = jnp.sqrt(dx * dx + dy * dy + dz * dz) * (1.0 / N_SAMPLES) * pj
    ow_ref[...] = jnp.broadcast_to(w, (N_SAMPLES, BLK))
    t = (lax.broadcasted_iota(jnp.int32, (N_SAMPLES, 1), 0).astype(jnp.float32)
         + 0.5) * (1.0 / N_SAMPLES)
    rx = (p0x + t * dx) + 64.0
    ry = (p0y + t * dy) + 64.0
    rz = (p0z + t * dz) + 64.0
    fx = jnp.floor(rx)
    fy = jnp.floor(ry)
    fz = jnp.floor(rz)
    valid = ((fx >= 0) & (fx < 128) & (fy >= 0) & (fy < 128) & (fz >= 0)
             & (fz < 128))
    ix = fx.astype(jnp.int32)
    iy = fy.astype(jnp.int32)
    iz = fz.astype(jnp.int32)
    flat = (ix << 14) | (iy << 7) | iz
    oi_ref[0, :, :] = jnp.where(valid & (flat < HALF), flat, -1)
    oi_ref[1, :, :] = jnp.where(valid & (flat >= HALF), flat - HALF, -1)


_precompute = pl.pallas_call(
    _tc_body,
    out_shape=(jax.ShapeDtypeStruct((2, N_SAMPLES, NPAD), jnp.int32),
               jax.ShapeDtypeStruct((N_SAMPLES, NPAD), jnp.float32)),
    grid=(NPAD // BLK,),
    in_specs=[
        pl.BlockSpec((6, BLK), lambda i: (0, i)),
        pl.BlockSpec((1, BLK), lambda i: (0, i)),
    ],
    out_specs=(
        pl.BlockSpec((2, N_SAMPLES, BLK), lambda i: (0, 0, i)),
        pl.BlockSpec((N_SAMPLES, BLK), lambda i: (0, i)),
    ),
)


def _tile_body(img, idxs, ws, out, iA, vA, iB, vB, iC, vC, iD, vD, acc,
               sem_in, sem_sc):
    cid = lax.axis_index("c")
    sid = lax.axis_index("s")

    ibufs = (iA, iB, iC, iD)
    vbufs = (vA, vB, vC, vD)
    ibase = cid * E + sid * EPT
    wbase = sid * EPT

    hbase = pl.multiple_of(cid * HALF + sid * WPT, 128)
    sbase = pl.multiple_of(sid * WPT, 128)
    pltpu.sync_copy(img.at[pl.ds(hbase, WPT)], acc.at[pl.ds(sbase, WPT)])

    si = jnp.full((L,), -1, jnp.int32)
    for b in range(4):
        for o in range(CW // L):
            ibufs[b][pl.ds(o * L, L)] = si
    plsc.subcore_barrier()
    for b in range(3):
        pltpu.async_copy(vbufs[b],
                         acc.at[plsc.Indices(ibufs[b], ignored_value=-1)],
                         sem_sc, add=True)

    def start_in(slot, chunk):
        off = chunk * CW
        pltpu.async_copy(idxs.at[pl.ds(ibase + off, CW)], ibufs[slot], sem_in)
        pltpu.async_copy(ws.at[pl.ds(wbase + off, CW)], vbufs[slot], sem_in)

    def wait_in():
        pltpu.make_async_copy(idxs.at[pl.ds(0, CW)], iA, sem_in).wait()
        pltpu.make_async_copy(ws.at[pl.ds(0, CW)], vA, sem_in).wait()

    def wait_sc():
        pltpu.make_async_copy(ws.at[pl.ds(0, CW)], vA, sem_sc).wait()

    start_in(0, 0)

    def iter_body(i, carry):
        for a in range(4):
            f = i * 4 + a
            wait_sc()
            nxt = jnp.where(f + 1 >= NCH, 0, f + 1)
            start_in((a + 1) % 4, nxt)
            wait_in()
            pltpu.async_copy(vbufs[a],
                             acc.at[plsc.Indices(ibufs[a], ignored_value=-1)],
                             sem_sc, add=True)
        return carry

    lax.fori_loop(0, NITER, iter_body, 0)

    wait_in()
    for _ in range(3):
        wait_sc()
    plsc.subcore_barrier()

    for k in range(WPT // OCHUNK):
        off = k * OCHUNK
        pltpu.sync_copy(acc.at[pl.ds(sbase + off, OCHUNK)],
                        out.at[pl.ds(hbase + off, OCHUNK)])


_mesh = plsc.VectorSubcoreMesh(core_axis_name="c", subcore_axis_name="s",
                               num_cores=NC, num_subcores=NS)

_scatter = pl.kernel(
    _tile_body,
    out_type=jax.ShapeDtypeStruct((NVOX,), jnp.float32),
    mesh=_mesh,
    scratch_types=[
        pltpu.VMEM((CW,), jnp.int32),
        pltpu.VMEM((CW,), jnp.float32),
        pltpu.VMEM((CW,), jnp.int32),
        pltpu.VMEM((CW,), jnp.float32),
        pltpu.VMEM((CW,), jnp.int32),
        pltpu.VMEM((CW,), jnp.float32),
        pltpu.VMEM((CW,), jnp.int32),
        pltpu.VMEM((CW,), jnp.float32),
        pltpu.VMEM_SHARED((HALF,), jnp.float32),
        pltpu.SemaphoreType.DMA,
        pltpu.SemaphoreType.DMA,
    ],
)


@jax.jit
def kernel(image, lors, proj):
    lors_t = jnp.full((NPAD, 6), 1e9, lors.dtype).at[:N_LORS].set(lors).T
    proj_p = jnp.zeros((NPAD,), proj.dtype).at[:N_LORS].set(proj)
    idxs, ws = _precompute(lors_t, proj_p.reshape(1, NPAD))
    out = _scatter(image.reshape(-1), idxs.reshape(-1), ws.reshape(-1))
    return out.reshape(GRID)

# --- scband reference (transcript-rebuilt; emitter-appended) ---
"""Pipeline reference for scband-back-projection-40621800685677 (READ-ONLY COPY).

The authoritative reference and input builder live on the scoring server;
editing this copy changes nothing except your own understanding.
"""

import jax, jax.numpy as jnp
import numpy as np

GRID = (128, 128, 128)
ORIGIN = np.array([-64.0, -64.0, -64.0], dtype=np.float32)
SIZE = np.array([128.0, 128.0, 128.0], dtype=np.float32)
N_LORS = 100000
N_SAMPLES = 32


def setup_inputs(seed: int = 0) -> dict:
    key = jax.random.key(seed)
    k1, k2 = jax.random.split(key, 2)
    image = jnp.zeros(GRID, dtype=jnp.float32)
    # LOR endpoints uniformly distributed inside the physical volume [-64, 64)^3
    lors = jax.random.uniform(k1, (N_LORS, 6), dtype=jnp.float32) * 128.0 - 64.0
    proj = jax.random.normal(k2, (N_LORS,), dtype=jnp.float32)
    return {"image": image, "lors": lors, "proj": proj}


def reference(image, lors, proj):
    # Ray-driven (Siddon-style) backprojection: distribute each projection value
    # along its line-of-response into the voxels it traverses, weighted by the
    # per-sample intersection length, accumulated via scatter-add.
    grid_i = jnp.asarray(GRID, dtype=jnp.int32)
    grid_f = jnp.asarray(GRID, dtype=jnp.float32)
    origin = jnp.asarray(ORIGIN)
    voxsize = jnp.asarray(SIZE) / grid_f

    p0 = lors[:, 0:3]  # [N, 3]
    p1 = lors[:, 3:6]  # [N, 3]

    t = (jnp.arange(N_SAMPLES, dtype=jnp.float32) + 0.5) / N_SAMPLES  # [S]
    # sample points along each LOR: [N, S, 3]
    pts = p0[:, None, :] + t[None, :, None] * (p1 - p0)[:, None, :]
    # per-sample segment length: [N]
    seg_len = jnp.sqrt(jnp.sum((p1 - p0) ** 2, axis=-1)) / float(N_SAMPLES)

    rel = (pts - origin[None, None, :]) / voxsize[None, None, :]
    idx = jnp.floor(rel).astype(jnp.int32)  # [N, S, 3]
    valid = jnp.all((idx >= 0) & (idx < grid_i[None, None, :]), axis=-1)  # [N, S]

    flat = (idx[..., 0] * (GRID[1] * GRID[2]) + idx[..., 1] * GRID[2] + idx[..., 2])
    flat = jnp.where(valid, flat, 0)
    w = jnp.where(valid, seg_len[:, None] * proj[:, None], 0.0)  # [N, S]

    out = image.reshape(-1).at[flat.reshape(-1)].add(w.reshape(-1))
    return out.reshape(GRID)

if __name__ == "__main__":
    import jax
    _d = setup_inputs()
    print(jax.jit(kernel)(*tuple(_d.values())))

</pallas_src>

<mosaic_0001>
#map = affine_map<(d0, d1) -> (0)>
module attributes {stable_mosaic.version = 14 : i64} {
  func.func @_tile_body(%arg0: i32, %arg1: i32, %arg2: memref<2097152xf32, #tpu.memory_space<hbm>>, %arg3: memref<6553600xi32, #tpu.memory_space<hbm>>, %arg4: memref<3276800xf32, #tpu.memory_space<hbm>>, %arg5: memref<2097152xf32, #tpu.memory_space<hbm>>, %arg6: memref<1024xi32, #tpu.memory_space<vmem>>, %arg7: memref<1024xf32, #tpu.memory_space<vmem>>, %arg8: memref<1024xi32, #tpu.memory_space<vmem>>, %arg9: memref<1024xf32, #tpu.memory_space<vmem>>, %arg10: memref<1024xi32, #tpu.memory_space<vmem>>, %arg11: memref<1024xf32, #tpu.memory_space<vmem>>, %arg12: memref<1024xi32, #tpu.memory_space<vmem>>, %arg13: memref<1024xf32, #tpu.memory_space<vmem>>, %arg14: memref<1048576xf32, #tpu.memory_space<vmem_shared>>, %arg15: memref<!tpu.dma_semaphore, #tpu.memory_space<semaphore_mem>>, %arg16: memref<!tpu.dma_semaphore, #tpu.memory_space<semaphore_mem>>) attributes {dimension_semantics = [#tpu.dimension_semantics<core_parallel>, #tpu.dimension_semantics<subcore_parallel>], iteration_bounds = array<i64: 2, 16>, scalar_prefetch = 0 : i64, scratch_operands = 11 : i64, tpu.core_type = #tpu.core_type<sc_vector_subcore>, window_params = [{transform_indices = #map}, {transform_indices = #map}, {transform_indices = #map}, {transform_indices = #map}]} {
    %mul3A = arith.constant 3276800 : i32
    %mul3A_0 = arith.muli %arg0, %mul3A : i32
    %mul3A_1 = arith.constant 204800 : i32
    %mul3A_2 = arith.muli %arg1, %mul3A_1 : i32
    %add3A = arith.addi %mul3A_0, %mul3A_2 : i32
    %mul3A_3 = arith.constant 204800 : i32
    %mul3A_4 = arith.muli %arg1, %mul3A_3 : i32
    %mul3A_5 = arith.constant 1048576 : i32
    %mul3A_6 = arith.muli %arg0, %mul3A_5 : i32
    %mul3A_7 = arith.constant 65536 : i32
    %mul3A_8 = arith.muli %arg1, %mul3A_7 : i32
    %add3A_9 = arith.addi %mul3A_6, %mul3A_8 : i32
    %multiple_of3A = tpu.assume_multiple %add3A_9, 128 : i32
    %mul3A_10 = arith.constant 65536 : i32
    %mul3A_11 = arith.muli %arg1, %mul3A_10 : i32
    %multiple_of3A_12 = tpu.assume_multiple %mul3A_11, 128 : i32
    "tpu.region"() ({
      %run_scoped3A = tpu.sem_alloc : memref<!tpu.dma_semaphore, #tpu.memory_space<semaphore_mem>>
      %dma_start3A_1094 = tpu.memref_slice %arg14[%multiple_of3A_12] : memref<1048576xf32, #tpu.memory_space<vmem_shared>> -> memref<65536xf32, #tpu.memory_space<vmem_shared>>
      %dma_start3A_1095 = tpu.memref_slice %arg2[%multiple_of3A] : memref<2097152xf32, #tpu.memory_space<hbm>> -> memref<65536xf32, #tpu.memory_space<hbm>>
      tpu.enqueue_dma source(%dma_start3A_1095 : memref<65536xf32, #tpu.memory_space<hbm>>) target(%dma_start3A_1094 : memref<65536xf32, #tpu.memory_space<vmem_shared>>) target_semaphore(%run_scoped3A : memref<!tpu.dma_semaphore, #tpu.memory_space<semaphore_mem>>)
      %dma_wait3A_1096 = tpu.memref_slice %arg14[%multiple_of3A_12] : memref<1048576xf32, #tpu.memory_space<vmem_shared>> -> memref<65536xf32, #tpu.memory_space<vmem_shared>>
      %dma_wait3A_1097 = tpu.memref_slice %arg2[%multiple_of3A] : memref<2097152xf32, #tpu.memory_space<hbm>> -> memref<65536xf32, #tpu.memory_space<hbm>>
      tpu.wait_dma2 semaphore(%run_scoped3A : memref<!tpu.dma_semaphore, #tpu.memory_space<semaphore_mem>>) src(%dma_wait3A_1097 : memref<65536xf32, #tpu.memory_space<hbm>>) dst(%dma_wait3A_1096 : memref<65536xf32, #tpu.memory_space<vmem_shared>>)
      tpu.yield
    }) : () -> ()
    %broadcast_in_dim3A = arith.constant -1 : i32
    %broadcast_in_dim3A_13 = vector.broadcast %broadcast_in_dim3A : i32 to vector<16xi32>
    %swap3A = arith.constant 0 : index
    %swap3A_14 = tpu.vector_load %arg6[%swap3A] {strides = array<i32>} : memref<1024xi32, #tpu.memory_space<vmem>>, vector<16xi32>,
    %swap3A_15 = vector.shape_cast %swap3A_14 : vector<16xi32> to vector<16xi32>
    %swap3A_16 = vector.shape_cast %broadcast_in_dim3A_13 : vector<16xi32> to vector<16xi32>
    tpu.vector_store %arg6[%swap3A], %swap3A_16 {strides = array<i32>} : memref<1024xi32, #tpu.memory_space<vmem>>, vector<16xi32>,
    %swap3A_17 = arith.constant 16 : index
    %swap3A_18 = tpu.vector_load %arg6[%swap3A_17] {strides = array<i32>} : memref<1024xi32, #tpu.memory_space<vmem>>, vector<16xi32>,
    %swap3A_19 = vector.shape_cast %swap3A_18 : vector<16xi32> to vector<16xi32>
    %swap3A_20 = vector.shape_cast %broadcast_in_dim3A_13 : vector<16xi32> to vector<16xi32>
    tpu.vector_store %arg6[%swap3A_17], %swap3A_20 {strides = array<i32>} : memref<1024xi32, #tpu.memory_space<vmem>>, vector<16xi32>,
    %swap3A_21 = arith.constant 32 : index
    %swap3A_22 = tpu.vector_load %arg6[%swap3A_21] {strides = array<i32>} : memref<1024xi32, #tpu.memory_space<vmem>>, vector<16xi32>,
    %swap3A_23 = vector.shape_cast %swap3A_22 : vector<16xi32> to vector<16xi32>
    %swap3A_24 = vector.shape_cast %broadcast_in_dim3A_13 : vector<16xi32> to vector<16xi32>
    tpu.vector_store %arg6[%swap3A_21], %swap3A_24 {strides = array<i32>} : memref<1024xi32, #tpu.memory_space<vmem>>, vector<16xi32>,
    %swap3A_25 = arith.constant 48 : index
    %swap3A_26 = tpu.vector_load %arg6[%swap3A_25] {strides = array<i32>} : memref<1024xi32, #tpu.memory_space<vmem>>, vector<16xi32>,
    %swap3A_27 = vector.shape_cast %swap3A_26 : vector<16xi32> to vector<16xi32>
    %swap3A_28 = vector.shape_cast %broadcast_in_dim3A_13 : vector<16xi32> to vector<16xi32>
    tpu.vector_store %arg6[%swap3A_25], %swap3A_28 {strides = array<i32>} : memref<1024xi32, #tpu.memory_space<vmem>>, vector<16xi32>,
    %swap3A_29 = arith.constant 64 : index
    %swap3A_30 = tpu.vector_load %arg6[%swap3A_29] {strides = array<i32>} : memref<1024xi32, #tpu.memory_space<vmem>>, vector<16xi32>,
    %swap3A_31 = vector.shape_cast %swap3A_30 : vector<16xi32> to vector<16xi32>
    %swap3A_32 = vector.shape_cast %broadcast_in_dim3A_13 : vector<16xi32> to vector<16xi32>
    tpu.vector_store %arg6[%swap3A_29], %swap3A_32 {strides = array<i32>} : memref<1024xi32, #tpu.memory_space<vmem>>, vector<16xi32>,
    %swap3A_33 = arith.constant 80 : index
    %swap3A_34 = tpu.vector_load %arg6[%swap3A_33] {strides = array<i32>} : memref<1024xi32, #tpu.memory_space<vmem>>, vector<16xi32>,
    %swap3A_35 = vector.shape_cast %swap3A_34 : vector<16xi32> to vector<16xi32>
    %swap3A_36 = vector.shape_cast %broadcast_in_dim3A_13 : vector<16xi32> to vector<16xi32>
    tpu.vector_store %arg6[%swap3A_33], %swap3A_36 {strides = array<i32>} : memref<1024xi32, #tpu.memory_space<vmem>>, vector<16xi32>,
    %swap3A_37 = arith.constant 96 : index
    %swap3A_38 = tpu.vector_load %arg6[%swap3A_37] {strides = array<i32>} : memref<1024xi32, #tpu.memory_space<vmem>>, vector<16xi32>,
    %swap3A_39 = vector.shape_cast %swap3A_38 : vector<16xi32> to vector<16xi32>
    %swap3A_40 = vector.shape_cast %broadcast_in_dim3A_13 : vector<16xi32> to vector<16xi32>
    tpu.vector_store %arg6[%swap3A_37], %swap3A_40 {strides = array<i32>} : memref<1024xi32, #tpu.memory_space<vmem>>, vector<16xi32>,
    %swap3A_41 = arith.constant 112 : index
    %swap3A_42 = tpu.vector_load %arg6[%swap3A_41] {strides = array<i32>} : memref<1024xi32, #tpu.memory_space<vmem>>, vector<16xi32>,
    %swap3A_43 = vector.shape_cast %swap3A_42 : vector<16xi32> to vector<16xi32>
    %swap3A_44 = vector.shape_cast %broadcast_in_dim3A_13 : vector<16xi32> to vector<16xi32>
    tpu.vector_store %arg6[%swap3A_41], %swap3A_44 {strides = array<i32>} : memref<1024xi32, #tpu.memory_space<vmem>>, vector<16xi32>,
    %swap3A_45 = arith.constant 128 : index
    %swap3A_46 = tpu.vector_load %arg6[%swap3A_45] {strides = array<i32>} : memref<1024xi32, #tpu.memory_space<vmem>>, vector<16xi32>,
    %swap3A_47 = vector.shape_cast %swap3A_46 : vector<16xi32> to vector<16xi32>
    %swap3A_48 = vector.shape_cast %broadcast_in_dim3A_13 : vector<16xi32> to vector<16xi32>
    tpu.vector_store %arg6[%swap3A_45], %swap3A_48 {strides = array<i32>} : memref<1024xi32, #tpu.memory_space<vmem>>, vector<16xi32>,
    %swap3A_49 = arith.constant 144 : index
    %swap3A_50 = tpu.vector_load %arg6[%swap3A_49] {strides = array<i32>} : memref<1024xi32, #tpu.memory_space<vmem>>, vector<16xi32>,
    %swap3A_51 = vector.shape_cast %swap3A_50 : vector<16xi32> to vector<16xi32>
    %swap3A_52 = vector.shape_cast %broadcast_in_dim3A_13 : vector<16xi32> to vector<16xi32>
    tpu.vector_store %arg6[%swap3A_49], %swap3A_52 {strides = array<i32>} : memref<1024xi32, #tpu.memory_space<vmem>>, vector<16xi32>,
    %swap3A_53 = arith.constant 160 : index
    %swap3A_54 = tpu.vector_load %arg6[%swap3A_53] {strides = array<i32>} : memref<1024xi32, #tpu.memory_space<vmem>>, vector<16xi32>,
    %swap3A_55 = vector.shape_cast %swap3A_54 : vector<16xi32> to vector<16xi32>
    %swap3A_56 = vector.shape_cast %broadcast_in_dim3A_13 : vector<16xi32> to vector<16xi32>
    tpu.vector_store %arg6[%swap3A_53], %swap3A_56 {strides = array<i32>} : memref<1024xi32, #tpu.memory_space<vmem>>, vector<16xi32>,
    %swap3A_57 = arith.constant 176 : index
    %swap3A_58 = tpu.vector_load %arg6[%swap3A_57] {strides = array<i32>} : memref<1024xi32, #tpu.memory_space<vmem>>, vector<16xi32>,
    %swap3A_59 = vector.shape_cast %swap3A_58 : vector<16xi32> to vector<16xi32>
    %swap3A_60 = vector.shape_cast %broadcast_in_dim3A_13 : vector<16xi32> to vector<16xi32>
    tpu.vector_store %arg6[%swap3A_57], %swap3A_60 {strides = array<i32>} : memref<1024xi32, #tpu.memory_space<vmem>>, vector<16xi32>,
    %swap3A_61 = arith.constant 192 : index
    %swap3A_62 = tpu.vector_load %arg6[%swap3A_61] {strides = array<i32>} : memref<1024xi32, #tpu.memory_space<vmem>>, vector<16xi32>,
    %swap3A_63 = vector.shape_cast %swap3A_62 : vector<16xi32> to vector<16xi32>
    %swap3A_64 = vector.shape_cast %broadcast_in_dim3A_13 : vector<16xi32> to vector<16xi32>
    tpu.vector_store %arg6[%swap3A_61], %swap3A_64 {strides = array<i32>} : memref<1024xi32, #tpu.memory_space<vmem>>, vector<16xi32>,
    %swap3A_65 = arith.constant 208 : index
    %swap3A_66 = tpu.vector_load %arg6[%swap3A_65] {strides = array<i32>} : memref<1024xi32, #tpu.memory_space<vmem>>, vector<16xi32>,
    %swap3A_67 = vector.shape_cast %swap3A_66 : vector<16xi32> to vector<16xi32>
    %swap3A_68 = vector.shape_cast %broadcast_in_dim3A_13 : vector<16xi32> to vector<16xi32>
    tpu.vector_store %arg6[%swap3A_65], %swap3A_68 {strides = array<i32>} : memref<1024xi32, #tpu.memory_space<vmem>>, vector<16xi32>,
    %swap3A_69 = arith.constant 224 : index
    %swap3A_70 = tpu.vector_load %arg6[%swap3A_69] {strides = array<i32>} : memref<1024xi32, #tpu.memory_space<vmem>>, vector<16xi32>,
    %swap3A_71 = vector.shape_cast %swap3A_70 : vector<16xi32> to vector<16xi32>
    %swap3A_72 = vector.shape_cast %broadcast_in_dim3A_13 : vector<16xi32> to vector<16xi32>
    tpu.vector_store %arg6[%swap3A_69], %swap3A_72 {strides = array<i32>} : memref<1024xi32, #tpu.memory_space<vmem>>, vector<16xi32>,
    %swap3A_73 = arith.constant 240 : index
    %swap3A_74 = tpu.vector_load %arg6[%swap3A_73] {strides = array<i32>} : memref<1024xi32, #tpu.memory_space<vmem>>, vector<16xi32>,
    %swap3A_75 = vector.shape_cast %swap3A_74 : vector<16xi32> to vector<16xi32>
    %swap3A_76 = vector.shape_cast %broadcast_in_dim3A_13 : vector<16xi32> to vector<16xi32>
    tpu.vector_store %arg6[%swap3A_73], %swap3A_76 {strides = array<i32>} : memref<1024xi32, #tpu.memory_space<vmem>>, vector<16xi32>,
    %swap3A_77 = arith.constant 256 : index
    %swap3A_78 = tpu.vector_load %arg6[%swap3A_77] {strides = array<i32>} : memref<1024xi32, #tpu.memory_space<vmem>>, vector<16xi32>,
    %swap3A_79 = vector.shape_cast %swap3A_78 : vector<16xi32> to vector<16xi32>
    %swap3A_80 = vector.shape_cast %broadcast_in_dim3A_13 : vector<16xi32> to vector<16xi32>
    tpu.vector_store %arg6[%swap3A_77], %swap3A_80 {strides = array<i32>} : memref<1024xi32, #tpu.memory_space<vmem>>, vector<16xi32>,
    %swap3A_81 = arith.constant 272 : index
    %swap3A_82 = tpu.vector_load %arg6[%swap3A_81] {strides = array<i32>} : memref<1024xi32, #tpu.memory_space<vmem>>, vector<16xi32>,
    %swap3A_83 = vector.shape_cast %swap3A_82 : vector<16xi32> to vector<16xi32>
    %swap3A_84 = vector.shape_cast %broadcast_in_dim3A_13 : vector<16xi32> to vector<16xi32>
    tpu.vector_store %arg6[%swap3A_81], %swap3A_84 {strides = array<i32>} : memref<1024xi32, #tpu.memory_space<vmem>>, vector<16xi32>,
    %swap3A_85 = arith.constant 288 : index
    %swap3A_86 = tpu.vector_load %arg6[%swap3A_85] {strides = array<i32>} : memref<1024xi32, #tpu.memory_space<vmem>>, vector<16xi32>,
    %swap3A_87 = vector.shape_cast %swap3A_86 : vector<16xi32> to vector<16xi32>
    %swap3A_88 = vector.shape_cast %broadcast_in_dim3A_13 : vector<16xi32> to vector<16xi32>
    tpu.vector_store %arg6[%swap3A_85], %swap3A_88 {strides = array<i32>} : memref<1024xi32, #tpu.memory_space<vmem>>, vector<16xi32>,
    %swap3A_89 = arith.constant 304 : index
    %swap3A_90 = tpu.vector_load %arg6[%swap3A_89] {strides = array<i32>} : memref<1024xi32, #tpu.memory_space<vmem>>, vector<16xi32>,
    %swap3A_91 = vector.shape_cast %swap3A_90 : vector<16xi32> to vector<16xi32>
    %swap3A_92 = vector.shape_cast %broadcast_in_dim3A_13 : vector<16xi32> to vector<16xi32>
    tpu.vector_store %arg6[%swap3A_89], %swap3A_92 {strides = array<i32>} : memref<1024xi32, #tpu.memory_space<vmem>>, vector<16xi32>,
    %swap3A_93 = arith.constant 320 : index
    %swap3A_94 = tpu.vector_load %arg6[%swap3A_93] {strides = array<i32>} : memref<1024xi32, #tpu.memory_space<vmem>>, vector<16xi32>,
    %swap3A_95 = vector.shape_cast %swap3A_94 : vector<16xi32> to vector<16xi32>
    %swap3A_96 = vector.shape_cast %broadcast_in_dim3A_13 : vector<16xi32> to vector<16xi32>
    tpu.vector_store %arg6[%swap3A_93], %swap3A_96 {strides = array<i32>} : memref<1024xi32, #tpu.memory_space<vmem>>, vector<16xi32>,
    %swap3A_97 = arith.constant 336 : index
    %swap3A_98 = tpu.vector_load %arg6[%swap3A_97] {strides = array<i32>} : memref<1024xi32, #tpu.memory_space<vmem>>, vector<16xi32>,
    %swap3A_99 = vector.shape_cast %swap3A_98 : vector<16xi32> to vector<16xi32>
    %swap3A_100 = vector.shape_cast %broadcast_in_dim3A_13 : vector<16xi32> to vector<16xi32>
    tpu.vector_store %arg6[%swap3A_97], %swap3A_100 {strides = array<i32>} : memref<1024xi32, #tpu.memory_space<vmem>>, vector<16xi32>,
    %swap3A_101 = arith.constant 352 : index
    %swap3A_102 = tpu.vector_load %arg6[%swap3A_101] {strides = array<i32>} : memref<1024xi32, #tpu.memory_space<vmem>>, vector<16xi32>,
    %swap3A_103 = vector.shape_cast %swap3A_102 : vector<16xi32> to vector<16xi32>
    %swap3A_104 = vector.shape_cast %broadcast_in_dim3A_13 : vector<16xi32> to vector<16xi32>
    tpu.vector_store %arg6[%swap3A_101], %swap3A_104 {strides = array<i32>} : memref<1024xi32, #tpu.memory_space<vmem>>, vector<16xi32>,
    %swap3A_105 = arith.constant 368 : index
    %swap3A_106 = tpu.vector_load %arg6[%swap3A_105] {strides = array<i32>} : memref<1024xi32, #tpu.memory_space<vmem>>, vector<16xi32>,
    %swap3A_107 = vector.shape_cast %swap3A_106 : vector<16xi32> to vector<16xi32>
    %swap3A_108 = vector.shape_cast %broadcast_in_dim3A_13 : vector<16xi32> to vector<16xi32>
    tpu.vector_store %arg6[%swap3A_105], %swap3A_108 {strides = array<i32>} : memref<1024xi32, #tpu.memory_space<vmem>>, vector<16xi32>,
    %swap3A_109 = arith.constant 384 : index
    %swap3A_110 = tpu.vector_load %arg6[%swap3A_109] {strides = array<i32>} : memref<1024xi32, #tpu.memory_space<vmem>>, vector<16xi32>,
    %swap3A_111 = vector.shape_cast %swap3A_110 : vector<16xi32> to vector<16xi32>
    %swap3A_112 = vector.shape_cast %broadcast_in_dim3A_13 : vector<16xi32> to vector<16xi32>
    tpu.vector_store %arg6[%swap3A_109], %swap3A_112 {strides = array<i32>} : memref<1024xi32, #tpu.memory_space<vmem>>, vector<16xi32>,
    %swap3A_113 = arith.constant 400 : index
    %swap3A_114 = tpu.vector_load %arg6[%swap3A_113] {strides = array<i32>} : memref<1024xi32, #tpu.memory_space<vmem>>, vector<16xi32>,
    %swap3A_115 = vector.shape_cast %swap3A_114 : vector<16xi32> to vector<16xi32>
    %swap3A_116 = vector.shape_cast %broadcast_in_dim3A_13 : vector<16xi32> to vector<16xi32>
    tpu.vector_store %arg6[%swap3A_113], %swap3A_116 {strides = array<i32>} : memref<1024xi32, #tpu.memory_space<vmem>>, vector<16xi32>,
    %swap3A_117 = arith.constant 416 : index
    %swap3A_118 = tpu.vector_load %arg6[%swap3A_117] {strides = array<i32>} : memref<1024xi32, #tpu.memory_space<vmem>>, vector<16xi32>,
    %swap3A_119 = vector.shape_cast %swap3A_118 : vector<16xi32> to vector<16xi32>
    %swap3A_120 = vector.shape_cast %broadcast_in_dim3A_13 : vector<16xi32> to vector<16xi32>
    tpu.vector_store %arg6[%swap3A_117], %swap3A_120 {strides = array<i32>} : memref<1024xi32, #tpu.memory_space<vmem>>, vector<16xi32>,
    %swap3A_121 = arith.constant 432 : index
    %swap3A_122 = tpu.vector_load %arg6[%swap3A_121] {strides = array<i32>} : memref<1024xi32, #tpu.memory_space<vmem>>, vector<16xi32>,
    %swap3A_123 = vector.shape_cast %swap3A_122 : vector<16xi32> to vector<16xi32>
    %swap3A_124 = vector.shape_cast %broadcast_in_dim3A_13 : vector<16xi32> to vector<16xi32>
    tpu.vector_store %arg6[%swap3A_121], %swap3A_124 {strides = array<i32>} : memref<1024xi32, #tpu.memory_space<vmem>>, vector<16xi32>,
    %swap3A_125 = arith.constant 448 : index
    %swap3A_126 = tpu.vector_load %arg6[%swap3A_125] {strides = array<i32>} : memref<1024xi32, #tpu.memory_space<vmem>>, vector<16xi32>,
    %swap3A_127 = vector.shape_cast %swap3A_126 : vector<16xi32> to vector<16xi32>
    %swap3A_128 = vector.shape_cast %broadcast_in_dim3A_13 : vector<16xi32> to vector<16xi32>
    tpu.vector_store %arg6[%swap3A_125], %swap3A_128 {strides = array<i32>} : memref<1024xi32, #tpu.memory_space<vmem>>, vector<16xi32>,
    %swap3A_129 = arith.constant 464 : index
    %swap3A_130 = tpu.vector_load %arg6[%swap3A_129] {strides = array<i32>} : memref<1024xi32, #tpu.memory_space<vmem>>, vector<16xi32>,
    %swap3A_131 = vector.shape_cast %swap3A_130 : vector<16xi32> to vector<16xi32>
    %swap3A_132 = vector.shape_cast %broadcast_in_dim3A_13 : vector<16xi32> to vector<16xi32>
    tpu.vector_store %arg6[%swap3A_129], %swap3A_132 {strides = array<i32>} : memref<1024xi32, #tpu.memory_space<vmem>>, vector<16xi32>,
    %swap3A_133 = arith.constant 480 : index
    %swap3A_134 = tpu.vector_load %arg6[%swap3A_133] {strides = array<i32>} : memref<1024xi32, #tpu.memory_space<vmem>>, vector<16xi32>,
    %swap3A_135 = vector.shape_cast %swap3A_134 : vector<16xi32> to vector<16xi32>
    %swap3A_136 = vector.shape_cast %broadcast_in_dim3A_13 : vector<16xi32> to vector<16xi32>
    tpu.vector_store %arg6[%swap3A_133], %swap3A_136 {strides = array<i32>} : memref<1024xi32, #tpu.memory_space<vmem>>, vector<16xi32>,
    %swap3A_137 = arith.constant 496 : index
    %swap3A_138 = tpu.vector_load %arg6[%swap3A_137] {strides = array<i32>} : memref<1024xi32, #tpu.memory_space<vmem>>, vector<16xi32>,
    %swap3A_139 = vector.shape_cast %swap3A_138 : vector<16xi32> to vector<16xi32>
    %swap3A_140 = vector.shape_cast %broadcast_in_dim3A_13 : vector<16xi32> to vector<16xi32>
    tpu.vector_store %arg6[%swap3A_137], %swap3A_140 {strides = array<i32>} : memref<1024xi32, #tpu.memory_space<vmem>>, vector<16xi32>,
    %swap3A_141 = arith.constant 512 : index
    %swap3A_142 = tpu.vector_load %arg6[%swap3A_141] {strides = array<i32>} : memref<1024xi32, #tpu.memory_space<vmem>>, vector<16xi32>,
    %swap3A_143 = vector.shape_cast %swap3A_142 : vector<16xi32> to vector<16xi32>
    %swap3A_144 = vector.shape_cast %broadcast_in_dim3A_13 : vector<16xi32> to vector<16xi32>
    tpu.vector_store %arg6[%swap3A_141], %swap3A_144 {strides = array<i32>} : memref<1024xi32, #tpu.memory_space<vmem>>, vector<16xi32>,
    %swap3A_145 = arith.constant 528 : index
    %swap3A_146 = tpu.vector_load %arg6[%swap3A_145] {strides = array<i32>} : memref<1024xi32, #tpu.memory_space<vmem>>, vector<16xi32>,
    %swap3A_147 = vector.shape_cast %swap3A_146 : vector<16xi32> to vector<16xi32>
    %swap3A_148 = vector.shape_cast %broadcast_in_dim3A_13 : vector<16xi32> to vector<16xi32>
    tpu.vector_store %arg6[%swap3A_145], %swap3A_148 {strides = array<i32>} : memref<1024xi32, #tpu.memory_space<vmem>>, vector<16xi32>,
    %swap3A_149 = arith.constant 544 : index
    %swap3A_150 = tpu.vector_load %arg6[%swap3A_149] {strides = array<i32>} : memref<1024xi32, #tpu.memory_space<vmem>>, vector<16xi32>,
    %swap3A_151 = vector.shape_cast %swap3A_150 : vector<16xi32> to vector<16xi32>
    %swap3A_152 = vector.shape_cast %broadcast_in_dim3A_13 : vector<16xi32> to vector<16xi32>
    tpu.vector_store %arg6[%swap3A_149], %swap3A_152 {strides = array<i32>} : memref<1024xi32, #tpu.memory_space<vmem>>, vector<16xi32>,
    %swap3A_153 = arith.constant 560 : index
    %swap3A_154 = tpu.vector_load %arg6[%swap3A_153] {strides = array<i32>} : memref<1024xi32, #tpu.memory_space<vmem>>, vector<16xi32>,
    %swap3A_155 = vector.shape_cast %swap3A_154 : vector<16xi32> to vector<16xi32>
    %swap3A_156 = vector.shape_cast %broadcast_in_dim3A_13 : vector<16xi32> to vector<16xi32>
    tpu.vector_store %arg6[%swap3A_153], %swap3A_156 {strides = array<i32>} : memref<1024xi32, #tpu.memory_space<vmem>>, vector<16xi32>,
    %swap3A_157 = arith.constant 576 : index
    %swap3A_158 = tpu.vector_load %arg6[%swap3A_157] {strides = array<i32>} : memref<1024xi32, #tpu.memory_space<vmem>>, vector<16xi32>,
    %swap3A_159 = vector.shape_cast %swap3A_158 : vector<16xi32> to vector<16xi32>
    %swap3A_160 = vector.shape_cast %broadcast_in_dim3A_13 : vector<16xi32> to vector<16xi32>
    tpu.vector_store %arg6[%swap3A_157], %swap3A_160 {strides = array<i32>} : memref<1024xi32, #tpu.memory_space<vmem>>, vector<16xi32>,
    %swap3A_161 = arith.constant 592 : index
    %swap3A_162 = tpu.vector_load %arg6[%swap3A_161] {strides = array<i32>} : memref<1024xi32, #tpu.memory_space<vmem>>, vector<16xi32>,
    %swap3A_163 = vector.shape_cast %swap3A_162 : vector<16xi32> to vector<16xi32>
    %swap3A_164 = vector.shape_cast %broadcast_in_dim3A_13 : vector<16xi32> to vector<16xi32>
    tpu.vector_store %arg6[%swap3A_161], %swap3A_164 {strides = array<i32>} : memref<1024xi32, #tpu.memory_space<vmem>>, vector<16xi32>,
    %swap3A_165 = arith.constant 608 : index
    %swap3A_166 = tpu.vector_load %arg6[%swap3A_165] {strides = array<i32>} : memref<1024xi32, #tpu.memory_space<vmem>>, vector<16xi32>,
    %swap3A_167 = vector.shape_cast %swap3A_166 : vector<16xi32> to vector<16xi32>
    %swap3A_168 = vector.shape_cast %broadcast_in_dim3A_13 : vector<16xi32> to vector<16xi32>
    tpu.vector_store %arg6[%swap3A_165], %swap3A_168 {strides = array<i32>} : memref<1024xi32, #tpu.memory_space<vmem>>, vector<16xi32>,
    %swap3A_169 = arith.constant 624 : index
    %swap3A_170 = tpu.vector_load %arg6[%swap3A_169] {strides = array<i32>} : memref<1024xi32, #tpu.memory_space<vmem>>, vector<16xi32>,
    %swap3A_171 = vector.shape_cast %swap3A_170 : vector<16xi32> to vector<16xi32>
    %swap3A_172 = vector.shape_cast %broadcast_in_dim3A_13 : vector<16xi32> to vector<16xi32>
    tpu.vector_store %arg6[%swap3A_169], %swap3A_172 {strides = array<i32>} : memref<1024xi32, #tpu.memory_space<vmem>>, vector<16xi32>,
    %swap3A_173 = arith.constant 640 : index
    %swap3A_174 = tpu.vector_load %arg6[%swap3A_173] {strides = array<i32>} : memref<1024xi32, #tpu.memory_space<vmem>>, vector<16xi32>,
    %swap3A_175 = vector.shape_cast %swap3A_174 : vector<16xi32> to vector<16xi32>
    %swap3A_176 = vector.shape_cast %broadcast_in_dim3A_13 : vector<16xi32> to vector<16xi32>
    tpu.vector_store %arg6[%swap3A_173], %swap3A_176 {strides = array<i32>} : memref<1024xi32, #tpu.memory_space<vmem>>, vector<16xi32>,
    %swap3A_177 = arith.constant 656 : index
    %swap3A_178 = tpu.vector_load %arg6[%swap3A_177] {strides = array<i32>} : memref<1024xi32, #tpu.memory_space<vmem>>, vector<16xi32>,
    %swap3A_179 = vector.shape_cast %swap3A_178 : vector<16xi32> to vector<16xi32>
    %swap3A_180 = vector.shape_cast %broadcast_in_dim3A_13 : vector<16xi32> to vector<16xi32>
    tpu.vector_store %arg6[%swap3A_177], %swap3A_180 {strides = array<i32>} : memref<1024xi32, #tpu.memory_space<vmem>>, vector<16xi32>,
    %swap3A_181 = arith.constant 672 : index
    %swap3A_182 = tpu.vector_load %arg6[%swap3A_181] {strides = array<i32>} : memref<1024xi32, #tpu.memory_space<vmem>>, vector<16xi32>,
    %swap3A_183 = vector.shape_cast %swap3A_182 : vector<16xi32> to vector<16xi32>
    %swap3A_184 = vector.shape_cast %broadcast_in_dim3A_13 : vector<16xi32> to vector<16xi32>
    tpu.vector_store %arg6[%swap3A_181], %swap3A_184 {strides = array<i32>} : memref<1024xi32, #tpu.memory_space<vmem>>, vector<16xi32>,
    %swap3A_185 = arith.constant 688 : index
    %swap3A_186 = tpu.vector_load %arg6[%swap3A_185] {strides = array<i32>} : memref<1024xi32, #tpu.memory_space<vmem>>, vector<16xi32>,
    %swap3A_187 = vector.shape_cast %swap3A_186 : vector<16xi32> to vector<16xi32>
    %swap3A_188 = vector.shape_cast %broadcast_in_dim3A_13 : vector<16xi32> to vector<16xi32>
    tpu.vector_store %arg6[%swap3A_185], %swap3A_188 {strides = array<i32>} : memref<1024xi32, #tpu.memory_space<vmem>>, vector<16xi32>,
    %swap3A_189 = arith.constant 704 : index
    %swap3A_190 = tpu.vector_load %arg6[%swap3A_189] {strides = array<i32>} : memref<1024xi32, #tpu.memory_space<vmem>>, vector<16xi32>,
    %swap3A_191 = vector.shape_cast %swap3A_190 : vector<16xi32> to vector<16xi32>
    %swap3A_192 = vector.shape_cast %broadcast_in_dim3A_13 : vector<16xi32> to vector<16xi32>
    tpu.vector_store %arg6[%swap3A_189], %swap3A_192 {strides = array<i32>} : memref<1024xi32, #tpu.memory_space<vmem>>, vector<16xi32>,
    %swap3A_193 = arith.constant 720 : index
    %swap3A_194 = tpu.vector_load %arg6[%swap3A_193] {strides = array<i32>} : memref<1024xi32, #tpu.memory_space<vmem>>, vector<16xi32>,
    %swap3A_195 = vector.shape_cast %swap3A_194 : vector<16xi32> to vector<16xi32>
    %swap3A_196 = vector.shape_cast %broadcast_in_dim3A_13 : vector<16xi32> to vector<16xi32>
    tpu.vector_store %arg6[%swap3A_193], %swap3A_196 {strides = array<i32>} : memref<1024xi32, #tpu.memory_space<vmem>>, vector<16xi32>,
    %swap3A_197 = arith.constant 736 : index
    %swap3A_198 = tpu.vector_load %arg6[%swap3A_197] {strides = array<i32>} : memref<1024xi32, #tpu.memory_space<vmem>>, vector<16xi32>,
    %swap3A_199 = vector.shape_cast %swap3A_198 : vector<16xi32> to vector<16xi32>
    %swap3A_200 = vector.shape_cast %broadcast_in_dim3A_13 : vector<16xi32> to vector<16xi32>
    tpu.vector_store %arg6[%swap3A_197], %swap3A_200 {strides = array<i32>} : memref<1024xi32, #tpu.memory_space<vmem>>, vector<16xi32>,
    %swap3A_201 = arith.constant 752 : index
    %swap3A_202 = tpu.vector_load %arg6[%swap3A_201] {strides = array<i32>} : memref<1024xi32, #tpu.memory_space<vmem>>, vector<16xi32>,
    %swap3A_203 = vector.shape_cast %swap3A_202 : vector<16xi32> to vector<16xi32>
    %swap3A_204 = vector.shape_cast %broadcast_in_dim3A_13 : vector<16xi32> to vector<16xi32>
    tpu.vector_store %arg6[%swap3A_201], %swap3A_204 {strides = array<i32>} : memref<1024xi32, #tpu.memory_space<vmem>>, vector<16xi32>,
    %swap3A_205 = arith.constant 768 : index
    %swap3A_206 = tpu.vector_load %arg6[%swap3A_205] {strides = array<i32>} : memref<1024xi32, #tpu.memory_space<vmem>>, vector<16xi32>,
    %swap3A_207 = vector.shape_cast %swap3A_206 : vector<16xi32> to vector<16xi32>
    %swap3A_208 = vector.shape_cast %broadcast_in_dim3A_13 : vector<16xi32> to vector<16xi32>
    tpu.vector_store %arg6[%swap3A_205], %swap3A_208 {strides = array<i32>} : memref<1024xi32, #tpu.memory_space<vmem>>, vector<16xi32>,
    %swap3A_209 = arith.constant 784 : index
    %swap3A_210 = tpu.vector_load %arg6[%swap3A_209] {strides = array<i32>} : memref<1024xi32, #tpu.memory_space<vmem>>, vector<16xi32>,
    %swap3A_211 = vector.shape_cast %swap3A_210 : vector<16xi32> to vector<16xi32>
    %swap3A_212 = vector.shape_cast %broadcast_in_dim3A_13 : vector<16xi32> to vector<16xi32>
    tpu.vector_store %arg6[%swap3A_209], %swap3A_212 {strides = array<i32>} : memref<1024xi32, #tpu.memory_space<vmem>>, vector<16xi32>,
    %swap3A_213 = arith.constant 800 : index
    %swap3A_214 = tpu.vector_load %arg6[%swap3A_213] {strides = array<i32>} : memref<1024xi32, #tpu.memory_space<vmem>>, vector<16xi32>,
    %swap3A_215 = vector.shape_cast %swap3A_214 : vector<16xi32> to vector<16xi32>
    %swap3A_216 = vector.shape_cast %broadcast_in_dim3A_13 : vector<16xi32> to vector<16xi32>
    tpu.vector_store %arg6[%swap3A_213], %swap3A_216 {strides = array<i32>} : memref<1024xi32, #tpu.memory_space<vmem>>, vector<16xi32>,
    %swap3A_217 = arith.constant 816 : index
    %swap3A_218 = tpu.vector_load %arg6[%swap3A_217] {strides = array<i32>} : memref<1024xi32, #tpu.memory_space<vmem>>, vector<16xi32>,
    %swap3A_219 = vector.shape_cast %swap3A_218 : vector<16xi32> to vector<16xi32>
    %swap3A_220 = vector.shape_cast %broadcast_in_dim3A_13 : vector<16xi32> to vector<16xi32>
    tpu.vector_store %arg6[%swap3A_217], %swap3A_220 {strides = array<i32>} : memref<1024xi32, #tpu.memory_space<vmem>>, vector<16xi32>,
    %swap3A_221 = arith.constant 832 : index
    %swap3A_222 = tpu.vector_load %arg6[%swap3A_221] {strides = array<i32>} : memref<1024xi32, #tpu.memory_space<vmem>>, vector<16xi32>,
    %swap3A_223 = vector.shape_cast %swap3A_222 : vector<16xi32> to vector<16xi32>
    %swap3A_224 = vector.shape_cast %broadcast_in_dim3A_13 : vector<16xi32> to vector<16xi32>
    tpu.vector_store %arg6[%swap3A_221], %swap3A_224 {strides = array<i32>} : memref<1024xi32, #tpu.memory_space<vmem>>, vector<16xi32>,
    %swap3A_225 = arith.constant 848 : index
    %swap3A_226 = tpu.vector_load %arg6[%swap3A_225] {strides = array<i32>} : memref<1024xi32, #tpu.memory_space<vmem>>, vector<16xi32>,
    %swap3A_227 = vector.shape_cast %swap3A_226 : vector<16xi32> to vector<16xi32>
    %swap3A_228 = vector.shape_cast %broadcast_in_dim3A_13 : vector<16xi32> to vector<16xi32>
    tpu.vector_store %arg6[%swap3A_225], %swap3A_228 {strides = array<i32>} : memref<1024xi32, #tpu.memory_space<vmem>>, vector<16xi32>,
    %swap3A_229 = arith.constant 864 : index
    %swap3A_230 = tpu.vector_load %arg6[%swap3A_229] {strides = array<i32>} : memref<1024xi32, #tpu.memory_space<vmem>>, vector<16xi32>,
    %swap3A_231 = vector.shape_cast %swap3A_230 : vector<16xi32> to vector<16xi32>
    %swap3A_232 = vector.shape_cast %broadcast_in_dim3A_13 : vector<16xi32> to vector<16xi32>
    tpu.vector_store %arg6[%swap3A_229], %swap3A_232 {strides = array<i32>} : memref<1024xi32, #tpu.memory_space<vmem>>, vector<16xi32>,
    %swap3A_233 = arith.constant 880 : index
    %swap3A_234 = tpu.vector_load %arg6[%swap3A_233] {strides = array<i32>} : memref<1024xi32, #tpu.memory_space<vmem>>, vector<16xi32>,
    %swap3A_235 = vector.shape_cast %swap3A_234 : vector<16xi32> to vector<16xi32>
    %swap3A_236 = vector.shape_cast %broadcast_in_dim3A_13 : vector<16xi32> to vector<16xi32>
    tpu.vector_store %arg6[%swap3A_233], %swap3A_236 {strides = array<i32>} : memref<1024xi32, #tpu.memory_space<vmem>>, vector<16xi32>,
    %swap3A_237 = arith.constant 896 : index
    %swap3A_238 = tpu.vector_load %arg6[%swap3A_237] {strides = array<i32>} : memref<1024xi32, #tpu.memory_space<vmem>>, vector<16xi32>,
    %swap3A_239 = vector.shape_cast %swap3A_238 : vector<16xi32> to vector<16xi32>
    %swap3A_240 = vector.shape_cast %broadcast_in_dim3A_13 : vector<16xi32> to vector<16xi32>
    tpu.vector_store %arg6[%swap3A_237], %swap3A_240 {strides = array<i32>} : memref<1024xi32, #tpu.memory_space<vmem>>, vector<16xi32>,
    %swap3A_241 = arith.constant 912 : index
    %swap3A_242 = tpu.vector_load %arg6[%swap3A_241] {strides = array<i32>} : memref<1024xi32, #tpu.memory_space<vmem>>, vector<16xi32>,
    %swap3A_243 = vector.shape_cast %swap3A_242 : vector<16xi32> to vector<16xi32>
    %swap3A_244 = vector.shape_cast %broadcast_in_dim3A_13 : vector<16xi32> to vector<16xi32>
    tpu.vector_store %arg6[%swap3A_241], %swap3A_244 {strides = array<i32>} : memref<1024xi32, #tpu.memory_space<vmem>>, vector<16xi32>,
    %swap3A_245 = arith.constant 928 : index
    %swap3A_246 = tpu.vector_load %arg6[%swap3A_245] {strides = array<i32>} : memref<1024xi32, #tpu.memory_space<vmem>>, vector<16xi32>,
    %swap3A_247 = vector.shape_cast %swap3A_246 : vector<16xi32> to vector<16xi32>
    %swap3A_248 = vector.shape_cast %broadcast_in_dim3A_13 : vector<16xi32> to vector<16xi32>
    tpu.vector_store %arg6[%swap3A_245], %swap3A_248 {strides = array<i32>} : memref<1024xi32, #tpu.memory_space<vmem>>, vector<16xi32>,
    %swap3A_249 = arith.constant 944 : index
    %swap3A_250 = tpu.vector_load %arg6[%swap3A_249] {strides = array<i32>} : memref<1024xi32, #tpu.memory_space<vmem>>, vector<16xi32>,
    %swap3A_251 = vector.shape_cast %swap3A_250 : vector<16xi32> to vector<16xi32>
    %swap3A_252 = vector.shape_cast %broadcast_in_dim3A_13 : vector<16xi32> to vector<16xi32>
    tpu.vector_store %arg6[%swap3A_249], %swap3A_252 {strides = array<i32>} : memref<1024xi32, #tpu.memory_space<vmem>>, vector<16xi32>,
    %swap3A_253 = arith.constant 960 : index
    %swap3A_254 = tpu.vector_load %arg6[%swap3A_253] {strides = array<i32>} : memref<1024xi32, #tpu.memory_space<vmem>>, vector<16xi32>,
    %swap3A_255 = vector.shape_cast %swap3A_254 : vector<16xi32> to vector<16xi32>
    %swap3A_256 = vector.shape_cast %broadcast_in_dim3A_13 : vector<16xi32> to vector<16xi32>
    tpu.vector_store %arg6[%swap3A_253], %swap3A_256 {strides = array<i32>} : memref<1024xi32, #tpu.memory_space<vmem>>, vector<16xi32>,
    %swap3A_257 = arith.constant 976 : index
    %swap3A_258 = tpu.vector_load %arg6[%swap3A_257] {strides = array<i32>} : memref<1024xi32, #tpu.memory_space<vmem>>, vector<16xi32>,
    %swap3A_259 = vector.shape_cast %swap3A_258 : vector<16xi32> to vector<16xi32>
    %swap3A_260 = vector.shape_cast %broadcast_in_dim3A_13 : vector<16xi32> to vector<16xi32>
    tpu.vector_store %arg6[%swap3A_257], %swap3A_260 {strides = array<i32>} : memref<1024xi32, #tpu.memory_space<vmem>>, vector<16xi32>,
    %swap3A_261 = arith.constant 992 : index
    %swap3A_262 = tpu.vector_load %arg6[%swap3A_261] {strides = array<i32>} : memref<1024xi32, #tpu.memory_space<vmem>>, vector<16xi32>,
    %swap3A_263 = vector.shape_cast %swap3A_262 : vector<16xi32> to vector<16xi32>
    %swap3A_264 = vector.shape_cast %broadcast_in_dim3A_13 : vector<16xi32> to vector<16xi32>
    tpu.vector_store %arg6[%swap3A_261], %swap3A_264 {strides = array<i32>} : memref<1024xi32, #tpu.memory_space<vmem>>, vector<16xi32>,
    %swap3A_265 = arith.constant 1008 : index
    %swap3A_266 = tpu.vector_load %arg6[%swap3A_265] {strides = array<i32>} : memref<1024xi32, #tpu.memory_space<vmem>>, vector<16xi32>,
    %swap3A_267 = vector.shape_cast %swap3A_266 : vector<16xi32> to vector<16xi32>
    %swap3A_268 = vector.shape_cast %broadcast_in_dim3A_13 : vector<16xi32> to vector<16xi32>
    tpu.vector_store %arg6[%swap3A_265], %swap3A_268 {strides = array<i32>} : memref<1024xi32, #tpu.memory_space<vmem>>, vector<16xi32>,
    %swap3A_269 = arith.constant 0 : index
    %swap3A_270 = tpu.vector_load %arg8[%swap3A_269] {strides = array<i32>} : memref<1024xi32, #tpu.memory_space<vmem>>, vector<16xi32>,
    %swap3A_271 = vector.shape_cast %swap3A_270 : vector<16xi32> to vector<16xi32>
    %swap3A_272 = vector.shape_cast %broadcast_in_dim3A_13 : vector<16xi32> to vector<16xi32>
    tpu.vector_store %arg8[%swap3A_269], %swap3A_272 {strides = array<i32>} : memref<1024xi32, #tpu.memory_space<vmem>>, vector<16xi32>,
    %swap3A_273 = arith.constant 16 : index
    %swap3A_274 = tpu.vector_load %arg8[%swap3A_273] {strides = array<i32>} : memref<1024xi32, #tpu.memory_space<vmem>>, vector<16xi32>,
    %swap3A_275 = vector.shape_cast %swap3A_274 : vector<16xi32> to vector<16xi32>
    %swap3A_276 = vector.shape_cast %broadcast_in_dim3A_13 : vector<16xi32> to vector<16xi32>
    tpu.vector_store %arg8[%swap3A_273], %swap3A_276 {strides = array<i32>} : memref<1024xi32, #tpu.memory_space<vmem>>, vector<16xi32>,
    %swap3A_277 = arith.constant 32 : index
    %swap3A_278 = tpu.vector_load %arg8[%swap3A_277] {strides = array<i32>} : memref<1024xi32, #tpu.memory_space<vmem>>, vector<16xi32>,
    %swap3A_279 = vector.shape_cast %swap3A_278 : vector<16xi32> to vector<16xi32>
    %swap3A_280 = vector.shape_cast %broadcast_in_dim3A_13 : vector<16xi32> to vector<16xi32>
    tpu.vector_store %arg8[%swap3A_277], %swap3A_280 {strides = array<i32>} : memref<1024xi32, #tpu.memory_space<vmem>>, vector<16xi32>,
    %swap3A_281 = arith.constant 48 : index
    %swap3A_282 = tpu.vector_load %arg8[%swap3A_281] {strides = array<i32>} : memref<1024xi32, #tpu.memory_space<vmem>>, vector<16xi32>,
    %swap3A_283 = vector.shape_cast %swap3A_282 : vector<16xi32> to vector<16xi32>
    %swap3A_284 = vector.shape_cast %broadcast_in_dim3A_13 : vector<16xi32> to vector<16xi32>
    tpu.vector_store %arg8[%swap3A_281], %swap3A_284 {strides = array<i32>} : memref<1024xi32, #tpu.memory_space<vmem>>, vector<16xi32>,
    %swap3A_285 = arith.constant 64 : index
    %swap3A_286 = tpu.vector_load %arg8[%swap3A_285] {strides = array<i32>} : memref<1024xi32, #tpu.memory_space<vmem>>, vector<16xi32>,
    %swap3A_287 = vector.shape_cast %swap3A_286 : vector<16xi32> to vector<16xi32>
    %swap3A_288 = vector.shape_cast %broadcast_in_dim3A_13 : vector<16xi32> to vector<16xi32>
    tpu.vector_store %arg8[%swap3A_285], %swap3A_288 {strides = array<i32>} : memref<1024xi32, #tpu.memory_space<vmem>>, vector<16xi32>,
    %swap3A_289 = arith.constant 80 : index
    %swap3A_290 = tpu.vector_load %arg8[%swap3A_289] {strides = array<i32>} : memref<1024xi32, #tpu.memory_space<vmem>>, vector<16xi32>,
    %swap3A_291 = vector.shape_cast %swap3A_290 : vector<16xi32> to vector<16xi32>
    %swap3A_292 = vector.shape_cast %broadcast_in_dim3A_13 : vector<16xi32> to vector<16xi32>
    tpu.vector_store %arg8[%swap3A_289], %swap3A_292 {strides = array<i32>} : memref<1024xi32, #tpu.memory_space<vmem>>, vector<16xi32>,
    %swap3A_293 = arith.constant 96 : index
    %swap3A_294 = tpu.vector_load %arg8[%swap3A_293] {strides = array<i32>} : memref<1024xi32, #tpu.memory_space<vmem>>, vector<16xi32>,
    %swap3A_295 = vector.shape_cast %swap3A_294 : vector<16xi32> to vector<16xi32>
    %swap3A_296 = vector.shape_cast %broadcast_in_dim3A_13 : vector<16xi32> to vector<16xi32>
    tpu.vector_store %arg8[%swap3A_293], %swap3A_296 {strides = array<i32>} : memref<1024xi32, #tpu.memory_space<vmem>>, vector<16xi32>,
    %swap3A_297 = arith.constant 112 : index
    %swap3A_298 = tpu.vector_load %arg8[%swap3A_297] {strides = array<i32>} : memref<1024xi32, #tpu.memory_space<vmem>>, vector<16xi32>,
    %swap3A_299 = vector.shape_cast %swap3A_298 : vector<16xi32> to vector<16xi32>
    %swap3A_300 = vector.shape_cast %broadcast_in_dim3A_13 : vector<16xi32> to vector<16xi32>
    tpu.vector_store %arg8[%swap3A_297], %swap3A_300 {strides = array<i32>} : memref<1024xi32, #tpu.memory_space<vmem>>, vector<16xi32>,
    %swap3A_301 = arith.constant 128 : index
    %swap3A_302 = tpu.vector_load %arg8[%swap3A_301] {strides = array<i32>} : memref<1024xi32, #tpu.memory_space<vmem>>, vector<16xi32>,
    %swap3A_303 = vector.shape_cast %swap3A_302 : vector<16xi32> to vector<16xi32>
    %swap3A_304 = vector.shape_cast %broadcast_in_dim3A_13 : vector<16xi32> to vector<16xi32>
    tpu.vector_store %arg8[%swap3A_301], %swap3A_304 {strides = array<i32>} : memref<1024xi32, #tpu.memory_space<vmem>>, vector<16xi32>,
    %swap3A_305 = arith.constant 144 : index
    %swap3A_306 = tpu.vector_load %arg8[%swap3A_305] {strides = array<i32>} : memref<1024xi32, #tpu.memory_space<vmem>>, vector<16xi32>,
    %swap3A_307 = vector.shape_cast %swap3A_306 : vector<16xi32> to vector<16xi32>
    %swap3A_308 = vector.shape_cast %broadcast_in_dim3A_13 : vector<16xi32> to vector<16xi32>
    tpu.vector_store %arg8[%swap3A_305], %swap3A_308 {strides = array<i32>} : memref<1024xi32, #tpu.memory_space<vmem>>, vector<16xi32>,
    %swap3A_309 = arith.constant 160 : index
    %swap3A_310 = tpu.vector_load %arg8[%swap3A_309] {strides = array<i32>} : memref<1024xi32, #tpu.memory_space<vmem>>, vector<16xi32>,
    %swap3A_311 = vector.shape_cast %swap3A_310 : vector<16xi32> to vector<16xi32>
    %swap3A_312 = vector.shape_cast %broadcast_in_dim3A_13 : vector<16xi32> to vector<16xi32>
    tpu.vector_store %arg8[%swap3A_309], %swap3A_312 {strides = array<i32>} : memref<1024xi32, #tpu.memory_space<vmem>>, vector<16xi32>,
    %swap3A_313 = arith.constant 176 : index
    %swap3A_314 = tpu.vector_load %arg8[%swap3A_313] {strides = array<i32>} : memref<1024xi32, #tpu.memory_space<vmem>>, vector<16xi32>,
    %swap3A_315 = vector.shape_cast %swap3A_314 : vector<16xi32> to vector<16xi32>
    %swap3A_316 = vector.shape_cast %broadcast_in_dim3A_13 : vector<16xi32> to vector<16xi32>
    tpu.vector_store %arg8[%swap3A_313], %swap3A_316 {strides = array<i32>} : memref<1024xi32, #tpu.memory_space<vmem>>, vector<16xi32>,
    %swap3A_317 = arith.constant 192 : index
    %swap3A_318 = tpu.vector_load %arg8[%swap3A_317] {strides = array<i32>} : memref<1024xi32, #tpu.memory_space<vmem>>, vector<16xi32>,
    %swap3A_319 = vector.shape_cast %swap3A_318 : vector<16xi32> to vector<16xi32>
    %swap3A_320 = vector.shape_cast %broadcast_in_dim3A_13 : vector<16xi32> to vector<16xi32>
    tpu.vector_store %arg8[%swap3A_317], %swap3A_320 {strides = array<i32>} : memref<1024xi32, #tpu.memory_space<vmem>>, vector<16xi32>,
    %swap3A_321 = arith.constant 208 : index
    %swap3A_322 = tpu.vector_load %arg8[%swap3A_321] {strides = array<i32>} : memref<1024xi32, #tpu.memory_space<vmem>>, vector<16xi32>,
    %swap3A_323 = vector.shape_cast %swap3A_322 : vector<16xi32> to vector<16xi32>
    %swap3A_324 = vector.shape_cast %broadcast_in_dim3A_13 : vector<16xi32> to vector<16xi32>
    tpu.vector_store %arg8[%swap3A_321], %swap3A_324 {strides = array<i32>} : memref<1024xi32, #tpu.memory_space<vmem>>, vector<16xi32>,
    %swap3A_325 = arith.constant 224 : index
    %swap3A_326 = tpu.vector_load %arg8[%swap3A_325] {strides = array<i32>} : memref<1024xi32, #tpu.memory_space<vmem>>, vector<16xi32>,
    %swap3A_327 = vector.shape_cast %swap3A_326 : vector<16xi32> to vector<16xi32>
    %swap3A_328 = vector.shape_cast %broadcast_in_dim3A_13 : vector<16xi32> to vector<16xi32>
    tpu.vector_store %arg8[%swap3A_325], %swap3A_328 {strides = array<i32>} : memref<1024xi32, #tpu.memory_space<vmem>>, vector<16xi32>,
    %swap3A_329 = arith.constant 240 : index
    %swap3A_330 = tpu.vector_load %arg8[%swap3A_329] {strides = array<i32>} : memref<1024xi32, #tpu.memory_space<vmem>>, vector<16xi32>,
    %swap3A_331 = vector.shape_cast %swap3A_330 : vector<16xi32> to vector<16xi32>
    %swap3A_332 = vector.shape_cast %broadcast_in_dim3A_13 : vector<16xi32> to vector<16xi32>
    tpu.vector_store %arg8[%swap3A_329], %swap3A_332 {strides = array<i32>} : memref<1024xi32, #tpu.memory_space<vmem>>, vector<16xi32>,
    %swap3A_333 = arith.constant 256 : index
    %swap3A_334 = tpu.vector_load %arg8[%swap3A_333] {strides = array<i32>} : memref<1024xi32, #tpu.memory_space<vmem>>, vector<16xi32>,
    %swap3A_335 = vector.shape_cast %swap3A_334 : vector<16xi32> to vector<16xi32>
    %swap3A_336 = vector.shape_cast %broadcast_in_dim3A_13 : vector<16xi32> to vector<16xi32>
    tpu.vector_store %arg8[%swap3A_333], %swap3A_336 {strides = array<i32>} : memref<1024xi32, #tpu.memory_space<vmem>>, vector<16xi32>,
    %swap3A_337 = arith.constant 272 : index
    %swap3A_338 = tpu.vector_load %arg8[%swap3A_337] {strides = array<i32>} : memref<1024xi32, #tpu.memory_space<vmem>>, vector<16xi32>,
    %swap3A_339 = vector.shape_cast %swap3A_338 : vector<16xi32> to vector<16xi32>
    %swap3A_340 = vector.shape_cast %broadcast_in_dim3A_13 : vector<16xi32> to vector<16xi32>
    tpu.vector_store %arg8[%swap3A_337], %swap3A_340 {strides = array<i32>} : memref<1024xi32, #tpu.memory_space<vmem>>, vector<16xi32>,
    %swap3A_341 = arith.constant 288 : index
    %swap3A_342 = tpu.vector_load %arg8[%swap3A_341] {strides = array<i32>} : memref<1024xi32, #tpu.memory_space<vmem>>, vector<16xi32>,
    %swap3A_343 = vector.shape_cast %swap3A_342 : vector<16xi32> to vector<16xi32>
    %swap3A_344 = vector.shape_cast %broadcast_in_dim3A_13 : vector<16xi32> to vector<16xi32>
    tpu.vector_store %arg8[%swap3A_341], %swap3A_344 {strides = array<i32>} : memref<1024xi32, #tpu.memory_space<vmem>>, vector<16xi32>,
    %swap3A_345 = arith.constant 304 : index
    %swap3A_346 = tpu.vector_load %arg8[%swap3A_345] {strides = array<i32>} : memref<1024xi32, #tpu.memory_space<vmem>>, vector<16xi32>,
    %swap3A_347 = vector.shape_cast %swap3A_346 : vector<16xi32> to vector<16xi32>
    %swap3A_348 = vector.shape_cast %broadcast_in_dim3A_13 : vector<16xi32> to vector<16xi32>
    tpu.vector_store %arg8[%swap3A_345], %swap3A_348 {strides = array<i32>} : memref<1024xi32, #tpu.memory_space<vmem>>, vector<16xi32>,
    %swap3A_349 = arith.constant 320 : index
    %swap3A_350 = tpu.vector_load %arg8[%swap3A_349] {strides = array<i32>} : memref<1024xi32, #tpu.memory_space<vmem>>, vector<16xi32>,
    %swap3A_351 = vector.shape_cast %swap3A_350 : vector<16xi32> to vector<16xi32>
    %swap3A_352 = vector.shape_cast %broadcast_in_dim3A_13 : vector<16xi32> to vector<16xi32>
    tpu.vector_store %arg8[%swap3A_349], %swap3A_352 {strides = array<i32>} : memref<1024xi32, #tpu.memory_space<vmem>>, vector<16xi32>,
    %swap3A_353 = arith.constant 336 : index
    %swap3A_354 = tpu.vector_load %arg8[%swap3A_353] {strides = array<i32>} : memref<1024xi32, #tpu.memory_space<vmem>>, vector<16xi32>,
    %swap3A_355 = vector.shape_cast %swap3A_354 : vector<16xi32> to vector<16xi32>
    %swap3A_356 = vector.shape_cast %broadcast_in_dim3A_13 : vector<16xi32> to vector<16xi32>
    tpu.vector_store %arg8[%swap3A_353], %swap3A_356 {strides = array<i32>} : memref<1024xi32, #tpu.memory_space<vmem>>, vector<16xi32>,
    %swap3A_357 = arith.constant 352 : index
    %swap3A_358 = tpu.vector_load %arg8[%swap3A_357] {strides = array<i32>} : memref<1024xi32, #tpu.memory_space<vmem>>, vector<16xi32>,
    %swap3A_359 = vector.shape_cast %swap3A_358 : vector<16xi32> to vector<16xi32>
    %swap3A_360 = vector.shape_cast %broadcast_in_dim3A_13 : vector<16xi32> to vector<16xi32>
    tpu.vector_store %arg8[%swap3A_357], %swap3A_360 {strides = array<i32>} : memref<1024xi32, #tpu.memory_space<vmem>>, vector<16xi32>,
    %swap3A_361 = arith.constant 368 : index
    %swap3A_362 = tpu.vector_load %arg8[%swap3A_361] {strides = array<i32>} : memref<1024xi32, #tpu.memory_space<vmem>>, vector<16xi32>,
    %swap3A_363 = vector.shape_cast %swap3A_362 : vector<16xi32> to vector<16xi32>
    %swap3A_364 = vector.shape_cast %broadcast_in_dim3A_13 : vector<16xi32> to vector<16xi32>
    tpu.vector_store %arg8[%swap3A_361], %swap3A_364 {strides = array<i32>} : memref<1024xi32, #tpu.memory_space<vmem>>, vector<16xi32>,
    %swap3A_365 = arith.constant 384 : index
    %swap3A_366 = tpu.vector_load %arg8[%swap3A_365] {strides = array<i32>} : memref<1024xi32, #tpu.memory_space<vmem>>, vector<16xi32>,
    %swap3A_367 = vector.shape_cast %swap3A_366 : vector<16xi32> to vector<16xi32>
    %swap3A_368 = vector.shape_cast %broadcast_in_dim3A_13 : vector<16xi32> to vector<16xi32>
    tpu.vector_store %arg8[%swap3A_365], %swap3A_368 {strides = array<i32>} : memref<1024xi32, #tpu.memory_space<vmem>>, vector<16xi32>,
    %swap3A_369 = arith.constant 400 : index
    %swap3A_370 = tpu.vector_load %arg8[%swap3A_369] {strides = array<i32>} : memref<1024xi32, #tpu.memory_space<vmem>>, vector<16xi32>,
    %swap3A_371 = vector.shape_cast %swap3A_370 : vector<16xi32> to vector<16xi32>
    %swap3A_372 = vector.shape_cast %broadcast_in_dim3A_13 : vector<16xi32> to vector<16xi32>
    tpu.vector_store %arg8[%swap3A_369], %swap3A_372 {strides = array<i32>} : memref<1024xi32, #tpu.memory_space<vmem>>, vector<16xi32>,
    %swap3A_373 = arith.constant 416 : index
    %swap3A_374 = tpu.vector_load %arg8[%swap3A_373] {strides = array<i32>} : memref<1024xi32, #tpu.memory_space<vmem>>, vector<16xi32>,
    %swap3A_375 = vector.shape_cast %swap3A_374 : vector<16xi32> to vector<16xi32>
    %swap3A_376 = vector.shape_cast %broadcast_in_dim3A_13 : vector<16xi32> to vector<16xi32>
    tpu.vector_store %arg8[%swap3A_373], %swap3A_376 {strides = array<i32>} : memref<1024xi32, #tpu.memory_space<vmem>>, vector<16xi32>,
    %swap3A_377 = arith.constant 432 : index
    %swap3A_378 = tpu.vector_load %arg8[%swap3A_377] {strides = array<i32>} : memref<1024xi32, #tpu.memory_space<vmem>>, vector<16xi32>,
    %swap3A_379 = vector.shape_cast %swap3A_378 : vector<16xi32> to vector<16xi32>
    %swap3A_380 = vector.shape_cast %broadcast_in_dim3A_13 : vector<16xi32> to vector<16xi32>
    tpu.vector_store %arg8[%swap3A_377], %swap3A_380 {strides = array<i32>} : memref<1024xi32, #tpu.memory_space<vmem>>, vector<16xi32>,
    %swap3A_381 = arith.constant 448 : index
    %swap3A_382 = tpu.vector_load %arg8[%swap3A_381] {strides = array<i32>} : memref<1024xi32, #tpu.memory_space<vmem>>, vector<16xi32>,
    %swap3A_383 = vector.shape_cast %swap3A_382 : vector<16xi32> to vector<16xi32>
    %swap3A_384 = vector.shape_cast %broadcast_in_dim3A_13 : vector<16xi32> to vector<16xi32>
    tpu.vector_store %arg8[%swap3A_381], %swap3A_384 {strides = array<i32>} : memref<1024xi32, #tpu.memory_space<vmem>>, vector<16xi32>,
    %swap3A_385 = arith.constant 464 : index
    %swap3A_386 = tpu.vector_load %arg8[%swap3A_385] {strides = array<i32>} : memref<1024xi32, #tpu.memory_space<vmem>>, vector<16xi32>,
    %swap3A_387 = vector.shape_cast %swap3A_386 : vector<16xi32> to vector<16xi32>
    %swap3A_388 = vector.shape_cast %broadcast_in_dim3A_13 : vector<16xi32> to vector<16xi32>
    tpu.vector_store %arg8[%swap3A_385], %swap3A_388 {strides = array<i32>} : memref<1024xi32, #tpu.memory_space<vmem>>, vector<16xi32>,
    %swap3A_389 = arith.constant 480 : index
    %swap3A_390 = tpu.vector_load %arg8[%swap3A_389] {strides = array<i32>} : memref<1024xi32, #tpu.memory_space<vmem>>, vector<16xi32>,
    %swap3A_391 = vector.shape_cast %swap3A_390 : vector<16xi32> to vector<16xi32>
    %swap3A_392 = vector.shape_cast %broadcast_in_dim3A_13 : vector<16xi32> to vector<16xi32>
    tpu.vector_store %arg8[%swap3A_389], %swap3A_392 {strides = array<i32>} : memref<1024xi32, #tpu.memory_space<vmem>>, vector<16xi32>,
    %swap3A_393 = arith.constant 496 : index
    %swap3A_394 = tpu.vector_load %arg8[%swap3A_393] {strides = array<i32>} : memref<1024xi32, #tpu.memory_space<vmem>>, vector<16xi32>,
    %swap3A_395 = vector.shape_cast %swap3A_394 : vector<16xi32> to vector<16xi32>
    %swap3A_396 = vector.shape_cast %broadcast_in_dim3A_13 : vector<16xi32> to vector<16xi32>
    tpu.vector_store %arg8[%swap3A_393], %swap3A_396 {strides = array<i32>} : memref<1024xi32, #tpu.memory_space<vmem>>, vector<16xi32>,
    %swap3A_397 = arith.constant 512 : index
    %swap3A_398 = tpu.vector_load %arg8[%swap3A_397] {strides = array<i32>} : memref<1024xi32, #tpu.memory_space<vmem>>, vector<16xi32>,
    %swap3A_399 = vector.shape_cast %swap3A_398 : vector<16xi32> to vector<16xi32>
    %swap3A_400 = vector.shape_cast %broadcast_in_dim3A_13 : vector<16xi32> to vector<16xi32>
    tpu.vector_store %arg8[%swap3A_397], %swap3A_400 {strides = array<i32>} : memref<1024xi32, #tpu.memory_space<vmem>>, vector<16xi32>,
    %swap3A_401 = arith.constant 528 : index
    %swap3A_402 = tpu.vector_load %arg8[%swap3A_401] {strides = array<i32>} : memref<1024xi32, #tpu.memory_space<vmem>>, vector<16xi32>,
    %swap3A_403 = vector.shape_cast %swap3A_402 : vector<16xi32> to vector<16xi32>
    %swap3A_404 = vector.shape_cast %broadcast_in_dim3A_13 : vector<16xi32> to vector<16xi32>
    tpu.vector_store %arg8[%swap3A_401], %swap3A_404 {strides = array<i32>} : memref<1024xi32, #tpu.memory_space<vmem>>, vector<16xi32>,
    %swap3A_405 = arith.constant 544 : index
    %swap3A_406 = tpu.vector_load %arg8[%swap3A_405] {strides = array<i32>} : memref<1024xi32, #tpu.memory_space<vmem>>, vector<16xi32>,
    %swap3A_407 = vector.shape_cast %swap3A_406 : vector<16xi32> to vector<16xi32>
    %swap3A_408 = vector.shape_cast %broadcast_in_dim3A_13 : vector<16xi32> to vector<16xi32>
    tpu.vector_store %arg8[%swap3A_405], %swap3A_408 {strides = array<i32>} : memref<1024xi32, #tpu.memory_space<vmem>>, vector<16xi32>,
    %swap3A_409 = arith.constant 560 : index
    %swap3A_410 = tpu.vector_load %arg8[%swap3A_409] {strides = array<i32>} : memref<1024xi32, #tpu.memory_space<vmem>>, vector<16xi32>,
    %swap3A_411 = vector.shape_cast %swap3A_410 : vector<16xi32> to vector<16xi32>
    %swap3A_412 = vector.shape_cast %broadcast_in_dim3A_13 : vector<16xi32> to vector<16xi32>
    tpu.vector_store %arg8[%swap3A_409], %swap3A_412 {strides = array<i32>} : memref<1024xi32, #tpu.memory_space<vmem>>, vector<16xi32>,
    %swap3A_413 = arith.constant 576 : index
    %swap3A_414 = tpu.vector_load %arg8[%swap3A_413] {strides = array<i32>} : memref<1024xi32, #tpu.memory_space<vmem>>, vector<16xi32>,
    %swap3A_415 = vector.shape_cast %swap3A_414 : vector<16xi32> to vector<16xi32>
    %swap3A_416 = vector.shape_cast %broadcast_in_dim3A_13 : vector<16xi32> to vector<16xi32>
    tpu.vector_store %arg8[%swap3A_413], %swap3A_416 {strides = array<i32>} : memref<1024xi32, #tpu.memory_space<vmem>>, vector<16xi32>,
    %swap3A_417 = arith.constant 592 : index
    %swap3A_418 = tpu.vector_load %arg8[%swap3A_417] {strides = array<i32>} : memref<1024xi32, #tpu.memory_space<vmem>>, vector<16xi32>,
    %swap3A_419 = vector.shape_cast %swap3A_418 : vector<16xi32> to vector<16xi32>
    %swap3A_420 = vector.shape_cast %broadcast_in_dim3A_13 : vector<16xi32> to vector<16xi32>
    tpu.vector_store %arg8[%swap3A_417], %swap3A_420 {strides = array<i32>} : memref<1024xi32, #tpu.memory_space<vmem>>, vector<16xi32>,
    %swap3A_421 = arith.constant 608 : index
    %swap3A_422 = tpu.vector_load %arg8[%swap3A_421] {strides = array<i32>} : memref<1024xi32, #tpu.memory_space<vmem>>, vector<16xi32>,
    %swap3A_423 = vector.shape_cast %swap3A_422 : vector<16xi32> to vector<16xi32>
    %swap3A_424 = vector.shape_cast %broadcast_in_dim3A_13 : vector<16xi32> to vector<16xi32>
    tpu.vector_store %arg8[%swap3A_421], %swap3A_424 {strides = array<i32>} : memref<1024xi32, #tpu.memory_space<vmem>>, vector<16xi32>,
    %swap3A_425 = arith.constant 624 : index
    %swap3A_426 = tpu.vector_load %arg8[%swap3A_425] {strides = array<i32>} : memref<1024xi32, #tpu.memory_space<vmem>>, vector<16xi32>,
    %swap3A_427 = vector.shape_cast %swap3A_426 : vector<16xi32> to vector<16xi32>
    %swap3A_428 = vector.shape_cast %broadcast_in_dim3A_13 : vector<16xi32> to vector<16xi32>
    tpu.vector_store %arg8[%swap3A_425], %swap3A_428 {strides = array<i32>} : memref<1024xi32, #tpu.memory_space<vmem>>, vector<16xi32>,
    %swap3A_429 = arith.constant 640 : index
    %swap3A_430 = tpu.vector_load %arg8[%swap3A_429] {strides = array<i32>} : memref<1024xi32, #tpu.memory_space<vmem>>, vector<16xi32>,
    %swap3A_431 = vector.shape_cast %swap3A_430 : vector<16xi32> to vector<16xi32>
    %swap3A_432 = vector.shape_cast %broadcast_in_dim3A_13 : vector<16xi32> to vector<16xi32>
    tpu.vector_store %arg8[%swap3A_429], %swap3A_432 {strides = array<i32>} : memref<1024xi32, #tpu.memory_space<vmem>>, vector<16xi32>,
    %swap3A_433 = arith.constant 656 : index
    %swap3A_434 = tpu.vector_load %arg8[%swap3A_433] {strides = array<i32>} : memref<1024xi32, #tpu.memory_space<vmem>>, vector<16xi32>,
    %swap3A_435 = vector.shape_cast %swap3A_434 : vector<16xi32> to vector<16xi32>
    %swap3A_436 = vector.shape_cast %broadcast_in_dim3A_13 : vector<16xi32> to vector<16xi32>
    tpu.vector_store %arg8[%swap3A_433], %swap3A_436 {strides = array<i32>} : memref<1024xi32, #tpu.memory_space<vmem>>, vector<16xi32>,
    %swap3A_437 = arith.constant 672 : index
    %swap3A_438 = tpu.vector_load %arg8[%swap3A_437] {strides = array<i32>} : memref<1024xi32, #tpu.memory_space<vmem>>, vector<16xi32>,
    %swap3A_439 = vector.shape_cast %swap3A_438 : vector<16xi32> to vector<16xi32>
    %swap3A_440 = vector.shape_cast %broadcast_in_dim3A_13 : vector<16xi32> to vector<16xi32>
    tpu.vector_store %arg8[%swap3A_437], %swap3A_440 {strides = array<i32>} : memref<1024xi32, #tpu.memory_space<vmem>>, vector<16xi32>,
    %swap3A_441 = arith.constant 688 : index
    %swap3A_442 = tpu.vector_load %arg8[%swap3A_441] {strides = array<i32>} : memref<1024xi32, #tpu.memory_space<vmem>>, vector<16xi32>,
    %swap3A_443 = vector.shape_cast %swap3A_442 : vector<16xi32> to vector<16xi32>
    %swap3A_444 = vector.shape_cast %broadcast_in_dim3A_13 : vector<16xi32> to vector<16xi32>
    tpu.vector_store %arg8[%swap3A_441], %swap3A_444 {strides = array<i32>} : memref<1024xi32, #tpu.memory_space<vmem>>, vector<16xi32>,
    %swap3A_445 = arith.constant 704 : index
    %swap3A_446 = tpu.vector_load %arg8[%swap3A_445] {strides = array<i32>} : memref<1024xi32, #tpu.memory_space<vmem>>, vector<16xi32>,
    %swap3A_447 = vector.shape_cast %swap3A_446 : vector<16xi32> to vector<16xi32>
    %swap3A_448 = vector.shape_cast %broadcast_in_dim3A_13 : vector<16xi32> to vector<16xi32>
    tpu.vector_store %arg8[%swap3A_445], %swap3A_448 {strides = array<i32>} : memref<1024xi32, #tpu.memory_space<vmem>>, vector<16xi32>,
    %swap3A_449 = arith.constant 720 : index
    %swap3A_450 = tpu.vector_load %arg8[%swap3A_449] {strides = array<i32>} : memref<1024xi32, #tpu.memory_space<vmem>>, vector<16xi32>,
    %swap3A_451 = vector.shape_cast %swap3A_450 : vector<16xi32> to vector<16xi32>
    %swap3A_452 = vector.shape_cast %broadcast_in_dim3A_13 : vector<16xi32> to vector<16xi32>
    tpu.vector_store %arg8[%swap3A_449], %swap3A_452 {strides = array<i32>} : memref<1024xi32, #tpu.memory_space<vmem>>, vector<16xi32>,
    %swap3A_453 = arith.constant 736 : index
    %swap3A_454 = tpu.vector_load %arg8[%swap3A_453] {strides = array<i32>} : memref<1024xi32, #tpu.memory_space<vmem>>, vector<16xi32>,
    %swap3A_455 = vector.shape_cast %swap3A_454 : vector<16xi32> to vector<16xi32>
    %swap3A_456 = vector.shape_cast %broadcast_in_dim3A_13 : vector<16xi32> to vector<16xi32>
    tpu.vector_store %arg8[%swap3A_453], %swap3A_456 {strides = array<i32>} : memref<1024xi32, #tpu.memory_space<vmem>>, vector<16xi32>,
    %swap3A_457 = arith.constant 752 : index
    %swap3A_458 = tpu.vector_load %arg8[%swap3A_457] {strides = array<i32>} : memref<1024xi32, #tpu.memory_space<vmem>>, vector<16xi32>,
    %swap3A_459 = vector.shape_cast %swap3A_458 : vector<16xi32> to vector<16xi32>
    %swap3A_460 = vector.shape_cast %broadcast_in_dim3A_13 : vector<16xi32> to vector<16xi32>
    tpu.vector_store %arg8[%swap3A_457], %swap3A_460 {strides = array<i32>} : memref<1024xi32, #tpu.memory_space<vmem>>, vector<16xi32>,
    %swap3A_461 = arith.constant 768 : index
    %swap3A_462 = tpu.vector_load %arg8[%swap3A_461] {strides = array<i32>} : memref<1024xi32, #tpu.memory_space<vmem>>, vector<16xi32>,
    %swap3A_463 = vector.shape_cast %swap3A_462 : vector<16xi32> to vector<16xi32>
    %swap3A_464 = vector.shape_cast %broadcast_in_dim3A_13 : vector<16xi32> to vector<16xi32>
    tpu.vector_store %arg8[%swap3A_461], %swap3A_464 {strides = array<i32>} : memref<1024xi32, #tpu.memory_space<vmem>>, vector<16xi32>,
    %swap3A_465 = arith.constant 784 : index
    %swap3A_466 = tpu.vector_load %arg8[%swap3A_465] {strides = array<i32>} : memref<1024xi32, #tpu.memory_space<vmem>>, vector<16xi32>,
    %swap3A_467 = vector.shape_cast %swap3A_466 : vector<16xi32> to vector<16xi32>
    %swap3A_468 = vector.shape_cast %broadcast_in_dim3A_13 : vector<16xi32> to vector<16xi32>
    tpu.vector_store %arg8[%swap3A_465], %swap3A_468 {strides = array<i32>} : memref<1024xi32, #tpu.memory_space<vmem>>, vector<16xi32>,
    %swap3A_469 = arith.constant 800 : index
    %swap3A_470 = tpu.vector_load %arg8[%swap3A_469] {strides = array<i32>} : memref<1024xi32, #tpu.memory_space<vmem>>, vector<16xi32>,
    %swap3A_471 = vector.shape_cast %swap3A_470 : vector<16xi32> to vector<16xi32>
    %swap3A_472 = vector.shape_cast %broadcast_in_dim3A_13 : vector<16xi32> to vector<16xi32>
    tpu.vector_store %arg8[%swap3A_469], %swap3A_472 {strides = array<i32>} : memref<1024xi32, #tpu.memory_space<vmem>>, vector<16xi32>,
    %swap3A_473 = arith.constant 816 : index
    %swap3A_474 = tpu.vector_load %arg8[%swap3A_473] {strides = array<i32>} : memref<1024xi32, #tpu.memory_space<vmem>>, vector<16xi32>,
    %swap3A_475 = vector.shape_cast %swap3A_474 : vector<16xi32> to vector<16xi32>
    %swap3A_476 = vector.shape_cast %broadcast_in_dim3A_13 : vector<16xi32> to vector<16xi32>
    tpu.vector_store %arg8[%swap3A_473], %swap3A_476 {strides = array<i32>} : memref<1024xi32, #tpu.memory_space<vmem>>, vector<16xi32>,
    %swap3A_477 = arith.constant 832 : index
    %swap3A_478 = tpu.vector_load %arg8[%swap3A_477] {strides = array<i32>} : memref<1024xi32, #tpu.memory_space<vmem>>, vector<16xi32>,
    %swap3A_479 = vector.shape_cast %swap3A_478 : vector<16xi32> to vector<16xi32>
    %swap3A_480 = vector.shape_cast %broadcast_in_dim3A_13 : vector<16xi32> to vector<16xi32>
    tpu.vector_store %arg8[%swap3A_477], %swap3A_480 {strides = array<i32>} : memref<1024xi32, #tpu.memory_space<vmem>>, vector<16xi32>,
    %swap3A_481 = arith.constant 848 : index
    %swap3A_482 = tpu.vector_load %arg8[%swap3A_481] {strides = array<i32>} : memref<1024xi32, #tpu.memory_space<vmem>>, vector<16xi32>,
    %swap3A_483 = vector.shape_cast %swap3A_482 : vector<16xi32> to vector<16xi32>
    %swap3A_484 = vector.shape_cast %broadcast_in_dim3A_13 : vector<16xi32> to vector<16xi32>
    tpu.vector_store %arg8[%swap3A_481], %swap3A_484 {strides = array<i32>} : memref<1024xi32, #tpu.memory_space<vmem>>, vector<16xi32>,
    %swap3A_485 = arith.constant 864 : index
    %swap3A_486 = tpu.vector_load %arg8[%swap3A_485] {strides = array<i32>} : memref<1024xi32, #tpu.memory_space<vmem>>, vector<16xi32>,
    %swap3A_487 = vector.shape_cast %swap3A_486 : vector<16xi32> to vector<16xi32>
    %swap3A_488 = vector.shape_cast %broadcast_in_dim3A_13 : vector<16xi32> to vector<16xi32>
    tpu.vector_store %arg8[%swap3A_485], %swap3A_488 {strides = array<i32>} : memref<1024xi32, #tpu.memory_space<vmem>>, vector<16xi32>,
    %swap3A_489 = arith.constant 880 : index
    %swap3A_490 = tpu.vector_load %arg8[%swap3A_489] {strides = array<i32>} : memref<1024xi32, #tpu.memory_space<vmem>>, vector<16xi32>,
    %swap3A_491 = vector.shape_cast %swap3A_490 : vector<16xi32> to vector<16xi32>
    %swap3A_492 = vector.shape_cast %broadcast_in_dim3A_13 : vector<16xi32> to vector<16xi32>
    tpu.vector_store %arg8[%swap3A_489], %swap3A_492 {strides = array<i32>} : memref<1024xi32, #tpu.memory_space<vmem>>, vector<16xi32>,
    %swap3A_493 = arith.constant 896 : index
    %swap3A_494 = tpu.vector_load %arg8[%swap3A_493] {strides = array<i32>} : memref<1024xi32, #tpu.memory_space<vmem>>, vector<16xi32>,
    %swap3A_495 = vector.shape_cast %swap3A_494 : vector<16xi32> to vector<16xi32>
    %swap3A_496 = vector.shape_cast %broadcast_in_dim3A_13 : vector<16xi32> to vector<16xi32>
    tpu.vector_store %arg8[%swap3A_493], %swap3A_496 {strides = array<i32>} : memref<1024xi32, #tpu.memory_space<vmem>>, vector<16xi32>,
    %swap3A_497 = arith.constant 912 : index
    %swap3A_498 = tpu.vector_load %arg8[%swap3A_497] {strides = array<i32>} : memref<1024xi32, #tpu.memory_space<vmem>>, vector<16xi32>,
    %swap3A_499 = vector.shape_cast %swap3A_498 : vector<16xi32> to vector<16xi32>
    %swap3A_500 = vector.shape_cast %broadcast_in_dim3A_13 : vector<16xi32> to vector<16xi32>
    tpu.vector_store %arg8[%swap3A_497], %swap3A_500 {strides = array<i32>} : memref<1024xi32, #tpu.memory_space<vmem>>, vector<16xi32>,
    %swap3A_501 = arith.constant 928 : index
    %swap3A_502 = tpu.vector_load %arg8[%swap3A_501] {strides = array<i32>} : memref<1024xi32, #tpu.memory_space<vmem>>, vector<16xi32>,
    %swap3A_503 = vector.shape_cast %swap3A_502 : vector<16xi32> to vector<16xi32>
    %swap3A_504 = vector.shape_cast %broadcast_in_dim3A_13 : vector<16xi32> to vector<16xi32>
    tpu.vector_store %arg8[%swap3A_501], %swap3A_504 {strides = array<i32>} : memref<1024xi32, #tpu.memory_space<vmem>>, vector<16xi32>,
    %swap3A_505 = arith.constant 944 : index
    %swap3A_506 = tpu.vector_load %arg8[%swap3A_505] {strides = array<i32>} : memref<1024xi32, #tpu.memory_space<vmem>>, vector<16xi32>,
    %swap3A_507 = vector.shape_cast %swap3A_506 : vector<16xi32> to vector<16xi32>
    %swap3A_508 = vector.shape_cast %broadcast_in_dim3A_13 : vector<16xi32> to vector<16xi32>
    tpu.vector_store %arg8[%swap3A_505], %swap3A_508 {strides = array<i32>} : memref<1024xi32, #tpu.memory_space<vmem>>, vector<16xi32>,
    %swap3A_509 = arith.constant 960 : index
    %swap3A_510 = tpu.vector_load %arg8[%swap3A_509] {strides = array<i32>} : memref<1024xi32, #tpu.memory_space<vmem>>, vector<16xi32>,
    %swap3A_511 = vector.shape_cast %swap3A_510 : vector<16xi32> to vector<16xi32>
    %swap3A_512 = vector.shape_cast %broadcast_in_dim3A_13 : vector<16xi32> to vector<16xi32>
    tpu.vector_store %arg8[%swap3A_509], %swap3A_512 {strides = array<i32>} : memref<1024xi32, #tpu.memory_space<vmem>>, vector<16xi32>,
    %swap3A_513 = arith.constant 976 : index
    %swap3A_514 = tpu.vector_load %arg8[%swap3A_513] {strides = array<i32>} : memref<1024xi32, #tpu.memory_space<vmem>>, vector<16xi32>,
    %swap3A_515 = vector.shape_cast %swap3A_514 : vector<16xi32> to vector<16xi32>
    %swap3A_516 = vector.shape_cast %broadcast_in_dim3A_13 : vector<16xi32> to vector<16xi32>
    tpu.vector_store %arg8[%swap3A_513], %swap3A_516 {strides = array<i32>} : memref<1024xi32, #tpu.memory_space<vmem>>, vector<16xi32>,
    %swap3A_517 = arith.constant 992 : index
    %swap3A_518 = tpu.vector_load %arg8[%swap3A_517] {strides = array<i32>} : memref<1024xi32, #tpu.memory_space<vmem>>, vector<16xi32>,
    %swap3A_519 = vector.shape_cast %swap3A_518 : vector<16xi32> to vector<16xi32>
    %swap3A_520 = vector.shape_cast %broadcast_in_dim3A_13 : vector<16xi32> to vector<16xi32>
    tpu.vector_store %arg8[%swap3A_517], %swap3A_520 {strides = array<i32>} : memref<1024xi32, #tpu.memory_space<vmem>>, vector<16xi32>,
    %swap3A_521 = arith.constant 1008 : index
    %swap3A_522 = tpu.vector_load %arg8[%swap3A_521] {strides = array<i32>} : memref<1024xi32, #tpu.memory_space<vmem>>, vector<16xi32>,
    %swap3A_523 = vector.shape_cast %swap3A_522 : vector<16xi32> to vector<16xi32>
    %swap3A_524 = vector.shape_cast %broadcast_in_dim3A_13 : vector<16xi32> to vector<16xi32>
    tpu.vector_store %arg8[%swap3A_521], %swap3A_524 {strides = array<i32>} : memref<1024xi32, #tpu.memory_space<vmem>>, vector<16xi32>,
    %swap3A_525 = arith.constant 0 : index
    %swap3A_526 = tpu.vector_load %arg10[%swap3A_525] {strides = array<i32>} : memref<1024xi32, #tpu.memory_space<vmem>>, vector<16xi32>,
    %swap3A_527 = vector.shape_cast %swap3A_526 : vector<16xi32> to vector<16xi32>
    %swap3A_528 = vector.shape_cast %broadcast_in_dim3A_13 : vector<16xi32> to vector<16xi32>
    tpu.vector_store %arg10[%swap3A_525], %swap3A_528 {strides = array<i32>} : memref<1024xi32, #tpu.memory_space<vmem>>, vector<16xi32>,
    %swap3A_529 = arith.constant 16 : index
    %swap3A_530 = tpu.vector_load %arg10[%swap3A_529] {strides = array<i32>} : memref<1024xi32, #tpu.memory_space<vmem>>, vector<16xi32>,
    %swap3A_531 = vector.shape_cast %swap3A_530 : vector<16xi32> to vector<16xi32>
    %swap3A_532 = vector.shape_cast %broadcast_in_dim3A_13 : vector<16xi32> to vector<16xi32>
    tpu.vector_store %arg10[%swap3A_529], %swap3A_532 {strides = array<i32>} : memref<1024xi32, #tpu.memory_space<vmem>>, vector<16xi32>,
    %swap3A_533 = arith.constant 32 : index
    %swap3A_534 = tpu.vector_load %arg10[%swap3A_533] {strides = array<i32>} : memref<1024xi32, #tpu.memory_space<vmem>>, vector<16xi32>,
    %swap3A_535 = vector.shape_cast %swap3A_534 : vector<16xi32> to vector<16xi32>
    %swap3A_536 = vector.shape_cast %broadcast_in_dim3A_13 : vector<16xi32> to vector<16xi32>
    tpu.vector_store %arg10[%swap3A_533], %swap3A_536 {strides = array<i32>} : memref<1024xi32, #tpu.memory_space<vmem>>, vector<16xi32>,
    %swap3A_537 = arith.constant 48 : index
    %swap3A_538 = tpu.vector_load %arg10[%swap3A_537] {strides = array<i32>} : memref<1024xi32, #tpu.memory_space<vmem>>, vector<16xi32>,
    %swap3A_539 = vector.shape_cast %swap3A_538 : vector<16xi32> to vector<16xi32>
    %swap3A_540 = vector.shape_cast %broadcast_in_dim3A_13 : vector<16xi32> to vector<16xi32>
    tpu.vector_store %arg10[%swap3A_537], %swap3A_540 {strides = array<i32>} : memref<1024xi32, #tpu.memory_space<vmem>>, vector<16xi32>,
    %swap3A_541 = arith.constant 64 : index
    %swap3A_542 = tpu.vector_load %arg10[%swap3A_541] {strides = array<i32>} : memref<1024xi32, #tpu.memory_space<vmem>>, vector<16xi32>,
    %swap3A_543 = vector.shape_cast %swap3A_542 : vector<16xi32> to vector<16xi32>
    %swap3A_544 = vector.shape_cast %broadcast_in_dim3A_13 : vector<16xi32> to vector<16xi32>
    tpu.vector_store %arg10[%swap3A_541], %swap3A_544 {strides = array<i32>} : memref<1024xi32, #tpu.memory_space<vmem>>, vector<16xi32>,
    %swap3A_545 = arith.constant 80 : index
    %swap3A_546 = tpu.vector_load %arg10[%swap3A_545] {strides = array<i32>} : memref<1024xi32, #tpu.memory_space<vmem>>, vector<16xi32>,
    %swap3A_547 = vector.shape_cast %swap3A_546 : vector<16xi32> to vector<16xi32>
    %swap3A_548 = vector.shape_cast %broadcast_in_dim3A_13 : vector<16xi32> to vector<16xi32>
    tpu.vector_store %arg10[%swap3A_545], %swap3A_548 {strides = array<i32>} : memref<1024xi32, #tpu.memory_space<vmem>>, vector<16xi32>,
    %swap3A_549 = arith.constant 96 : index
    %swap3A_550 = tpu.vector_load %arg10[%swap3A_549] {strides = array<i32>} : memref<1024xi32, #tpu.memory_space<vmem>>, vector<16xi32>,
    %swap3A_551 = vector.shape_cast %swap3A_550 : vector<16xi32> to vector<16xi32>
    %swap3A_552 = vector.shape_cast %broadcast_in_dim3A_13 : vector<16xi32> to vector<16xi32>
    tpu.vector_store %arg10[%swap3A_549], %swap3A_552 {strides = array<i32>} : memref<1024xi32, #tpu.memory_space<vmem>>, vector<16xi32>,
    %swap3A_553 = arith.constant 112 : index
    %swap3A_554 = tpu.vector_load %arg10[%swap3A_553] {strides = array<i32>} : memref<1024xi32, #tpu.memory_space<vmem>>, vector<16xi32>,
    %swap3A_555 = vector.shape_cast %swap3A_554 : vector<16xi32> to vector<16xi32>
    %swap3A_556 = vector.shape_cast %broadcast_in_dim3A_13 : vector<16xi32> to vector<16xi32>
    tpu.vector_store %arg10[%swap3A_553], %swap3A_556 {strides = array<i32>} : memref<1024xi32, #tpu.memory_space<vmem>>, vector<16xi32>,
    %swap3A_557 = arith.constant 128 : index
    %swap3A_558 = tpu.vector_load %arg10[%swap3A_557] {strides = array<i32>} : memref<1024xi32, #tpu.memory_space<vmem>>, vector<16xi32>,
    %swap3A_559 = vector.shape_cast %swap3A_558 : vector<16xi32> to vector<16xi32>
    %swap3A_560 = vector.shape_cast %broadcast_in_dim3A_13 : vector<16xi32> to vector<16xi32>
    tpu.vector_store %arg10[%swap3A_557], %swap3A_560 {strides = array<i32>} : memref<1024xi32, #tpu.memory_space<vmem>>, vector<16xi32>,
    %swap3A_561 = arith.constant 144 : index
    %swap3A_562 = tpu.vector_load %arg10[%swap3A_561] {strides = array<i32>} : memref<1024xi32, #tpu.memory_space<vmem>>, vector<16xi32>,
    %swap3A_563 = vector.shape_cast %swap3A_562 : vector<16xi32> to vector<16xi32>
    %swap3A_564 = vector.shape_cast %broadcast_in_dim3A_13 : vector<16xi32> to vector<16xi32>
    tpu.vector_store %arg10[%swap3A_561], %swap3A_564 {strides = array<i32>} : memref<1024xi32, #tpu.memory_space<vmem>>, vector<16xi32>,
    %swap3A_565 = arith.constant 160 : index
    %swap3A_566 = tpu.vector_load %arg10[%swap3A_565] {strides = array<i32>} : memref<1024xi32, #tpu.memory_space<vmem>>, vector<16xi32>,
    %swap3A_567 = vector.shape_cast %swap3A_566 : vector<16xi32> to vector<16xi32>
    %swap3A_568 = vector.shape_cast %broadcast_in_dim3A_13 : vector<16xi32> to vector<16xi32>
    tpu.vector_store %arg10[%swap3A_565], %swap3A_568 {strides = array<i32>} : memref<1024xi32, #tpu.memory_space<vmem>>, vector<16xi32>,
    %swap3A_569 = arith.constant 176 : index
    %swap3A_570 = tpu.vector_load %arg10[%swap3A_569] {strides = array<i32>} : memref<1024xi32, #tpu.memory_space<vmem>>, vector<16xi32>,
    %swap3A_571 = vector.shape_cast %swap3A_570 : vector<16xi32> to vector<16xi32>
    %swap3A_572 = vector.shape_cast %broadcast_in_dim3A_13 : vector<16xi32> to vector<16xi32>
    tpu.vector_store %arg10[%swap3A_569], %swap3A_572 {strides = array<i32>} : memref<1024xi32, #tpu.memory_space<vmem>>, vector<16xi32>,
    %swap3A_573 = arith.constant 192 : index
    %swap3A_574 = tpu.vector_load %arg10[%swap3A_573] {strides = array<i32>} : memref<1024xi32, #tpu.memory_space<vmem>>, vector<16xi32>,
    %swap3A_575 = vector.shape_cast %swap3A_574 : vector<16xi32> to vector<16xi32>
    %swap3A_576 = vector.shape_cast %broadcast_in_dim3A_13 : vector<16xi32> to vector<16xi32>
    tpu.vector_store %arg10[%swap3A_573], %swap3A_576 {strides = array<i32>} : memref<1024xi32, #tpu.memory_space<vmem>>, vector<16xi32>,
    %swap3A_577 = arith.constant 208 : index
    %swap3A_578 = tpu.vector_load %arg10[%swap3A_577] {strides = array<i32>} : memref<1024xi32, #tpu.memory_space<vmem>>, vector<16xi32>,
    %swap3A_579 = vector.shape_cast %swap3A_578 : vector<16xi32> to vector<16xi32>
    %swap3A_580 = vector.shape_cast %broadcast_in_dim3A_13 : vector<16xi32> to vector<16xi32>
    tpu.vector_store %arg10[%swap3A_577], %swap3A_580 {strides = array<i32>} : memref<1024xi32, #tpu.memory_space<vmem>>, vector<16xi32>,
    %swap3A_581 = arith.constant 224 : index
    %swap3A_582 = tpu.vector_load %arg10[%swap3A_581] {strides = array<i32>} : memref<1024xi32, #tpu.memory_space<vmem>>, vector<16xi32>,
    %swap3A_583 = vector.shape_cast %swap3A_582 : vector<16xi32> to vector<16xi32>
    %swap3A_584 = vector.shape_cast %broadcast_in_dim3A_13 : vector<16xi32> to vector<16xi32>
    tpu.vector_store %arg10[%swap3A_581], %swap3A_584 {strides = array<i32>} : memref<1024xi32, #tpu.memory_space<vmem>>, vector<16xi32>,
    %swap3A_585 = arith.constant 240 : index
    %swap3A_586 = tpu.vector_load %arg10[%swap3A_585] {strides = array<i32>} : memref<1024xi32, #tpu.memory_space<vmem>>, vector<16xi32>,
    %swap3A_587 = vector.shape_cast %swap3A_586 : vector<16xi32> to vector<16xi32>
    %swap3A_588 = vector.shape_cast %broadcast_in_dim3A_13 : vector<16xi32> to vector<16xi32>
    tpu.vector_store %arg10[%swap3A_585], %swap3A_588 {strides = array<i32>} : memref<1024xi32, #tpu.memory_space<vmem>>, vector<16xi32>,
    %swap3A_589 = arith.constant 256 : index
    %swap3A_590 = tpu.vector_load %arg10[%swap3A_589] {strides = array<i32>} : memref<1024xi32, #tpu.memory_space<vmem>>, vector<16xi32>,
    %swap3A_591 = vector.shape_cast %swap3A_590 : vector<16xi32> to vector<16xi32>
    %swap3A_592 = vector.shape_cast %broadcast_in_dim3A_13 : vector<16xi32> to vector<16xi32>
    tpu.vector_store %arg10[%swap3A_589], %swap3A_592 {strides = array<i32>} : memref<1024xi32, #tpu.memory_space<vmem>>, vector<16xi32>,
    %swap3A_593 = arith.constant 272 : index
    %swap3A_594 = tpu.vector_load %arg10[%swap3A_593] {strides = array<i32>} : memref<1024xi32, #tpu.memory_space<vmem>>, vector<16xi32>,
    %swap3A_595 = vector.shape_cast %swap3A_594 : vector<16xi32> to vector<16xi32>
    %swap3A_596 = vector.shape_cast %broadcast_in_dim3A_13 : vector<16xi32> to vector<16xi32>
    tpu.vector_store %arg10[%swap3A_593], %swap3A_596 {strides = array<i32>} : memref<1024xi32, #tpu.memory_space<vmem>>, vector<16xi32>,
    %swap3A_597 = arith.constant 288 : index
    %swap3A_598 = tpu.vector_load %arg10[%swap3A_597] {strides = array<i32>} : memref<1024xi32, #tpu.memory_space<vmem>>, vector<16xi32>,
    %swap3A_599 = vector.shape_cast %swap3A_598 : vector<16xi32> to vector<16xi32>
    %swap3A_600 = vector.shape_cast %broadcast_in_dim3A_13 : vector<16xi32> to vector<16xi32>
    tpu.vector_store %arg10[%swap3A_597], %swap3A_600 {strides = array<i32>} : memref<1024xi32, #tpu.memory_space<vmem>>, vector<16xi32>,
    %swap3A_601 = arith.constant 304 : index
    %swap3A_602 = tpu.vector_load %arg10[%swap3A_601] {strides = array<i32>} : memref<1024xi32, #tpu.memory_space<vmem>>, vector<16xi32>,
    %swap3A_603 = vector.shape_cast %swap3A_602 : vector<16xi32> to vector<16xi32>
    %swap3A_604 = vector.shape_cast %broadcast_in_dim3A_13 : vector<16xi32> to vector<16xi32>
    tpu.vector_store %arg10[%swap3A_601], %swap3A_604 {strides = array<i32>} : memref<1024xi32, #tpu.memory_space<vmem>>, vector<16xi32>,
    %swap3A_605 = arith.constant 320 : index
    %swap3A_606 = tpu.vector_load %arg10[%swap3A_605] {strides = array<i32>} : memref<1024xi32, #tpu.memory_space<vmem>>, vector<16xi32>,
    %swap3A_607 = vector.shape_cast %swap3A_606 : vector<16xi32> to vector<16xi32>
    %swap3A_608 = vector.shape_cast %broadcast_in_dim3A_13 : vector<16xi32> to vector<16xi32>
    tpu.vector_store %arg10[%swap3A_605], %swap3A_608 {strides = array<i32>} : memref<1024xi32, #tpu.memory_space<vmem>>, vector<16xi32>,
    %swap3A_609 = arith.constant 336 : index
    %swap3A_610 = tpu.vector_load %arg10[%swap3A_609] {strides = array<i32>} : memref<1024xi32, #tpu.memory_space<vmem>>, vector<16xi32>,
    %swap3A_611 = vector.shape_cast %swap3A_610 : vector<16xi32> to vector<16xi32>
    %swap3A_612 = vector.shape_cast %broadcast_in_dim3A_13 : vector<16xi32> to vector<16xi32>
    tpu.vector_store %arg10[%swap3A_609], %swap3A_612 {strides = array<i32>} : memref<1024xi32, #tpu.memory_space<vmem>>, vector<16xi32>,
    %swap3A_613 = arith.constant 352 : index
    %swap3A_614 = tpu.vector_load %arg10[%swap3A_613] {strides = array<i32>} : memref<1024xi32, #tpu.memory_space<vmem>>, vector<16xi32>,
    %swap3A_615 = vector.shape_cast %swap3A_614 : vector<16xi32> to vector<16xi32>
    %swap3A_616 = vector.shape_cast %broadcast_in_dim3A_13 : vector<16xi32> to vector<16xi32>
    tpu.vector_store %arg10[%swap3A_613], %swap3A_616 {strides = array<i32>} : memref<1024xi32, #tpu.memory_space<vmem>>, vector<16xi32>,
    %swap3A_617 = arith.constant 368 : index
    %swap3A_618 = tpu.vector_load %arg10[%swap3A_617] {strides = array<i32>} : memref<1024xi32, #tpu.memory_space<vmem>>, vector<16xi32>,
    %swap3A_619 = vector.shape_cast %swap3A_618 : vector<16xi32> to vector<16xi32>
    %swap3A_620 = vector.shape_cast %broadcast_in_dim3A_13 : vector<16xi32> to vector<16xi32>
    tpu.vector_store %arg10[%swap3A_617], %swap3A_620 {strides = array<i32>} : memref<1024xi32, #tpu.memory_space<vmem>>, vector<16xi32>,
    %swap3A_621 = arith.constant 384 : index
    %swap3A_622 = tpu.vector_load %arg10[%swap3A_621] {strides = array<i32>} : memref<1024xi32, #tpu.memory_space<vmem>>, vector<16xi32>,
    %swap3A_623 = vector.shape_cast %swap3A_622 : vector<16xi32> to vector<16xi32>
    %swap3A_624 = vector.shape_cast %broadcast_in_dim3A_13 : vector<16xi32> to vector<16xi32>
    tpu.vector_store %arg10[%swap3A_621], %swap3A_624 {strides = array<i32>} : memref<1024xi32, #tpu.memory_space<vmem>>, vector<16xi32>,
    %swap3A_625 = arith.constant 400 : index
    %swap3A_626 = tpu.vector_load %arg10[%swap3A_625] {strides = array<i32>} : memref<1024xi32, #tpu.memory_space<vmem>>, vector<16xi32>,
    %swap3A_627 = vector.shape_cast %swap3A_626 : vector<16xi32> to vector<16xi32>
    %swap3A_628 = vector.shape_cast %broadcast_in_dim3A_13 : vector<16xi32> to vector<16xi32>
    tpu.vector_store %arg10[%swap3A_625], %swap3A_628 {strides = array<i32>} : memref<1024xi32, #tpu.memory_space<vmem>>, vector<16xi32>,
    %swap3A_629 = arith.constant 416 : index
    %swap3A_630 = tpu.vector_load %arg10[%swap3A_629] {strides = array<i32>} : memref<1024xi32, #tpu.memory_space<vmem>>, vector<16xi32>,
    %swap3A_631 = vector.shape_cast %swap3A_630 : vector<16xi32> to vector<16xi32>
    %swap3A_632 = vector.shape_cast %broadcast_in_dim3A_13 : vector<16xi32> to vector<16xi32>
    tpu.vector_store %arg10[%swap3A_629], %swap3A_632 {strides = array<i32>} : memref<1024xi32, #tpu.memory_space<vmem>>, vector<16xi32>,
    %swap3A_633 = arith.constant 432 : index
    %swap3A_634 = tpu.vector_load %arg10[%swap3A_633] {strides = array<i32>} : memref<1024xi32, #tpu.memory_space<vmem>>, vector<16xi32>,
    %swap3A_635 = vector.shape_cast %swap3A_634 : vector<16xi32> to vector<16xi32>
    %swap3A_636 = vector.shape_cast %broadcast_in_dim3A_13 : vector<16xi32> to vector<16xi32>
    tpu.vector_store %arg10[%swap3A_633], %swap3A_636 {strides = array<i32>} : memref<1024xi32, #tpu.memory_space<vmem>>, vector<16xi32>,
    %swap3A_637 = arith.constant 448 : index
    %swap3A_638 = tpu.vector_load %arg10[%swap3A_637] {strides = array<i32>} : memref<1024xi32, #tpu.memory_space<vmem>>, vector<16xi32>,
    %swap3A_639 = vector.shape_cast %swap3A_638 : vector<16xi32> to vector<16xi32>
    %swap3A_640 = vector.shape_cast %broadcast_in_dim3A_13 : vector<16xi32> to vector<16xi32>
    tpu.vector_store %arg10[%swap3A_637], %swap3A_640 {strides = array<i32>} : memref<1024xi32, #tpu.memory_space<vmem>>, vector<16xi32>,
    %swap3A_641 = arith.constant 464 : index
    %swap3A_642 = tpu.vector_load %arg10[%swap3A_641] {strides = array<i32>} : memref<1024xi32, #tpu.memory_space<vmem>>, vector<16xi32>,
    %swap3A_643 = vector.shape_cast %swap3A_642 : vector<16xi32> to vector<16xi32>
    %swap3A_644 = vector.shape_cast %broadcast_in_dim3A_13 : vector<16xi32> to vector<16xi32>
    tpu.vector_store %arg10[%swap3A_641], %swap3A_644 {strides = array<i32>} : memref<1024xi32, #tpu.memory_space<vmem>>, vector<16xi32>,
    %swap3A_645 = arith.constant 480 : index
    %swap3A_646 = tpu.vector_load %arg10[%swap3A_645] {strides = array<i32>} : memref<1024xi32, #tpu.memory_space<vmem>>, vector<16xi32>,
    %swap3A_647 = vector.shape_cast %swap3A_646 : vector<16xi32> to vector<16xi32>
    %swap3A_648 = vector.shape_cast %broadcast_in_dim3A_13 : vector<16xi32> to vector<16xi32>
    tpu.vector_store %arg10[%swap3A_645], %swap3A_648 {strides = array<i32>} : memref<1024xi32, #tpu.memory_space<vmem>>, vector<16xi32>,
    %swap3A_649 = arith.constant 496 : index
    %swap3A_650 = tpu.vector_load %arg10[%swap3A_649] {strides = array<i32>} : memref<1024xi32, #tpu.memory_space<vmem>>, vector<16xi32>,
    %swap3A_651 = vector.shape_cast %swap3A_650 : vector<16xi32> to vector<16xi32>
    %swap3A_652 = vector.shape_cast %broadcast_in_dim3A_13 : vector<16xi32> to vector<16xi32>
    tpu.vector_store %arg10[%swap3A_649], %swap3A_652 {strides = array<i32>} : memref<1024xi32, #tpu.memory_space<vmem>>, vector<16xi32>,
    %swap3A_653 = arith.constant 512 : index
    %swap3A_654 = tpu.vector_load %arg10[%swap3A_653] {strides = array<i32>} : memref<1024xi32, #tpu.memory_space<vmem>>, vector<16xi32>,
    %swap3A_655 = vector.shape_cast %swap3A_654 : vector<16xi32> to vector<16xi32>
    %swap3A_656 = vector.shape_cast %broadcast_in_dim3A_13 : vector<16xi32> to vector<16xi32>
    tpu.vector_store %arg10[%swap3A_653], %swap3A_656 {strides = array<i32>} : memref<1024xi32, #tpu.memory_space<vmem>>, vector<16xi32>,
    %swap3A_657 = arith.constant 528 : index
    %swap3A_658 = tpu.vector_load %arg10[%swap3A_657] {strides = array<i32>} : memref<1024xi32, #tpu.memory_space<vmem>>, vector<16xi32>,
    %swap3A_659 = vector.shape_cast %swap3A_658 : vector<16xi32> to vector<16xi32>
    %swap3A_660 = vector.shape_cast %broadcast_in_dim3A_13 : vector<16xi32> to vector<16xi32>
    tpu.vector_store %arg10[%swap3A_657], %swap3A_660 {strides = array<i32>} : memref<1024xi32, #tpu.memory_space<vmem>>, vector<16xi32>,
    %swap3A_661 = arith.constant 544 : index
    %swap3A_662 = tpu.vector_load %arg10[%swap3A_661] {strides = array<i32>} : memref<1024xi32, #tpu.memory_space<vmem>>, vector<16xi32>,
    %swap3A_663 = vector.shape_cast %swap3A_662 : vector<16xi32> to vector<16xi32>
    %swap3A_664 = vector.shape_cast %broadcast_in_dim3A_13 : vector<16xi32> to vector<16xi32>
    tpu.vector_store %arg10[%swap3A_661], %swap3A_664 {strides = array<i32>} : memref<1024xi32, #tpu.memory_space<vmem>>, vector<16xi32>,
    %swap3A_665 = arith.constant 560 : index
    %swap3A_666 = tpu.vector_load %arg10[%swap3A_665] {strides = array<i32>} : memref<1024xi32, #tpu.memory_space<vmem>>, vector<16xi32>,
    %swap3A_667 = vector.shape_cast %swap3A_666 : vector<16xi32> to vector<16xi32>
    %swap3A_668 = vector.shape_cast %broadcast_in_dim3A_13 : vector<16xi32> to vector<16xi32>
    tpu.vector_store %arg10[%swap3A_665], %swap3A_668 {strides = array<i32>} : memref<1024xi32, #tpu.memory_space<vmem>>, vector<16xi32>,
    %swap3A_669 = arith.constant 576 : index
    %swap3A_670 = tpu.vector_load %arg10[%swap3A_669] {strides = array<i32>} : memref<1024xi32, #tpu.memory_space<vmem>>, vector<16xi32>,
    %swap3A_671 = vector.shape_cast %swap3A_670 : vector<16xi32> to vector<16xi32>
    %swap3A_672 = vector.shape_cast %broadcast_in_dim3A_13 : vector<16xi32> to vector<16xi32>
    tpu.vector_store %arg10[%swap3A_669], %swap3A_672 {strides = array<i32>} : memref<1024xi32, #tpu.memory_space<vmem>>, vector<16xi32>,
    %swap3A_673 = arith.constant 592 : index
    %swap3A_674 = tpu.vector_load %arg10[%swap3A_673] {strides = array<i32>} : memref<1024xi32, #tpu.memory_space<vmem>>, vector<16xi32>,
    %swap3A_675 = vector.shape_cast %swap3A_674 : vector<16xi32> to vector<16xi32>
    %swap3A_676 = vector.shape_cast %broadcast_in_dim3A_13 : vector<16xi32> to vector<16xi32>
    tpu.vector_store %arg10[%swap3A_673], %swap3A_676 {strides = array<i32>} : memref<1024xi32, #tpu.memory_space<vmem>>, vector<16xi32>,
    %swap3A_677 = arith.constant 608 : index
    %swap3A_678 = tpu.vector_load %arg10[%swap3A_677] {strides = array<i32>} : memref<1024xi32, #tpu.memory_space<vmem>>, vector<16xi32>,
    %swap3A_679 = vector.shape_cast %swap3A_678 : vector<16xi32> to vector<16xi32>
    %swap3A_680 = vector.shape_cast %broadcast_in_dim3A_13 : vector<16xi32> to vector<16xi32>
    tpu.vector_store %arg10[%swap3A_677], %swap3A_680 {strides = array<i32>} : memref<1024xi32, #tpu.memory_space<vmem>>, vector<16xi32>,
    %swap3A_681 = arith.constant 624 : index
    %swap3A_682 = tpu.vector_load %arg10[%swap3A_681] {strides = array<i32>} : memref<1024xi32, #tpu.memory_space<vmem>>, vector<16xi32>,
    %swap3A_683 = vector.shape_cast %swap3A_682 : vector<16xi32> to vector<16xi32>
    %swap3A_684 = vector.shape_cast %broadcast_in_dim3A_13 : vector<16xi32> to vector<16xi32>
    tpu.vector_store %arg10[%swap3A_681], %swap3A_684 {strides = array<i32>} : memref<1024xi32, #tpu.memory_space<vmem>>, vector<16xi32>,
    %swap3A_685 = arith.constant 640 : index
    %swap3A_686 = tpu.vector_load %arg10[%swap3A_685] {strides = array<i32>} : memref<1024xi32, #tpu.memory_space<vmem>>, vector<16xi32>,
    %swap3A_687 = vector.shape_cast %swap3A_686 : vector<16xi32> to vector<16xi32>
    %swap3A_688 = vector.shape_cast %broadcast_in_dim3A_13 : vector<16xi32> to vector<16xi32>
    tpu.vector_store %arg10[%swap3A_685], %swap3A_688 {strides = array<i32>} : memref<1024xi32, #tpu.memory_space<vmem>>, vector<16xi32>,
    %swap3A_689 = arith.constant 656 : index
    %swap3A_690 = tpu.vector_load %arg10[%swap3A_689] {strides = array<i32>} : memref<1024xi32, #tpu.memory_space<vmem>>, vector<16xi32>,
    %swap3A_691 = vector.shape_cast %swap3A_690 : vector<16xi32> to vector<16xi32>
    %swap3A_692 = vector.shape_cast %broadcast_in_dim3A_13 : vector<16xi32> to vector<16xi32>
    tpu.vector_store %arg10[%swap3A_689], %swap3A_692 {strides = array<i32>} : memref<1024xi32, #tpu.memory_space<vmem>>, vector<16xi32>,
    %swap3A_693 = arith.constant 672 : index
    %swap3A_694 = tpu.vector_load %arg10[%swap3A_693] {strides = array<i32>} : memref<1024xi32, #tpu.memory_space<vmem>>, vector<16xi32>,
    %swap3A_695 = vector.shape_cast %swap3A_694 : vector<16xi32> to vector<16xi32>
    %swap3A_696 = vector.shape_cast %broadcast_in_dim3A_13 : vector<16xi32> to vector<16xi32>
    tpu.vector_store %arg10[%swap3A_693], %swap3A_696 {strides = array<i32>} : memref<1024xi32, #tpu.memory_space<vmem>>, vector<16xi32>,
    %swap3A_697 = arith.constant 688 : index
    %swap3A_698 = tpu.vector_load %arg10[%swap3A_697] {strides = array<i32>} : memref<1024xi32, #tpu.memory_space<vmem>>, vector<16xi32>,
    %swap3A_699 = vector.shape_cast %swap3A_698 : vector<16xi32> to vector<16xi32>
    %swap3A_700 = vector.shape_cast %broadcast_in_dim3A_13 : vector<16xi32> to vector<16xi32>
    tpu.vector_store %arg10[%swap3A_697], %swap3A_700 {strides = array<i32>} : memref<1024xi32, #tpu.memory_space<vmem>>, vector<16xi32>,
    %swap3A_701 = arith.constant 704 : index
    %swap3A_702 = tpu.vector_load %arg10[%swap3A_701] {strides = array<i32>} : memref<1024xi32, #tpu.memory_space<vmem>>, vector<16xi32>,
    %swap3A_703 = vector.shape_cast %swap3A_702 : vector<16xi32> to vector<16xi32>
    %swap3A_704 = vector.shape_cast %broadcast_in_dim3A_13 : vector<16xi32> to vector<16xi32>
    tpu.vector_store %arg10[%swap3A_701], %swap3A_704 {strides = array<i32>} : memref<1024xi32, #tpu.memory_space<vmem>>, vector<16xi32>,
    %swap3A_705 = arith.constant 720 : index
    %swap3A_706 = tpu.vector_load %arg10[%swap3A_705] {strides = array<i32>} : memref<1024xi32, #tpu.memory_space<vmem>>, vector<16xi32>,
    %swap3A_707 = vector.shape_cast %swap3A_706 : vector<16xi32> to vector<16xi32>
    %swap3A_708 = vector.shape_cast %broadcast_in_dim3A_13 : vector<16xi32> to vector<16xi32>
    tpu.vector_store %arg10[%swap3A_705], %swap3A_708 {strides = array<i32>} : memref<1024xi32, #tpu.memory_space<vmem>>, vector<16xi32>,
    %swap3A_709 = arith.constant 736 : index
    %swap3A_710 = tpu.vector_load %arg10[%swap3A_709] {strides = array<i32>} : memref<1024xi32, #tpu.memory_space<vmem>>, vector<16xi32>,
    %swap3A_711 = vector.shape_cast %swap3A_710 : vector<16xi32> to vector<16xi32>
    %swap3A_712 = vector.shape_cast %broadcast_in_dim3A_13 : vector<16xi32> to vector<16xi32>
    tpu.vector_store %arg10[%swap3A_709], %swap3A_712 {strides = array<i32>} : memref<1024xi32, #tpu.memory_space<vmem>>, vector<16xi32>,
    %swap3A_713 = arith.constant 752 : index
    %swap3A_714 = tpu.vector_load %arg10[%swap3A_713] {strides = array<i32>} : memref<1024xi32, #tpu.memory_space<vmem>>, vector<16xi32>,
    %swap3A_715 = vector.shape_cast %swap3A_714 : vector<16xi32> to vector<16xi32>
    %swap3A_716 = vector.shape_cast %broadcast_in_dim3A_13 : vector<16xi32> to vector<16xi32>
    tpu.vector_store %arg10[%swap3A_713], %swap3A_716 {strides = array<i32>} : memref<1024xi32, #tpu.memory_space<vmem>>, vector<16xi32>,
    %swap3A_717 = arith.constant 768 : index
    %swap3A_718 = tpu.vector_load %arg10[%swap3A_717] {strides = array<i32>} : memref<1024xi32, #tpu.memory_space<vmem>>, vector<16xi32>,
    %swap3A_719 = vector.shape_cast %swap3A_718 : vector<16xi32> to vector<16xi32>
    %swap3A_720 = vector.shape_cast %broadcast_in_dim3A_13 : vector<16xi32> to vector<16xi32>
    tpu.vector_store %arg10[%swap3A_717], %swap3A_720 {strides = array<i32>} : memref<1024xi32, #tpu.memory_space<vmem>>, vector<16xi32>,
    %swap3A_721 = arith.constant 784 : index
    %swap3A_722 = tpu.vector_load %arg10[%swap3A_721] {strides = array<i32>} : memref<1024xi32, #tpu.memory_space<vmem>>, vector<16xi32>,
    %swap3A_723 = vector.shape_cast %swap3A_722 : vector<16xi32> to vector<16xi32>
    %swap3A_724 = vector.shape_cast %broadcast_in_dim3A_13 : vector<16xi32> to vector<16xi32>
    tpu.vector_store %arg10[%swap3A_721], %swap3A_724 {strides = array<i32>} : memref<1024xi32, #tpu.memory_space<vmem>>, vector<16xi32>,
    %swap3A_725 = arith.constant 800 : index
    %swap3A_726 = tpu.vector_load %arg10[%swap3A_725] {strides = array<i32>} : memref<1024xi32, #tpu.memory_space<vmem>>, vector<16xi32>,
    %swap3A_727 = vector.shape_cast %swap3A_726 : vector<16xi32> to vector<16xi32>
    %swap3A_728 = vector.shape_cast %broadcast_in_dim3A_13 : vector<16xi32> to vector<16xi32>
    tpu.vector_store %arg10[%swap3A_725], %swap3A_728 {strides = array<i32>} : memref<1024xi32, #tpu.memory_space<vmem>>, vector<16xi32>,
    %swap3A_729 = arith.constant 816 : index
    %swap3A_730 = tpu.vector_load %arg10[%swap3A_729] {strides = array<i32>} : memref<1024xi32, #tpu.memory_space<vmem>>, vector<16xi32>,
    %swap3A_731 = vector.shape_cast %swap3A_730 : vector<16xi32> to vector<16xi32>
    %swap3A_732 = vector.shape_cast %broadcast_in_dim3A_13 : vector<16xi32> to vector<16xi32>
    tpu.vector_store %arg10[%swap3A_729], %swap3A_732 {strides = array<i32>} : memref<1024xi32, #tpu.memory_space<vmem>>, vector<16xi32>,
    %swap3A_733 = arith.constant 832 : index
    %swap3A_734 = tpu.vector_load %arg10[%swap3A_733] {strides = array<i32>} : memref<1024xi32, #tpu.memory_space<vmem>>, vector<16xi32>,
    %swap3A_735 = vector.shape_cast %swap3A_734 : vector<16xi32> to vector<16xi32>
    %swap3A_736 = vector.shape_cast %broadcast_in_dim3A_13 : vector<16xi32> to vector<16xi32>
    tpu.vector_store %arg10[%swap3A_733], %swap3A_736 {strides = array<i32>} : memref<1024xi32, #tpu.memory_space<vmem>>, vector<16xi32>,
    %swap3A_737 = arith.constant 848 : index
    %swap3A_738 = tpu.vector_load %arg10[%swap3A_737] {strides = array<i32>} : memref<1024xi32, #tpu.memory_space<vmem>>, vector<16xi32>,
    %swap3A_739 = vector.shape_cast %swap3A_738 : vector<16xi32> to vector<16xi32>
    %swap3A_740 = vector.shape_cast %broadcast_in_dim3A_13 : vector<16xi32> to vector<16xi32>
    tpu.vector_store %arg10[%swap3A_737], %swap3A_740 {strides = array<i32>} : memref<1024xi32, #tpu.memory_space<vmem>>, vector<16xi32>,
    %swap3A_741 = arith.constant 864 : index
    %swap3A_742 = tpu.vector_load %arg10[%swap3A_741] {strides = array<i32>} : memref<1024xi32, #tpu.memory_space<vmem>>, vector<16xi32>,
    %swap3A_743 = vector.shape_cast %swap3A_742 : vector<16xi32> to vector<16xi32>
    %swap3A_744 = vector.shape_cast %broadcast_in_dim3A_13 : vector<16xi32> to vector<16xi32>
    tpu.vector_store %arg10[%swap3A_741], %swap3A_744 {strides = array<i32>} : memref<1024xi32, #tpu.memory_space<vmem>>, vector<16xi32>,
    %swap3A_745 = arith.constant 880 : index
    %swap3A_746 = tpu.vector_load %arg10[%swap3A_745] {strides = array<i32>} : memref<1024xi32, #tpu.memory_space<vmem>>, vector<16xi32>,
    %swap3A_747 = vector.shape_cast %swap3A_746 : vector<16xi32> to vector<16xi32>
    %swap3A_748 = vector.shape_cast %broadcast_in_dim3A_13 : vector<16xi32> to vector<16xi32>
    tpu.vector_store %arg10[%swap3A_745], %swap3A_748 {strides = array<i32>} : memref<1024xi32, #tpu.memory_space<vmem>>, vector<16xi32>,
    %swap3A_749 = arith.constant 896 : index
    %swap3A_750 = tpu.vector_load %arg10[%swap3A_749] {strides = array<i32>} : memref<1024xi32, #tpu.memory_space<vmem>>, vector<16xi32>,
    %swap3A_751 = vector.shape_cast %swap3A_750 : vector<16xi32> to vector<16xi32>
    %swap3A_752 = vector.shape_cast %broadcast_in_dim3A_13 : vector<16xi32> to vector<16xi32>
    tpu.vector_store %arg10[%swap3A_749], %swap3A_752 {strides = array<i32>} : memref<1024xi32, #tpu.memory_space<vmem>>, vector<16xi32>,
    %swap3A_753 = arith.constant 912 : index
    %swap3A_754 = tpu.vector_load %arg10[%swap3A_753] {strides = array<i32>} : memref<1024xi32, #tpu.memory_space<vmem>>, vector<16xi32>,
    %swap3A_755 = vector.shape_cast %swap3A_754 : vector<16xi32> to vector<16xi32>
    %swap3A_756 = vector.shape_cast %broadcast_in_dim3A_13 : vector<16xi32> to vector<16xi32>
    tpu.vector_store %arg10[%swap3A_753], %swap3A_756 {strides = array<i32>} : memref<1024xi32, #tpu.memory_space<vmem>>, vector<16xi32>,
    %swap3A_757 = arith.constant 928 : index
    %swap3A_758 = tpu.vector_load %arg10[%swap3A_757] {strides = array<i32>} : memref<1024xi32, #tpu.memory_space<vmem>>, vector<16xi32>,
    %swap3A_759 = vector.shape_cast %swap3A_758 : vector<16xi32> to vector<16xi32>
    %swap3A_760 = vector.shape_cast %broadcast_in_dim3A_13 : vector<16xi32> to vector<16xi32>
    tpu.vector_store %arg10[%swap3A_757], %swap3A_760 {strides = array<i32>} : memref<1024xi32, #tpu.memory_space<vmem>>, vector<16xi32>,
    %swap3A_761 = arith.constant 944 : index
    %swap3A_762 = tpu.vector_load %arg10[%swap3A_761] {strides = array<i32>} : memref<1024xi32, #tpu.memory_space<vmem>>, vector<16xi32>,
    %swap3A_763 = vector.shape_cast %swap3A_762 : vector<16xi32> to vector<16xi32>
    %swap3A_764 = vector.shape_cast %broadcast_in_dim3A_13 : vector<16xi32> to vector<16xi32>
    tpu.vector_store %arg10[%swap3A_761], %swap3A_764 {strides = array<i32>} : memref<1024xi32, #tpu.memory_space<vmem>>, vector<16xi32>,
    %swap3A_765 = arith.constant 960 : index
    %swap3A_766 = tpu.vector_load %arg10[%swap3A_765] {strides = array<i32>} : memref<1024xi32, #tpu.memory_space<vmem>>, vector<16xi32>,
    %swap3A_767 = vector.shape_cast %swap3A_766 : vector<16xi32> to vector<16xi32>
    %swap3A_768 = vector.shape_cast %broadcast_in_dim3A_13 : vector<16xi32> to vector<16xi32>
    tpu.vector_store %arg10[%swap3A_765], %swap3A_768 {strides = array<i32>} : memref<1024xi32, #tpu.memory_space<vmem>>, vector<16xi32>,
    %swap3A_769 = arith.constant 976 : index
    %swap3A_770 = tpu.vector_load %arg10[%swap3A_769] {strides = array<i32>} : memref<1024xi32, #tpu.memory_space<vmem>>, vector<16xi32>,
    %swap3A_771 = vector.shape_cast %swap3A_770 : vector<16xi32> to vector<16xi32>
    %swap3A_772 = vector.shape_cast %broadcast_in_dim3A_13 : vector<16xi32> to vector<16xi32>
    tpu.vector_store %arg10[%swap3A_769], %swap3A_772 {strides = array<i32>} : memref<1024xi32, #tpu.memory_space<vmem>>, vector<16xi32>,
    %swap3A_773 = arith.constant 992 : index
    %swap3A_774 = tpu.vector_load %arg10[%swap3A_773] {strides = array<i32>} : memref<1024xi32, #tpu.memory_space<vmem>>, vector<16xi32>,
    %swap3A_775 = vector.shape_cast %swap3A_774 : vector<16xi32> to vector<16xi32>
    %swap3A_776 = vector.shape_cast %broadcast_in_dim3A_13 : vector<16xi32> to vector<16xi32>
    tpu.vector_store %arg10[%swap3A_773], %swap3A_776 {strides = array<i32>} : memref<1024xi32, #tpu.memory_space<vmem>>, vector<16xi32>,
    %swap3A_777 = arith.constant 1008 : index
    %swap3A_778 = tpu.vector_load %arg10[%swap3A_777] {strides = array<i32>} : memref<1024xi32, #tpu.memory_space<vmem>>, vector<16xi32>,
    %swap3A_779 = vector.shape_cast %swap3A_778 : vector<16xi32> to vector<16xi32>
    %swap3A_780 = vector.shape_cast %broadcast_in_dim3A_13 : vector<16xi32> to vector<16xi32>
    tpu.vector_store %arg10[%swap3A_777], %swap3A_780 {strides = array<i32>} : memref<1024xi32, #tpu.memory_space<vmem>>, vector<16xi32>,
    %swap3A_781 = arith.constant 0 : index
    %swap3A_782 = tpu.vector_load %arg12[%swap3A_781] {strides = array<i32>} : memref<1024xi32, #tpu.memory_space<vmem>>, vector<16xi32>,
    %swap3A_783 = vector.shape_cast %swap3A_782 : vector<16xi32> to vector<16xi32>
    %swap3A_784 = vector.shape_cast %broadcast_in_dim3A_13 : vector<16xi32> to vector<16xi32>
    tpu.vector_store %arg12[%swap3A_781], %swap3A_784 {strides = array<i32>} : memref<1024xi32, #tpu.memory_space<vmem>>, vector<16xi32>,
    %swap3A_785 = arith.constant 16 : index
    %swap3A_786 = tpu.vector_load %arg12[%swap3A_785] {strides = array<i32>} : memref<1024xi32, #tpu.memory_space<vmem>>, vector<16xi32>,
    %swap3A_787 = vector.shape_cast %swap3A_786 : vector<16xi32> to vector<16xi32>
    %swap3A_788 = vector.shape_cast %broadcast_in_dim3A_13 : vector<16xi32> to vector<16xi32>
    tpu.vector_store %arg12[%swap3A_785], %swap3A_788 {strides = array<i32>} : memref<1024xi32, #tpu.memory_space<vmem>>, vector<16xi32>,
    %swap3A_789 = arith.constant 32 : index
    %swap3A_790 = tpu.vector_load %arg12[%swap3A_789] {strides = array<i32>} : memref<1024xi32, #tpu.memory_space<vmem>>, vector<16xi32>,
    %swap3A_791 = vector.shape_cast %swap3A_790 : vector<16xi32> to vector<16xi32>
    %swap3A_792 = vector.shape_cast %broadcast_in_dim3A_13 : vector<16xi32> to vector<16xi32>
    tpu.vector_store %arg12[%swap3A_789], %swap3A_792 {strides = array<i32>} : memref<1024xi32, #tpu.memory_space<vmem>>, vector<16xi32>,
    %swap3A_793 = arith.constant 48 : index
    %swap3A_794 = tpu.vector_load %arg12[%swap3A_793] {strides = array<i32>} : memref<1024xi32, #tpu.memory_space<vmem>>, vector<16xi32>,
    %swap3A_795 = vector.shape_cast %swap3A_794 : vector<16xi32> to vector<16xi32>
    %swap3A_796 = vector.shape_cast %broadcast_in_dim3A_13 : vector<16xi32> to vector<16xi32>
    tpu.vector_store %arg12[%swap3A_793], %swap3A_796 {strides = array<i32>} : memref<1024xi32, #tpu.memory_space<vmem>>, vector<16xi32>,
    %swap3A_797 = arith.constant 64 : index
    %swap3A_798 = tpu.vector_load %arg12[%swap3A_797] {strides = array<i32>} : memref<1024xi32, #tpu.memory_space<vmem>>, vector<16xi32>,
    %swap3A_799 = vector.shape_cast %swap3A_798 : vector<16xi32> to vector<16xi32>
    %swap3A_800 = vector.shape_cast %broadcast_in_dim3A_13 : vector<16xi32> to vector<16xi32>
    tpu.vector_store %arg12[%swap3A_797], %swap3A_800 {strides = array<i32>} : memref<1024xi32, #tpu.memory_space<vmem>>, vector<16xi32>,
    %swap3A_801 = arith.constant 80 : index
    %swap3A_802 = tpu.vector_load %arg12[%swap3A_801] {strides = array<i32>} : memref<1024xi32, #tpu.memory_space<vmem>>, vector<16xi32>,
    %swap3A_803 = vector.shape_cast %swap3A_802 : vector<16xi32> to vector<16xi32>
    %swap3A_804 = vector.shape_cast %broadcast_in_dim3A_13 : vector<16xi32> to vector<16xi32>
    tpu.vector_store %arg12[%swap3A_801], %swap3A_804 {strides = array<i32>} : memref<1024xi32, #tpu.memory_space<vmem>>, vector<16xi32>,
    %swap3A_805 = arith.constant 96 : index
    %swap3A_806 = tpu.vector_load %arg12[%swap3A_805] {strides = array<i32>} : memref<1024xi32, #tpu.memory_space<vmem>>, vector<16xi32>,
    %swap3A_807 = vector.shape_cast %swap3A_806 : vector<16xi32> to vector<16xi32>
    %swap3A_808 = vector.shape_cast %broadcast_in_dim3A_13 : vector<16xi32> to vector<16xi32>
    tpu.vector_store %arg12[%swap3A_805], %swap3A_808 {strides = array<i32>} : memref<1024xi32, #tpu.memory_space<vmem>>, vector<16xi32>,
    %swap3A_809 = arith.constant 112 : index
    %swap3A_810 = tpu.vector_load %arg12[%swap3A_809] {strides = array<i32>} : memref<1024xi32, #tpu.memory_space<vmem>>, vector<16xi32>,
    %swap3A_811 = vector.shape_cast %swap3A_810 : vector<16xi32> to vector<16xi32>
    %swap3A_812 = vector.shape_cast %broadcast_in_dim3A_13 : vector<16xi32> to vector<16xi32>
    tpu.vector_store %arg12[%swap3A_809], %swap3A_812 {strides = array<i32>} : memref<1024xi32, #tpu.memory_space<vmem>>, vector<16xi32>,
    %swap3A_813 = arith.constant 128 : index
    %swap3A_814 = tpu.vector_load %arg12[%swap3A_813] {strides = array<i32>} : memref<1024xi32, #tpu.memory_space<vmem>>, vector<16xi32>,
    %swap3A_815 = vector.shape_cast %swap3A_814 : vector<16xi32> to vector<16xi32>
    %swap3A_816 = vector.shape_cast %broadcast_in_dim3A_13 : vector<16xi32> to vector<16xi32>
    tpu.vector_store %arg12[%swap3A_813], %swap3A_816 {strides = array<i32>} : memref<1024xi32, #tpu.memory_space<vmem>>, vector<16xi32>,
    %swap3A_817 = arith.constant 144 : index
    %swap3A_818 = tpu.vector_load %arg12[%swap3A_817] {strides = array<i32>} : memref<1024xi32, #tpu.memory_space<vmem>>, vector<16xi32>,
    %swap3A_819 = vector.shape_cast %swap3A_818 : vector<16xi32> to vector<16xi32>
    %swap3A_820 = vector.shape_cast %broadcast_in_dim3A_13 : vector<16xi32> to vector<16xi32>
    tpu.vector_store %arg12[%swap3A_817], %swap3A_820 {strides = array<i32>} : memref<1024xi32, #tpu.memory_space<vmem>>, vector<16xi32>,
    %swap3A_821 = arith.constant 160 : index
    %swap3A_822 = tpu.vector_load %arg12[%swap3A_821] {strides = array<i32>} : memref<1024xi32, #tpu.memory_space<vmem>>, vector<16xi32>,
    %swap3A_823 = vector.shape_cast %swap3A_822 : vector<16xi32> to vector<16xi32>
    %swap3A_824 = vector.shape_cast %broadcast_in_dim3A_13 : vector<16xi32> to vector<16xi32>
    tpu.vector_store %arg12[%swap3A_821], %swap3A_824 {strides = array<i32>} : memref<1024xi32, #tpu.memory_space<vmem>>, vector<16xi32>,
    %swap3A_825 = arith.constant 176 : index
    %swap3A_826 = tpu.vector_load %arg12[%swap3A_825] {strides = array<i32>} : memref<1024xi32, #tpu.memory_space<vmem>>, vector<16xi32>,
    %swap3A_827 = vector.shape_cast %swap3A_826 : vector<16xi32> to vector<16xi32>
    %swap3A_828 = vector.shape_cast %broadcast_in_dim3A_13 : vector<16xi32> to vector<16xi32>
    tpu.vector_store %arg12[%swap3A_825], %swap3A_828 {strides = array<i32>} : memref<1024xi32, #tpu.memory_space<vmem>>, vector<16xi32>,
    %swap3A_829 = arith.constant 192 : index
    %swap3A_830 = tpu.vector_load %arg12[%swap3A_829] {strides = array<i32>} : memref<1024xi32, #tpu.memory_space<vmem>>, vector<16xi32>,
    %swap3A_831 = vector.shape_cast %swap3A_830 : vector<16xi32> to vector<16xi32>
    %swap3A_832 = vector.shape_cast %broadcast_in_dim3A_13 : vector<16xi32> to vector<16xi32>
    tpu.vector_store %arg12[%swap3A_829], %swap3A_832 {strides = array<i32>} : memref<1024xi32, #tpu.memory_space<vmem>>, vector<16xi32>,
    %swap3A_833 = arith.constant 208 : index
    %swap3A_834 = tpu.vector_load %arg12[%swap3A_833] {strides = array<i32>} : memref<1024xi32, #tpu.memory_space<vmem>>, vector<16xi32>,
    %swap3A_835 = vector.shape_cast %swap3A_834 : vector<16xi32> to vector<16xi32>
    %swap3A_836 = vector.shape_cast %broadcast_in_dim3A_13 : vector<16xi32> to vector<16xi32>
    tpu.vector_store %arg12[%swap3A_833], %swap3A_836 {strides = array<i32>} : memref<1024xi32, #tpu.memory_space<vmem>>, vector<16xi32>,
    %swap3A_837 = arith.constant 224 : index
    %swap3A_838 = tpu.vector_load %arg12[%swap3A_837] {strides = array<i32>} : memref<1024xi32, #tpu.memory_space<vmem>>, vector<16xi32>,
    %swap3A_839 = vector.shape_cast %swap3A_838 : vector<16xi32> to vector<16xi32>
    %swap3A_840 = vector.shape_cast %broadcast_in_dim3A_13 : vector<16xi32> to vector<16xi32>
    tpu.vector_store %arg12[%swap3A_837], %swap3A_840 {strides = array<i32>} : memref<1024xi32, #tpu.memory_space<vmem>>, vector<16xi32>,
    %swap3A_841 = arith.constant 240 : index
    %swap3A_842 = tpu.vector_load %arg12[%swap3A_841] {strides = array<i32>} : memref<1024xi32, #tpu.memory_space<vmem>>, vector<16xi32>,
    %swap3A_843 = vector.shape_cast %swap3A_842 : vector<16xi32> to vector<16xi32>
    %swap3A_844 = vector.shape_cast %broadcast_in_dim3A_13 : vector<16xi32> to vector<16xi32>
    tpu.vector_store %arg12[%swap3A_841], %swap3A_844 {strides = array<i32>} : memref<1024xi32, #tpu.memory_space<vmem>>, vector<16xi32>,
    %swap3A_845 = arith.constant 256 : index
    %swap3A_846 = tpu.vector_load %arg12[%swap3A_845] {strides = array<i32>} : memref<1024xi32, #tpu.memory_space<vmem>>, vector<16xi32>,
    %swap3A_847 = vector.shape_cast %swap3A_846 : vector<16xi32> to vector<16xi32>
    %swap3A_848 = vector.shape_cast %broadcast_in_dim3A_13 : vector<16xi32> to vector<16xi32>
    tpu.vector_store %arg12[%swap3A_845], %swap3A_848 {strides = array<i32>} : memref<1024xi32, #tpu.memory_space<vmem>>, vector<16xi32>,
    %swap3A_849 = arith.constant 272 : index
    %swap3A_850 = tpu.vector_load %arg12[%swap3A_849] {strides = array<i32>} : memref<1024xi32, #tpu.memory_space<vmem>>, vector<16xi32>,
    %swap3A_851 = vector.shape_cast %swap3A_850 : vector<16xi32> to vector<16xi32>
    %swap3A_852 = vector.shape_cast %broadcast_in_dim3A_13 : vector<16xi32> to vector<16xi32>
    tpu.vector_store %arg12[%swap3A_849], %swap3A_852 {strides = array<i32>} : memref<1024xi32, #tpu.memory_space<vmem>>, vector<16xi32>,
    %swap3A_853 = arith.constant 288 : index
    %swap3A_854 = tpu.vector_load %arg12[%swap3A_853] {strides = array<i32>} : memref<1024xi32, #tpu.memory_space<vmem>>, vector<16xi32>,
    %swap3A_855 = vector.shape_cast %swap3A_854 : vector<16xi32> to vector<16xi32>
    %swap3A_856 = vector.shape_cast %broadcast_in_dim3A_13 : vector<16xi32> to vector<16xi32>
    tpu.vector_store %arg12[%swap3A_853], %swap3A_856 {strides = array<i32>} : memref<1024xi32, #tpu.memory_space<vmem>>, vector<16xi32>,
    %swap3A_857 = arith.constant 304 : index
    %swap3A_858 = tpu.vector_load %arg12[%swap3A_857] {strides = array<i32>} : memref<1024xi32, #tpu.memory_space<vmem>>, vector<16xi32>,
    %swap3A_859 = vector.shape_cast %swap3A_858 : vector<16xi32> to vector<16xi32>
    %swap3A_860 = vector.shape_cast %broadcast_in_dim3A_13 : vector<16xi32> to vector<16xi32>
    tpu.vector_store %arg12[%swap3A_857], %swap3A_860 {strides = array<i32>} : memref<1024xi32, #tpu.memory_space<vmem>>, vector<16xi32>,
    %swap3A_861 = arith.constant 320 : index
    %swap3A_862 = tpu.vector_load %arg12[%swap3A_861] {strides = array<i32>} : memref<1024xi32, #tpu.memory_space<vmem>>, vector<16xi32>,
    %swap3A_863 = vector.shape_cast %swap3A_862 : vector<16xi32> to vector<16xi32>
    %swap3A_864 = vector.shape_cast %broadcast_in_dim3A_13 : vector<16xi32> to vector<16xi32>
    tpu.vector_store %arg12[%swap3A_861], %swap3A_864 {strides = array<i32>} : memref<1024xi32, #tpu.memory_space<vmem>>, vector<16xi32>,
    %swap3A_865 = arith.constant 336 : index
    %swap3A_866 = tpu.vector_load %arg12[%swap3A_865] {strides = array<i32>} : memref<1024xi32, #tpu.memory_space<vmem>>, vector<16xi32>,
    %swap3A_867 = vector.shape_cast %swap3A_866 : vector<16xi32> to vector<16xi32>
    %swap3A_868 = vector.shape_cast %broadcast_in_dim3A_13 : vector<16xi32> to vector<16xi32>
    tpu.vector_store %arg12[%swap3A_865], %swap3A_868 {strides = array<i32>} : memref<1024xi32, #tpu.memory_space<vmem>>, vector<16xi32>,
    %swap3A_869 = arith.constant 352 : index
    %swap3A_870 = tpu.vector_load %arg12[%swap3A_869] {strides = array<i32>} : memref<1024xi32, #tpu.memory_space<vmem>>, vector<16xi32>,
    %swap3A_871 = vector.shape_cast %swap3A_870 : vector<16xi32> to vector<16xi32>
    %swap3A_872 = vector.shape_cast %broadcast_in_dim3A_13 : vector<16xi32> to vector<16xi32>
    tpu.vector_store %arg12[%swap3A_869], %swap3A_872 {strides = array<i32>} : memref<1024xi32, #tpu.memory_space<vmem>>, vector<16xi32>,
    %swap3A_873 = arith.constant 368 : index
    %swap3A_874 = tpu.vector_load %arg12[%swap3A_873] {strides = array<i32>} : memref<1024xi32, #tpu.memory_space<vmem>>, vector<16xi32>,
    %swap3A_875 = vector.shape_cast %swap3A_874 : vector<16xi32> to vector<16xi32>
    %swap3A_876 = vector.shape_cast %broadcast_in_dim3A_13 : vector<16xi32> to vector<16xi32>
    tpu.vector_store %arg12[%swap3A_873], %swap3A_876 {strides = array<i32>} : memref<1024xi32, #tpu.memory_space<vmem>>, vector<16xi32>,
    %swap3A_877 = arith.constant 384 : index
    %swap3A_878 = tpu.vector_load %arg12[%swap3A_877] {strides = array<i32>} : memref<1024xi32, #tpu.memory_space<vmem>>, vector<16xi32>,
    %swap3A_879 = vector.shape_cast %swap3A_878 : vector<16xi32> to vector<16xi32>
    %swap3A_880 = vector.shape_cast %broadcast_in_dim3A_13 : vector<16xi32> to vector<16xi32>
    tpu.vector_store %arg12[%swap3A_877], %swap3A_880 {strides = array<i32>} : memref<1024xi32, #tpu.memory_space<vmem>>, vector<16xi32>,
    %swap3A_881 = arith.constant 400 : index
    %swap3A_882 = tpu.vector_load %arg12[%swap3A_881] {strides = array<i32>} : memref<1024xi32, #tpu.memory_space<vmem>>, vector<16xi32>,
    %swap3A_883 = vector.shape_cast %swap3A_882 : vector<16xi32> to vector<16xi32>
    %swap3A_884 = vector.shape_cast %broadcast_in_dim3A_13 : vector<16xi32> to vector<16xi32>
    tpu.vector_store %arg12[%swap3A_881], %swap3A_884 {strides = array<i32>} : memref<1024xi32, #tpu.memory_space<vmem>>, vector<16xi32>,
    %swap3A_885 = arith.constant 416 : index
    %swap3A_886 = tpu.vector_load %arg12[%swap3A_885] {strides = array<i32>} : memref<1024xi32, #tpu.memory_space<vmem>>, vector<16xi32>,
    %swap3A_887 = vector.shape_cast %swap3A_886 : vector<16xi32> to vector<16xi32>
    %swap3A_888 = vector.shape_cast %broadcast_in_dim3A_13 : vector<16xi32> to vector<16xi32>
    tpu.vector_store %arg12[%swap3A_885], %swap3A_888 {strides = array<i32>} : memref<1024xi32, #tpu.memory_space<vmem>>, vector<16xi32>,
    %swap3A_889 = arith.constant 432 : index
    %swap3A_890 = tpu.vector_load %arg12[%swap3A_889] {strides = array<i32>} : memref<1024xi32, #tpu.memory_space<vmem>>, vector<16xi32>,
    %swap3A_891 = vector.shape_cast %swap3A_890 : vector<16xi32> to vector<16xi32>
    %swap3A_892 = vector.shape_cast %broadcast_in_dim3A_13 : vector<16xi32> to vector<16xi32>
    tpu.vector_store %arg12[%swap3A_889], %swap3A_892 {strides = array<i32>} : memref<1024xi32, #tpu.memory_space<vmem>>, vector<16xi32>,
    %swap3A_893 = arith.constant 448 : index
    %swap3A_894 = tpu.vector_load %arg12[%swap3A_893] {strides = array<i32>} : memref<1024xi32, #tpu.memory_space<vmem>>, vector<16xi32>,
    %swap3A_895 = vector.shape_cast %swap3A_894 : vector<16xi32> to vector<16xi32>
    %swap3A_896 = vector.shape_cast %broadcast_in_dim3A_13 : vector<16xi32> to vector<16xi32>
    tpu.vector_store %arg12[%swap3A_893], %swap3A_896 {strides = array<i32>} : memref<1024xi32, #tpu.memory_space<vmem>>, vector<16xi32>,
    %swap3A_897 = arith.constant 464 : index
    %swap3A_898 = tpu.vector_load %arg12[%swap3A_897] {strides = array<i32>} : memref<1024xi32, #tpu.memory_space<vmem>>, vector<16xi32>,
    %swap3A_899 = vector.shape_cast %swap3A_898 : vector<16xi32> to vector<16xi32>
    %swap3A_900 = vector.shape_cast %broadcast_in_dim3A_13 : vector<16xi32> to vector<16xi32>
    tpu.vector_store %arg12[%swap3A_897], %swap3A_900 {strides = array<i32>} : memref<1024xi32, #tpu.memory_space<vmem>>, vector<16xi32>,
    %swap3A_901 = arith.constant 480 : index
    %swap3A_902 = tpu.vector_load %arg12[%swap3A_901] {strides = array<i32>} : memref<1024xi32, #tpu.memory_space<vmem>>, vector<16xi32>,
    %swap3A_903 = vector.shape_cast %swap3A_902 : vector<16xi32> to vector<16xi32>
    %swap3A_904 = vector.shape_cast %broadcast_in_dim3A_13 : vector<16xi32> to vector<16xi32>
    tpu.vector_store %arg12[%swap3A_901], %swap3A_904 {strides = array<i32>} : memref<1024xi32, #tpu.memory_space<vmem>>, vector<16xi32>,
    %swap3A_905 = arith.constant 496 : index
    %swap3A_906 = tpu.vector_load %arg12[%swap3A_905] {strides = array<i32>} : memref<1024xi32, #tpu.memory_space<vmem>>, vector<16xi32>,
    %swap3A_907 = vector.shape_cast %swap3A_906 : vector<16xi32> to vector<16xi32>
    %swap3A_908 = vector.shape_cast %broadcast_in_dim3A_13 : vector<16xi32> to vector<16xi32>
    tpu.vector_store %arg12[%swap3A_905], %swap3A_908 {strides = array<i32>} : memref<1024xi32, #tpu.memory_space<vmem>>, vector<16xi32>,
    %swap3A_909 = arith.constant 512 : index
    %swap3A_910 = tpu.vector_load %arg12[%swap3A_909] {strides = array<i32>} : memref<1024xi32, #tpu.memory_space<vmem>>, vector<16xi32>,
    %swap3A_911 = vector.shape_cast %swap3A_910 : vector<16xi32> to vector<16xi32>
    %swap3A_912 = vector.shape_cast %broadcast_in_dim3A_13 : vector<16xi32> to vector<16xi32>
    tpu.vector_store %arg12[%swap3A_909], %swap3A_912 {strides = array<i32>} : memref<1024xi32, #tpu.memory_space<vmem>>, vector<16xi32>,
    %swap3A_913 = arith.constant 528 : index
    %swap3A_914 = tpu.vector_load %arg12[%swap3A_913] {strides = array<i32>} : memref<1024xi32, #tpu.memory_space<vmem>>, vector<16xi32>,
    %swap3A_915 = vector.shape_cast %swap3A_914 : vector<16xi32> to vector<16xi32>
    %swap3A_916 = vector.shape_cast %broadcast_in_dim3A_13 : vector<16xi32> to vector<16xi32>
    tpu.vector_store %arg12[%swap3A_913], %swap3A_916 {strides = array<i32>} : memref<1024xi32, #tpu.memory_space<vmem>>, vector<16xi32>,
    %swap3A_917 = arith.constant 544 : index
    %swap3A_918 = tpu.vector_load %arg12[%swap3A_917] {strides = array<i32>} : memref<1024xi32, #tpu.memory_space<vmem>>, vector<16xi32>,
    %swap3A_919 = vector.shape_cast %swap3A_918 : vector<16xi32> to vector<16xi32>
    %swap3A_920 = vector.shape_cast %broadcast_in_dim3A_13 : vector<16xi32> to vector<16xi32>
    tpu.vector_store %arg12[%swap3A_917], %swap3A_920 {strides = array<i32>} : memref<1024xi32, #tpu.memory_space<vmem>>, vector<16xi32>,
    %swap3A_921 = arith.constant 560 : index
    %swap3A_922 = tpu.vector_load %arg12[%swap3A_921] {strides = array<i32>} : memref<1024xi32, #tpu.memory_space<vmem>>, vector<16xi32>,
    %swap3A_923 = vector.shape_cast %swap3A_922 : vector<16xi32> to vector<16xi32>
    %swap3A_924 = vector.shape_cast %broadcast_in_dim3A_13 : vector<16xi32> to vector<16xi32>
    tpu.vector_store %arg12[%swap3A_921], %swap3A_924 {strides = array<i32>} : memref<1024xi32, #tpu.memory_space<vmem>>, vector<16xi32>,
    %swap3A_925 = arith.constant 576 : index
    %swap3A_926 = tpu.vector_load %arg12[%swap3A_925] {strides = array<i32>} : memref<1024xi32, #tpu.memory_space<vmem>>, vector<16xi32>,
    %swap3A_927 = vector.shape_cast %swap3A_926 : vector<16xi32> to vector<16xi32>
    %swap3A_928 = vector.shape_cast %broadcast_in_dim3A_13 : vector<16xi32> to vector<16xi32>
    tpu.vector_store %arg12[%swap3A_925], %swap3A_928 {strides = array<i32>} : memref<1024xi32, #tpu.memory_space<vmem>>, vector<16xi32>,
    %swap3A_929 = arith.constant 592 : index
    %swap3A_930 = tpu.vector_load %arg12[%swap3A_929] {strides = array<i32>} : memref<1024xi32, #tpu.memory_space<vmem>>, vector<16xi32>,
    %swap3A_931 = vector.shape_cast %swap3A_930 : vector<16xi32> to vector<16xi32>
    %swap3A_932 = vector.shape_cast %broadcast_in_dim3A_13 : vector<16xi32> to vector<16xi32>
    tpu.vector_store %arg12[%swap3A_929], %swap3A_932 {strides = array<i32>} : memref<1024xi32, #tpu.memory_space<vmem>>, vector<16xi32>,
    %swap3A_933 = arith.constant 608 : index
    %swap3A_934 = tpu.vector_load %arg12[%swap3A_933] {strides = array<i32>} : memref<1024xi32, #tpu.memory_space<vmem>>, vector<16xi32>,
    %swap3A_935 = vector.shape_cast %swap3A_934 : vector<16xi32> to vector<16xi32>
    %swap3A_936 = vector.shape_cast %broadcast_in_dim3A_13 : vector<16xi32> to vector<16xi32>
    tpu.vector_store %arg12[%swap3A_933], %swap3A_936 {strides = array<i32>} : memref<1024xi32, #tpu.memory_space<vmem>>, vector<16xi32>,
    %swap3A_937 = arith.constant 624 : index
    %swap3A_938 = tpu.vector_load %arg12[%swap3A_937] {strides = array<i32>} : memref<1024xi32, #tpu.memory_space<vmem>>, vector<16xi32>,
    %swap3A_939 = vector.shape_cast %swap3A_938 : vector<16xi32> to vector<16xi32>
    %swap3A_940 = vector.shape_cast %broadcast_in_dim3A_13 : vector<16xi32> to vector<16xi32>
    tpu.vector_store %arg12[%swap3A_937], %swap3A_940 {strides = array<i32>} : memref<1024xi32, #tpu.memory_space<vmem>>, vector<16xi32>,
    %swap3A_941 = arith.constant 640 : index
    %swap3A_942 = tpu.vector_load %arg12[%swap3A_941] {strides = array<i32>} : memref<1024xi32, #tpu.memory_space<vmem>>, vector<16xi32>,
    %swap3A_943 = vector.shape_cast %swap3A_942 : vector<16xi32> to vector<16xi32>
    %swap3A_944 = vector.shape_cast %broadcast_in_dim3A_13 : vector<16xi32> to vector<16xi32>
    tpu.vector_store %arg12[%swap3A_941], %swap3A_944 {strides = array<i32>} : memref<1024xi32, #tpu.memory_space<vmem>>, vector<16xi32>,
    %swap3A_945 = arith.constant 656 : index
    %swap3A_946 = tpu.vector_load %arg12[%swap3A_945] {strides = array<i32>} : memref<1024xi32, #tpu.memory_space<vmem>>, vector<16xi32>,
    %swap3A_947 = vector.shape_cast %swap3A_946 : vector<16xi32> to vector<16xi32>
    %swap3A_948 = vector.shape_cast %broadcast_in_dim3A_13 : vector<16xi32> to vector<16xi32>
    tpu.vector_store %arg12[%swap3A_945], %swap3A_948 {strides = array<i32>} : memref<1024xi32, #tpu.memory_space<vmem>>, vector<16xi32>,
    %swap3A_949 = arith.constant 672 : index
    %swap3A_950 = tpu.vector_load %arg12[%swap3A_949] {strides = array<i32>} : memref<1024xi32, #tpu.memory_space<vmem>>, vector<16xi32>,
    %swap3A_951 = vector.shape_cast %swap3A_950 : vector<16xi32> to vector<16xi32>
    %swap3A_952 = vector.shape_cast %broadcast_in_dim3A_13 : vector<16xi32> to vector<16xi32>
    tpu.vector_store %arg12[%swap3A_949], %swap3A_952 {strides = array<i32>} : memref<1024xi32, #tpu.memory_space<vmem>>, vector<16xi32>,
    %swap3A_953 = arith.constant 688 : index
    %swap3A_954 = tpu.vector_load %arg12[%swap3A_953] {strides = array<i32>} : memref<1024xi32, #tpu.memory_space<vmem>>, vector<16xi32>,
    %swap3A_955 = vector.shape_cast %swap3A_954 : vector<16xi32> to vector<16xi32>
    %swap3A_956 = vector.shape_cast %broadcast_in_dim3A_13 : vector<16xi32> to vector<16xi32>
    tpu.vector_store %arg12[%swap3A_953], %swap3A_956 {strides = array<i32>} : memref<1024xi32, #tpu.memory_space<vmem>>, vector<16xi32>,
    %swap3A_957 = arith.constant 704 : index
    %swap3A_958 = tpu.vector_load %arg12[%swap3A_957] {strides = array<i32>} : memref<1024xi32, #tpu.memory_space<vmem>>, vector<16xi32>,
    %swap3A_959 = vector.shape_cast %swap3A_958 : vector<16xi32> to vector<16xi32>
    %swap3A_960 = vector.shape_cast %broadcast_in_dim3A_13 : vector<16xi32> to vector<16xi32>
    tpu.vector_store %arg12[%swap3A_957], %swap3A_960 {strides = array<i32>} : memref<1024xi32, #tpu.memory_space<vmem>>, vector<16xi32>,
    %swap3A_961 = arith.constant 720 : index
    %swap3A_962 = tpu.vector_load %arg12[%swap3A_961] {strides = array<i32>} : memref<1024xi32, #tpu.memory_space<vmem>>, vector<16xi32>,
    %swap3A_963 = vector.shape_cast %swap3A_962 : vector<16xi32> to vector<16xi32>
    %swap3A_964 = vector.shape_cast %broadcast_in_dim3A_13 : vector<16xi32> to vector<16xi32>
    tpu.vector_store %arg12[%swap3A_961], %swap3A_964 {strides = array<i32>} : memref<1024xi32, #tpu.memory_space<vmem>>, vector<16xi32>,
    %swap3A_965 = arith.constant 736 : index
    %swap3A_966 = tpu.vector_load %arg12[%swap3A_965] {strides = array<i32>} : memref<1024xi32, #tpu.memory_space<vmem>>, vector<16xi32>,
    %swap3A_967 = vector.shape_cast %swap3A_966 : vector<16xi32> to vector<16xi32>
    %swap3A_968 = vector.shape_cast %broadcast_in_dim3A_13 : vector<16xi32> to vector<16xi32>
    tpu.vector_store %arg12[%swap3A_965], %swap3A_968 {strides = array<i32>} : memref<1024xi32, #tpu.memory_space<vmem>>, vector<16xi32>,
    %swap3A_969 = arith.constant 752 : index
    %swap3A_970 = tpu.vector_load %arg12[%swap3A_969] {strides = array<i32>} : memref<1024xi32, #tpu.memory_space<vmem>>, vector<16xi32>,
    %swap3A_971 = vector.shape_cast %swap3A_970 : vector<16xi32> to vector<16xi32>
    %swap3A_972 = vector.shape_cast %broadcast_in_dim3A_13 : vector<16xi32> to vector<16xi32>
    tpu.vector_store %arg12[%swap3A_969], %swap3A_972 {strides = array<i32>} : memref<1024xi32, #tpu.memory_space<vmem>>, vector<16xi32>,
    %swap3A_973 = arith.constant 768 : index
    %swap3A_974 = tpu.vector_load %arg12[%swap3A_973] {strides = array<i32>} : memref<1024xi32, #tpu.memory_space<vmem>>, vector<16xi32>,
    %swap3A_975 = vector.shape_cast %swap3A_974 : vector<16xi32> to vector<16xi32>
    %swap3A_976 = vector.shape_cast %broadcast_in_dim3A_13 : vector<16xi32> to vector<16xi32>
    tpu.vector_store %arg12[%swap3A_973], %swap3A_976 {strides = array<i32>} : memref<1024xi32, #tpu.memory_space<vmem>>, vector<16xi32>,
    %swap3A_977 = arith.constant 784 : index
    %swap3A_978 = tpu.vector_load %arg12[%swap3A_977] {strides = array<i32>} : memref<1024xi32, #tpu.memory_space<vmem>>, vector<16xi32>,
    %swap3A_979 = vector.shape_cast %swap3A_978 : vector<16xi32> to vector<16xi32>
    %swap3A_980 = vector.shape_cast %broadcast_in_dim3A_13 : vector<16xi32> to vector<16xi32>
    tpu.vector_store %arg12[%swap3A_977], %swap3A_980 {strides = array<i32>} : memref<1024xi32, #tpu.memory_space<vmem>>, vector<16xi32>,
    %swap3A_981 = arith.constant 800 : index
    %swap3A_982 = tpu.vector_load %arg12[%swap3A_981] {strides = array<i32>} : memref<1024xi32, #tpu.memory_space<vmem>>, vector<16xi32>,
    %swap3A_983 = vector.shape_cast %swap3A_982 : vector<16xi32> to vector<16xi32>
    %swap3A_984 = vector.shape_cast %broadcast_in_dim3A_13 : vector<16xi32> to vector<16xi32>
    tpu.vector_store %arg12[%swap3A_981], %swap3A_984 {strides = array<i32>} : memref<1024xi32, #tpu.memory_space<vmem>>, vector<16xi32>,
    %swap3A_985 = arith.constant 816 : index
    %swap3A_986 = tpu.vector_load %arg12[%swap3A_985] {strides = array<i32>} : memref<1024xi32, #tpu.memory_space<vmem>>, vector<16xi32>,
    %swap3A_987 = vector.shape_cast %swap3A_986 : vector<16xi32> to vector<16xi32>
    %swap3A_988 = vector.shape_cast %broadcast_in_dim3A_13 : vector<16xi32> to vector<16xi32>
    tpu.vector_store %arg12[%swap3A_985], %swap3A_988 {strides = array<i32>} : memref<1024xi32, #tpu.memory_space<vmem>>, vector<16xi32>,
    %swap3A_989 = arith.constant 832 : index
    %swap3A_990 = tpu.vector_load %arg12[%swap3A_989] {strides = array<i32>} : memref<1024xi32, #tpu.memory_space<vmem>>, vector<16xi32>,
    %swap3A_991 = vector.shape_cast %swap3A_990 : vector<16xi32> to vector<16xi32>
    %swap3A_992 = vector.shape_cast %broadcast_in_dim3A_13 : vector<16xi32> to vector<16xi32>
    tpu.vector_store %arg12[%swap3A_989], %swap3A_992 {strides = array<i32>} : memref<1024xi32, #tpu.memory_space<vmem>>, vector<16xi32>,
    %swap3A_993 = arith.constant 848 : index
    %swap3A_994 = tpu.vector_load %arg12[%swap3A_993] {strides = array<i32>} : memref<1024xi32, #tpu.memory_space<vmem>>, vector<16xi32>,
    %swap3A_995 = vector.shape_cast %swap3A_994 : vector<16xi32> to vector<16xi32>
    %swap3A_996 = vector.shape_cast %broadcast_in_dim3A_13 : vector<16xi32> to vector<16xi32>
    tpu.vector_store %arg12[%swap3A_993], %swap3A_996 {strides = array<i32>} : memref<1024xi32, #tpu.memory_space<vmem>>, vector<16xi32>,
    %swap3A_997 = arith.constant 864 : index
    %swap3A_998 = tpu.vector_load %arg12[%swap3A_997] {strides = array<i32>} : memref<1024xi32, #tpu.memory_space<vmem>>, vector<16xi32>,
    %swap3A_999 = vector.shape_cast %swap3A_998 : vector<16xi32> to vector<16xi32>
    %swap3A_1000 = vector.shape_cast %broadcast_in_dim3A_13 : vector<16xi32> to vector<16xi32>
    tpu.vector_store %arg12[%swap3A_997], %swap3A_1000 {strides = array<i32>} : memref<1024xi32, #tpu.memory_space<vmem>>, vector<16xi32>,
    %swap3A_1001 = arith.constant 880 : index
    %swap3A_1002 = tpu.vector_load %arg12[%swap3A_1001] {strides = array<i32>} : memref<1024xi32, #tpu.memory_space<vmem>>, vector<16xi32>,
    %swap3A_1003 = vector.shape_cast %swap3A_1002 : vector<16xi32> to vector<16xi32>
    %swap3A_1004 = vector.shape_cast %broadcast_in_dim3A_13 : vector<16xi32> to vector<16xi32>
    tpu.vector_store %arg12[%swap3A_1001], %swap3A_1004 {strides = array<i32>} : memref<1024xi32, #tpu.memory_space<vmem>>, vector<16xi32>,
    %swap3A_1005 = arith.constant 896 : index
    %swap3A_1006 = tpu.vector_load %arg12[%swap3A_1005] {strides = array<i32>} : memref<1024xi32, #tpu.memory_space<vmem>>, vector<16xi32>,
    %swap3A_1007 = vector.shape_cast %swap3A_1006 : vector<16xi32> to vector<16xi32>
    %swap3A_1008 = vector.shape_cast %broadcast_in_dim3A_13 : vector<16xi32> to vector<16xi32>
    tpu.vector_store %arg12[%swap3A_1005], %swap3A_1008 {strides = array<i32>} : memref<1024xi32, #tpu.memory_space<vmem>>, vector<16xi32>,
    %swap3A_1009 = arith.constant 912 : index
    %swap3A_1010 = tpu.vector_load %arg12[%swap3A_1009] {strides = array<i32>} : memref<1024xi32, #tpu.memory_space<vmem>>, vector<16xi32>,
    %swap3A_1011 = vector.shape_cast %swap3A_1010 : vector<16xi32> to vector<16xi32>
    %swap3A_1012 = vector.shape_cast %broadcast_in_dim3A_13 : vector<16xi32> to vector<16xi32>
    tpu.vector_store %arg12[%swap3A_1009], %swap3A_1012 {strides = array<i32>} : memref<1024xi32, #tpu.memory_space<vmem>>, vector<16xi32>,
    %swap3A_1013 = arith.constant 928 : index
    %swap3A_1014 = tpu.vector_load %arg12[%swap3A_1013] {strides = array<i32>} : memref<1024xi32, #tpu.memory_space<vmem>>, vector<16xi32>,
    %swap3A_1015 = vector.shape_cast %swap3A_1014 : vector<16xi32> to vector<16xi32>
    %swap3A_1016 = vector.shape_cast %broadcast_in_dim3A_13 : vector<16xi32> to vector<16xi32>
    tpu.vector_store %arg12[%swap3A_1013], %swap3A_1016 {strides = array<i32>} : memref<1024xi32, #tpu.memory_space<vmem>>, vector<16xi32>,
    %swap3A_1017 = arith.constant 944 : index
    %swap3A_1018 = tpu.vector_load %arg12[%swap3A_1017] {strides = array<i32>} : memref<1024xi32, #tpu.memory_space<vmem>>, vector<16xi32>,
    %swap3A_1019 = vector.shape_cast %swap3A_1018 : vector<16xi32> to vector<16xi32>
    %swap3A_1020 = vector.shape_cast %broadcast_in_dim3A_13 : vector<16xi32> to vector<16xi32>
    tpu.vector_store %arg12[%swap3A_1017], %swap3A_1020 {strides = array<i32>} : memref<1024xi32, #tpu.memory_space<vmem>>, vector<16xi32>,
    %swap3A_1021 = arith.constant 960 : index
    %swap3A_1022 = tpu.vector_load %arg12[%swap3A_1021] {strides = array<i32>} : memref<1024xi32, #tpu.memory_space<vmem>>, vector<16xi32>,
    %swap3A_1023 = vector.shape_cast %swap3A_1022 : vector<16xi32> to vector<16xi32>
    %swap3A_1024 = vector.shape_cast %broadcast_in_dim3A_13 : vector<16xi32> to vector<16xi32>
    tpu.vector_store %arg12[%swap3A_1021], %swap3A_1024 {strides = array<i32>} : memref<1024xi32, #tpu.memory_space<vmem>>, vector<16xi32>,
    %swap3A_1025 = arith.constant 976 : index
    %swap3A_1026 = tpu.vector_load %arg12[%swap3A_1025] {strides = array<i32>} : memref<1024xi32, #tpu.memory_space<vmem>>, vector<16xi32>,
    %swap3A_1027 = vector.shape_cast %swap3A_1026 : vector<16xi32> to vector<16xi32>
    %swap3A_1028 = vector.shape_cast %broadcast_in_dim3A_13 : vector<16xi32> to vector<16xi32>
    tpu.vector_store %arg12[%swap3A_1025], %swap3A_1028 {strides = array<i32>} : memref<1024xi32, #tpu.memory_space<vmem>>, vector<16xi32>,
    %swap3A_1029 = arith.constant 992 : index
    %swap3A_1030 = tpu.vector_load %arg12[%swap3A_1029] {strides = array<i32>} : memref<1024xi32, #tpu.memory_space<vmem>>, vector<16xi32>,
    %swap3A_1031 = vector.shape_cast %swap3A_1030 : vector<16xi32> to vector<16xi32>
    %swap3A_1032 = vector.shape_cast %broadcast_in_dim3A_13 : vector<16xi32> to vector<16xi32>
    tpu.vector_store %arg12[%swap3A_1029], %swap3A_1032 {strides = array<i32>} : memref<1024xi32, #tpu.memory_space<vmem>>, vector<16xi32>,
    %swap3A_1033 = arith.constant 1008 : index
    %swap3A_1034 = tpu.vector_load %arg12[%swap3A_1033] {strides = array<i32>} : memref<1024xi32, #tpu.memory_space<vmem>>, vector<16xi32>,
    %swap3A_1035 = vector.shape_cast %swap3A_1034 : vector<16xi32> to vector<16xi32>
    %swap3A_1036 = vector.shape_cast %broadcast_in_dim3A_13 : vector<16xi32> to vector<16xi32>
    tpu.vector_store %arg12[%swap3A_1033], %swap3A_1036 {strides = array<i32>} : memref<1024xi32, #tpu.memory_space<vmem>>, vector<16xi32>,
    %barrier3A = arith.constant 0 : index
    tpu.barrier barrier_id(%barrier3A)
    %dma_start3A = arith.constant 0 : i32
    %dma_start3A_1037 = tpu.memref_slice %arg14[%dma_start3A] : memref<1048576xf32, #tpu.memory_space<vmem_shared>> -> memref<1048576xf32, #tpu.memory_space<vmem_shared>>
    %dma_start3A_1038 = arith.constant -1 : i32
    tpu.enqueue_indirect_dma source(%arg7 : memref<1024xf32, #tpu.memory_space<vmem>>) target(%dma_start3A_1037 : memref<1048576xf32, #tpu.memory_space<vmem_shared>>) offsets(%arg6 : memref<1024xi32, #tpu.memory_space<vmem>>) offset_filter(%dma_start3A_1038) semaphore(%arg16 : memref<!tpu.dma_semaphore, #tpu.memory_space<semaphore_mem>>) {add = true}
    %dma_start3A_1039 = arith.constant 0 : i32
    %dma_start3A_1040 = tpu.memref_slice %arg14[%dma_start3A_1039] : memref<1048576xf32, #tpu.memory_space<vmem_shared>> -> memref<1048576xf32, #tpu.memory_space<vmem_shared>>
    %dma_start3A_1041 = arith.constant -1 : i32
    tpu.enqueue_indirect_dma source(%arg9 : memref<1024xf32, #tpu.memory_space<vmem>>) target(%dma_start3A_1040 : memref<1048576xf32, #tpu.memory_space<vmem_shared>>) offsets(%arg8 : memref<1024xi32, #tpu.memory_space<vmem>>) offset_filter(%dma_start3A_1041) semaphore(%arg16 : memref<!tpu.dma_semaphore, #tpu.memory_space<semaphore_mem>>) {add = true}
    %dma_start3A_1042 = arith.constant 0 : i32
    %dma_start3A_1043 = tpu.memref_slice %arg14[%dma_start3A_1042] : memref<1048576xf32, #tpu.memory_space<vmem_shared>> -> memref<1048576xf32, #tpu.memory_space<vmem_shared>>
    %dma_start3A_1044 = arith.constant -1 : i32
    tpu.enqueue_indirect_dma source(%arg11 : memref<1024xf32, #tpu.memory_space<vmem>>) target(%dma_start3A_1043 : memref<1048576xf32, #tpu.memory_space<vmem_shared>>) offsets(%arg10 : memref<1024xi32, #tpu.memory_space<vmem>>) offset_filter(%dma_start3A_1044) semaphore(%arg16 : memref<!tpu.dma_semaphore, #tpu.memory_space<semaphore_mem>>) {add = true}
    %add3A_1045 = arith.constant 0 : i32
    %add3A_1046 = arith.addi %add3A, %add3A_1045 : i32
    %dma_start3A_1047 = tpu.memref_slice %arg3[%add3A_1046] : memref<6553600xi32, #tpu.memory_space<hbm>> -> memref<1024xi32, #tpu.memory_space<hbm>>
    %dma_start3A_1048 = tpu.memref_slice %arg3[%add3A_1046] : memref<6553600xi32, #tpu.memory_space<hbm>> -> memref<1024xi32, #tpu.memory_space<hbm>>
    tpu.enqueue_dma source(%dma_start3A_1048 : memref<1024xi32, #tpu.memory_space<hbm>>) target(%arg6 : memref<1024xi32, #tpu.memory_space<vmem>>) target_semaphore(%arg15 : memref<!tpu.dma_semaphore, #tpu.memory_space<semaphore_mem>>)
    %add3A_1049 = arith.constant 0 : i32
    %add3A_1050 = arith.addi %mul3A_4, %add3A_1049 : i32
    %dma_start3A_1051 = tpu.memref_slice %arg4[%add3A_1050] : memref<3276800xf32, #tpu.memory_space<hbm>> -> memref<1024xf32, #tpu.memory_space<hbm>>
    %dma_start3A_1052 = tpu.memref_slice %arg4[%add3A_1050] : memref<3276800xf32, #tpu.memory_space<hbm>> -> memref<1024xf32, #tpu.memory_space<hbm>>
    tpu.enqueue_dma source(%dma_start3A_1052 : memref<1024xf32, #tpu.memory_space<hbm>>) target(%arg7 : memref<1024xf32, #tpu.memory_space<vmem>>) target_semaphore(%arg15 : memref<!tpu.dma_semaphore, #tpu.memory_space<semaphore_mem>>)
    %scan3A = arith.constant 0 : i32
    %scan3A_1053 = arith.constant 0 : i32
    %scan3A_1054 = arith.constant 50 : i32
    %scan3A_1055 = arith.addi %scan3A_1053, %scan3A_1054 : i32
    %scan3A_1056 = arith.constant 1 : i32
    scf.for %scan3A_1094 = %scan3A_1053 to %scan3A_1055 step %scan3A_1056  : i32 {
      %mul3A_1095 = arith.constant 4 : i32
      %mul3A_1096 = arith.muli %scan3A_1094, %mul3A_1095 : i32
      %add3A_1097 = arith.constant 0 : i32
      %add3A_1098 = arith.addi %mul3A_1096, %add3A_1097 : i32
      %dma_wait3A_1099 = arith.constant 0 : i32
      %dma_wait3A_1100 = tpu.memref_slice %arg4[%dma_wait3A_1099] : memref<3276800xf32, #tpu.memory_space<hbm>> -> memref<1024xf32, #tpu.memory_space<hbm>>
      %dma_wait3A_1101 = arith.constant 0 : i32
      %dma_wait3A_1102 = tpu.memref_slice %arg4[%dma_wait3A_1101] : memref<3276800xf32, #tpu.memory_space<hbm>> -> memref<1024xf32, #tpu.memory_space<hbm>>
      tpu.wait_dma2 semaphore(%arg16 : memref<!tpu.dma_semaphore, #tpu.memory_space<semaphore_mem>>) src(%dma_wait3A_1102 : memref<1024xf32, #tpu.memory_space<hbm>>) dst(%arg7 : memref<1024xf32, #tpu.memory_space<vmem>>)
      %add3A_1103 = arith.constant 1 : i32
      %add3A_1104 = arith.addi %add3A_1098, %add3A_1103 : i32
      %ge3A = arith.constant 200 : i32
      %ge3A_1105 = arith.cmpi sge, %add3A_1104, %ge3A : i32
      %add3A_1106 = arith.constant 1 : i32
      %add3A_1107 = arith.addi %add3A_1098, %add3A_1106 : i32
      %jit3A = arith.constant 0 : i32
      %select_n3A = arith.select %ge3A_1105, %jit3A, %add3A_1107 : i32
      %mul3A_1108 = arith.constant 1024 : i32
      %mul3A_1109 = arith.muli %select_n3A, %mul3A_1108 : i32
      %add3A_1110 = arith.addi %add3A, %mul3A_1109 : i32
      %dma_start3A_1111 = tpu.memref_slice %arg3[%add3A_1110] : memref<6553600xi32, #tpu.memory_space<hbm>> -> memref<1024xi32, #tpu.memory_space<hbm>>
      %dma_start3A_1112 = tpu.memref_slice %arg3[%add3A_1110] : memref<6553600xi32, #tpu.memory_space<hbm>> -> memref<1024xi32, #tpu.memory_space<hbm>>
      tpu.enqueue_dma source(%dma_start3A_1112 : memref<1024xi32, #tpu.memory_space<hbm>>) target(%arg8 : memref<1024xi32, #tpu.memory_space<vmem>>) target_semaphore(%arg15 : memref<!tpu.dma_semaphore, #tpu.memory_space<semaphore_mem>>)
      %add3A_1113 = arith.addi %mul3A_4, %mul3A_1109 : i32
      %dma_start3A_1114 = tpu.memref_slice %arg4[%add3A_1113] : memref<3276800xf32, #tpu.memory_space<hbm>> -> memref<1024xf32, #tpu.memory_space<hbm>>
      %dma_start3A_1115 = tpu.memref_slice %arg4[%add3A_1113] : memref<3276800xf32, #tpu.memory_space<hbm>> -> memref<1024xf32, #tpu.memory_space<hbm>>
      tpu.enqueue_dma source(%dma_start3A_1115 : memref<1024xf32, #tpu.memory_space<hbm>>) target(%arg9 : memref<1024xf32, #tpu.memory_space<vmem>>) target_semaphore(%arg15 : memref<!tpu.dma_semaphore, #tpu.memory_space<semaphore_mem>>)
      %dma_wait3A_1116 = arith.constant 0 : i32
      %dma_wait3A_1117 = tpu.memref_slice %arg3[%dma_wait3A_1116] : memref<6553600xi32, #tpu.memory_space<hbm>> -> memref<1024xi32, #tpu.memory_space<hbm>>
      %dma_wait3A_1118 = arith.constant 0 : i32
      %dma_wait3A_1119 = tpu.memref_slice %arg3[%dma_wait3A_1118] : memref<6553600xi32, #tpu.memory_space<hbm>> -> memref<1024xi32, #tpu.memory_space<hbm>>
      tpu.wait_dma2 semaphore(%arg15 : memref<!tpu.dma_semaphore, #tpu.memory_space<semaphore_mem>>) src(%dma_wait3A_1119 : memref<1024xi32, #tpu.memory_space<hbm>>) dst(%arg6 : memref<1024xi32, #tpu.memory_space<vmem>>)
      %dma_wait3A_1120 = arith.constant 0 : i32
      %dma_wait3A_1121 = tpu.memref_slice %arg4[%dma_wait3A_1120] : memref<3276800xf32, #tpu.memory_space<hbm>> -> memref<1024xf32, #tpu.memory_space<hbm>>
      %dma_wait3A_1122 = arith.constant 0 : i32
      %dma_wait3A_1123 = tpu.memref_slice %arg4[%dma_wait3A_1122] : memref<3276800xf32, #tpu.memory_space<hbm>> -> memref<1024xf32, #tpu.memory_space<hbm>>
      tpu.wait_dma2 semaphore(%arg15 : memref<!tpu.dma_semaphore, #tpu.memory_space<semaphore_mem>>) src(%dma_wait3A_1123 : memref<1024xf32, #tpu.memory_space<hbm>>) dst(%arg7 : memref<1024xf32, #tpu.memory_space<vmem>>)
      %dma_start3A_1124 = arith.constant 0 : i32
      %dma_start3A_1125 = tpu.memref_slice %arg14[%dma_start3A_1124] : memref<1048576xf32, #tpu.memory_space<vmem_shared>> -> memref<1048576xf32, #tpu.memory_space<vmem_shared>>
      %dma_start3A_1126 = arith.constant -1 : i32
      tpu.enqueue_indirect_dma source(%arg7 : memref<1024xf32, #tpu.memory_space<vmem>>) target(%dma_start3A_1125 : memref<1048576xf32, #tpu.memory_space<vmem_shared>>) offsets(%arg6 : memref<1024xi32, #tpu.memory_space<vmem>>) offset_filter(%dma_start3A_1126) semaphore(%arg16 : memref<!tpu.dma_semaphore, #tpu.memory_space<semaphore_mem>>) {add = true}
      %mul3A_1127 = arith.constant 4 : i32
      %mul3A_1128 = arith.muli %scan3A_1094, %mul3A_1127 : i32
      %add3A_1129 = arith.constant 1 : i32
      %add3A_1130 = arith.addi %mul3A_1128, %add3A_1129 : i32
      %dma_wait3A_1131 = arith.constant 0 : i32
      %dma_wait3A_1132 = tpu.memref_slice %arg4[%dma_wait3A_1131] : memref<3276800xf32, #tpu.memory_space<hbm>> -> memref<1024xf32, #tpu.memory_space<hbm>>
      %dma_wait3A_1133 = arith.constant 0 : i32
      %dma_wait3A_1134 = tpu.memref_slice %arg4[%dma_wait3A_1133] : memref<3276800xf32, #tpu.memory_space<hbm>> -> memref<1024xf32, #tpu.memory_space<hbm>>
      tpu.wait_dma2 semaphore(%arg16 : memref<!tpu.dma_semaphore, #tpu.memory_space<semaphore_mem>>) src(%dma_wait3A_1134 : memref<1024xf32, #tpu.memory_space<hbm>>) dst(%arg7 : memref<1024xf32, #tpu.memory_space<vmem>>)
      %add3A_1135 = arith.constant 1 : i32
      %add3A_1136 = arith.addi %add3A_1130, %add3A_1135 : i32
      %ge3A_1137 = arith.constant 200 : i32
      %ge3A_1138 = arith.cmpi sge, %add3A_1136, %ge3A_1137 : i32
      %add3A_1139 = arith.constant 1 : i32
      %add3A_1140 = arith.addi %add3A_1130, %add3A_1139 : i32
      %jit3A_1141 = arith.constant 0 : i32
      %select_n3A_1142 = arith.select %ge3A_1138, %jit3A_1141, %add3A_1140 : i32
      %mul3A_1143 = arith.constant 1024 : i32
      %mul3A_1144 = arith.muli %select_n3A_1142, %mul3A_1143 : i32
      %add3A_1145 = arith.addi %add3A, %mul3A_1144 : i32
      %dma_start3A_1146 = tpu.memref_slice %arg3[%add3A_1145] : memref<6553600xi32, #tpu.memory_space<hbm>> -> memref<1024xi32, #tpu.memory_space<hbm>>
      %dma_start3A_1147 = tpu.memref_slice %arg3[%add3A_1145] : memref<6553600xi32, #tpu.memory_space<hbm>> -> memref<1024xi32, #tpu.memory_space<hbm>>
      tpu.enqueue_dma source(%dma_start3A_1147 : memref<1024xi32, #tpu.memory_space<hbm>>) target(%arg10 : memref<1024xi32, #tpu.memory_space<vmem>>) target_semaphore(%arg15 : memref<!tpu.dma_semaphore, #tpu.memory_space<semaphore_mem>>)
      %add3A_1148 = arith.addi %mul3A_4, %mul3A_1144 : i32
      %dma_start3A_1149 = tpu.memref_slice %arg4[%add3A_1148] : memref<3276800xf32, #tpu.memory_space<hbm>> -> memref<1024xf32, #tpu.memory_space<hbm>>
      %dma_start3A_1150 = tpu.memref_slice %arg4[%add3A_1148] : memref<3276800xf32, #tpu.memory_space<hbm>> -> memref<1024xf32, #tpu.memory_space<hbm>>
      tpu.enqueue_dma source(%dma_start3A_1150 : memref<1024xf32, #tpu.memory_space<hbm>>) target(%arg11 : memref<1024xf32, #tpu.memory_space<vmem>>) target_semaphore(%arg15 : memref<!tpu.dma_semaphore, #tpu.memory_space<semaphore_mem>>)
      %dma_wait3A_1151 = arith.constant 0 : i32
      %dma_wait3A_1152 = tpu.memref_slice %arg3[%dma_wait3A_1151] : memref<6553600xi32, #tpu.memory_space<hbm>> -> memref<1024xi32, #tpu.memory_space<hbm>>
      %dma_wait3A_1153 = arith.constant 0 : i32
      %dma_wait3A_1154 = tpu.memref_slice %arg3[%dma_wait3A_1153] : memref<6553600xi32, #tpu.memory_space<hbm>> -> memref<1024xi32, #tpu.memory_space<hbm>>
      tpu.wait_dma2 semaphore(%arg15 : memref<!tpu.dma_semaphore, #tpu.memory_space<semaphore_mem>>) src(%dma_wait3A_1154 : memref<1024xi32, #tpu.memory_space<hbm>>) dst(%arg6 : memref<1024xi32, #tpu.memory_space<vmem>>)
      %dma_wait3A_1155 = arith.constant 0 : i32
      %dma_wait3A_1156 = tpu.memref_slice %arg4[%dma_wait3A_1155] : memref<3276800xf32, #tpu.memory_space<hbm>> -> memref<1024xf32, #tpu.memory_space<hbm>>
      %dma_wait3A_1157 = arith.constant 0 : i32
      %dma_wait3A_1158 = tpu.memref_slice %arg4[%dma_wait3A_1157] : memref<3276800xf32, #tpu.memory_space<hbm>> -> memref<1024xf32, #tpu.memory_space<hbm>>
      tpu.wait_dma2 semaphore(%arg15 : memref<!tpu.dma_semaphore, #tpu.memory_space<semaphore_mem>>) src(%dma_wait3A_1158 : memref<1024xf32, #tpu.memory_space<hbm>>) dst(%arg7 : memref<1024xf32, #tpu.memory_space<vmem>>)
      %dma_start3A_1159 = arith.constant 0 : i32
      %dma_start3A_1160 = tpu.memref_slice %arg14[%dma_start3A_1159] : memref<1048576xf32, #tpu.memory_space<vmem_shared>> -> memref<1048576xf32, #tpu.memory_space<vmem_shared>>
      %dma_start3A_1161 = arith.constant -1 : i32
      tpu.enqueue_indirect_dma source(%arg9 : memref<1024xf32, #tpu.memory_space<vmem>>) target(%dma_start3A_1160 : memref<1048576xf32, #tpu.memory_space<vmem_shared>>) offsets(%arg8 : memref<1024xi32, #tpu.memory_space<vmem>>) offset_filter(%dma_start3A_1161) semaphore(%arg16 : memref<!tpu.dma_semaphore, #tpu.memory_space<semaphore_mem>>) {add = true}
      %mul3A_1162 = arith.constant 4 : i32
      %mul3A_1163 = arith.muli %scan3A_1094, %mul3A_1162 : i32
      %add3A_1164 = arith.constant 2 : i32
      %add3A_1165 = arith.addi %mul3A_1163, %add3A_1164 : i32
      %dma_wait3A_1166 = arith.constant 0 : i32
      %dma_wait3A_1167 = tpu.memref_slice %arg4[%dma_wait3A_1166] : memref<3276800xf32, #tpu.memory_space<hbm>> -> memref<1024xf32, #tpu.memory_space<hbm>>
      %dma_wait3A_1168 = arith.constant 0 : i32
      %dma_wait3A_1169 = tpu.memref_slice %arg4[%dma_wait3A_1168] : memref<3276800xf32, #tpu.memory_space<hbm>> -> memref<1024xf32, #tpu.memory_space<hbm>>
      tpu.wait_dma2 semaphore(%arg16 : memref<!tpu.dma_semaphore, #tpu.memory_space<semaphore_mem>>) src(%dma_wait3A_1169 : memref<1024xf32, #tpu.memory_space<hbm>>) dst(%arg7 : memref<1024xf32, #tpu.memory_space<vmem>>)
      %add3A_1170 = arith.constant 1 : i32
      %add3A_1171 = arith.addi %add3A_1165, %add3A_1170 : i32
      %ge3A_1172 = arith.constant 200 : i32
      %ge3A_1173 = arith.cmpi sge, %add3A_1171, %ge3A_1172 : i32
      %add3A_1174 = arith.constant 1 : i32
      %add3A_1175 = arith.addi %add3A_1165, %add3A_1174 : i32
      %jit3A_1176 = arith.constant 0 : i32
      %select_n3A_1177 = arith.select %ge3A_1173, %jit3A_1176, %add3A_1175 : i32
      %mul3A_1178 = arith.constant 1024 : i32
      %mul3A_1179 = arith.muli %select_n3A_1177, %mul3A_1178 : i32
      %add3A_1180 = arith.addi %add3A, %mul3A_1179 : i32
      %dma_start3A_1181 = tpu.memref_slice %arg3[%add3A_1180] : memref<6553600xi32, #tpu.memory_space<hbm>> -> memref<1024xi32, #tpu.memory_space<hbm>>
      %dma_start3A_1182 = tpu.memref_slice %arg3[%add3A_1180] : memref<6553600xi32, #tpu.memory_space<hbm>> -> memref<1024xi32, #tpu.memory_space<hbm>>
      tpu.enqueue_dma source(%dma_start3A_1182 : memref<1024xi32, #tpu.memory_space<hbm>>) target(%arg12 : memref<1024xi32, #tpu.memory_space<vmem>>) target_semaphore(%arg15 : memref<!tpu.dma_semaphore, #tpu.memory_space<semaphore_mem>>)
      %add3A_1183 = arith.addi %mul3A_4, %mul3A_1179 : i32
      %dma_start3A_1184 = tpu.memref_slice %arg4[%add3A_1183] : memref<3276800xf32, #tpu.memory_space<hbm>> -> memref<1024xf32, #tpu.memory_space<hbm>>
      %dma_start3A_1185 = tpu.memref_slice %arg4[%add3A_1183] : memref<3276800xf32, #tpu.memory_space<hbm>> -> memref<1024xf32, #tpu.memory_space<hbm>>
      tpu.enqueue_dma source(%dma_start3A_1185 : memref<1024xf32, #tpu.memory_space<hbm>>) target(%arg13 : memref<1024xf32, #tpu.memory_space<vmem>>) target_semaphore(%arg15 : memref<!tpu.dma_semaphore, #tpu.memory_space<semaphore_mem>>)
      %dma_wait3A_1186 = arith.constant 0 : i32
      %dma_wait3A_1187 = tpu.memref_slice %arg3[%dma_wait3A_1186] : memref<6553600xi32, #tpu.memory_space<hbm>> -> memref<1024xi32, #tpu.memory_space<hbm>>
      %dma_wait3A_1188 = arith.constant 0 : i32
      %dma_wait3A_1189 = tpu.memref_slice %arg3[%dma_wait3A_1188] : memref<6553600xi32, #tpu.memory_space<hbm>> -> memref<1024xi32, #tpu.memory_space<hbm>>
      tpu.wait_dma2 semaphore(%arg15 : memref<!tpu.dma_semaphore, #tpu.memory_space<semaphore_mem>>) src(%dma_wait3A_1189 : memref<1024xi32, #tpu.memory_space<hbm>>) dst(%arg6 : memref<1024xi32, #tpu.memory_space<vmem>>)
      %dma_wait3A_1190 = arith.constant 0 : i32
      %dma_wait3A_1191 = tpu.memref_slice %arg4[%dma_wait3A_1190] : memref<3276800xf32, #tpu.memory_space<hbm>> -> memref<1024xf32, #tpu.memory_space<hbm>>
      %dma_wait3A_1192 = arith.constant 0 : i32
      %dma_wait3A_1193 = tpu.memref_slice %arg4[%dma_wait3A_1192] : memref<3276800xf32, #tpu.memory_space<hbm>> -> memref<1024xf32, #tpu.memory_space<hbm>>
      tpu.wait_dma2 semaphore(%arg15 : memref<!tpu.dma_semaphore, #tpu.memory_space<semaphore_mem>>) src(%dma_wait3A_1193 : memref<1024xf32, #tpu.memory_space<hbm>>) dst(%arg7 : memref<1024xf32, #tpu.memory_space<vmem>>)
      %dma_start3A_1194 = arith.constant 0 : i32
      %dma_start3A_1195 = tpu.memref_slice %arg14[%dma_start3A_1194] : memref<1048576xf32, #tpu.memory_space<vmem_shared>> -> memref<1048576xf32, #tpu.memory_space<vmem_shared>>
      %dma_start3A_1196 = arith.constant -1 : i32
      tpu.enqueue_indirect_dma source(%arg11 : memref<1024xf32, #tpu.memory_space<vmem>>) target(%dma_start3A_1195 : memref<1048576xf32, #tpu.memory_space<vmem_shared>>) offsets(%arg10 : memref<1024xi32, #tpu.memory_space<vmem>>) offset_filter(%dma_start3A_1196) semaphore(%arg16 : memref<!tpu.dma_semaphore, #tpu.memory_space<semaphore_mem>>) {add = true}
      %mul3A_1197 = arith.constant 4 : i32
      %mul3A_1198 = arith.muli %scan3A_1094, %mul3A_1197 : i32
      %add3A_1199 = arith.constant 3 : i32
      %add3A_1200 = arith.addi %mul3A_1198, %add3A_1199 : i32
      %dma_wait3A_1201 = arith.constant 0 : i32
      %dma_wait3A_1202 = tpu.memref_slice %arg4[%dma_wait3A_1201] : memref<3276800xf32, #tpu.memory_space<hbm>> -> memref<1024xf32, #tpu.memory_space<hbm>>
      %dma_wait3A_1203 = arith.constant 0 : i32
      %dma_wait3A_1204 = tpu.memref_slice %arg4[%dma_wait3A_1203] : memref<3276800xf32, #tpu.memory_space<hbm>> -> memref<1024xf32, #tpu.memory_space<hbm>>
      tpu.wait_dma2 semaphore(%arg16 : memref<!tpu.dma_semaphore, #tpu.memory_space<semaphore_mem>>) src(%dma_wait3A_1204 : memref<1024xf32, #tpu.memory_space<hbm>>) dst(%arg7 : memref<1024xf32, #tpu.memory_space<vmem>>)
      %add3A_1205 = arith.constant 1 : i32
      %add3A_1206 = arith.addi %add3A_1200, %add3A_1205 : i32
      %ge3A_1207 = arith.constant 200 : i32
      %ge3A_1208 = arith.cmpi sge, %add3A_1206, %ge3A_1207 : i32
      %add3A_1209 = arith.constant 1 : i32
      %add3A_1210 = arith.addi %add3A_1200, %add3A_1209 : i32
      %jit3A_1211 = arith.constant 0 : i32
      %select_n3A_1212 = arith.select %ge3A_1208, %jit3A_1211, %add3A_1210 : i32
      %mul3A_1213 = arith.constant 1024 : i32
      %mul3A_1214 = arith.muli %select_n3A_1212, %mul3A_1213 : i32
      %add3A_1215 = arith.addi %add3A, %mul3A_1214 : i32
      %dma_start3A_1216 = tpu.memref_slice %arg3[%add3A_1215] : memref<6553600xi32, #tpu.memory_space<hbm>> -> memref<1024xi32, #tpu.memory_space<hbm>>
      %dma_start3A_1217 = tpu.memref_slice %arg3[%add3A_1215] : memref<6553600xi32, #tpu.memory_space<hbm>> -> memref<1024xi32, #tpu.memory_space<hbm>>
      tpu.enqueue_dma source(%dma_start3A_1217 : memref<1024xi32, #tpu.memory_space<hbm>>) target(%arg6 : memref<1024xi32, #tpu.memory_space<vmem>>) target_semaphore(%arg15 : memref<!tpu.dma_semaphore, #tpu.memory_space<semaphore_mem>>)
      %add3A_1218 = arith.addi %mul3A_4, %mul3A_1214 : i32
      %dma_start3A_1219 = tpu.memref_slice %arg4[%add3A_1218] : memref<3276800xf32, #tpu.memory_space<hbm>> -> memref<1024xf32, #tpu.memory_space<hbm>>
      %dma_start3A_1220 = tpu.memref_slice %arg4[%add3A_1218] : memref<3276800xf32, #tpu.memory_space<hbm>> -> memref<1024xf32, #tpu.memory_space<hbm>>
      tpu.enqueue_dma source(%dma_start3A_1220 : memref<1024xf32, #tpu.memory_space<hbm>>) target(%arg7 : memref<1024xf32, #tpu.memory_space<vmem>>) target_semaphore(%arg15 : memref<!tpu.dma_semaphore, #tpu.memory_space<semaphore_mem>>)
      %dma_wait3A_1221 = arith.constant 0 : i32
      %dma_wait3A_1222 = tpu.memref_slice %arg3[%dma_wait3A_1221] : memref<6553600xi32, #tpu.memory_space<hbm>> -> memref<1024xi32, #tpu.memory_space<hbm>>
      %dma_wait3A_1223 = arith.constant 0 : i32
      %dma_wait3A_1224 = tpu.memref_slice %arg3[%dma_wait3A_1223] : memref<6553600xi32, #tpu.memory_space<hbm>> -> memref<1024xi32, #tpu.memory_space<hbm>>
      tpu.wait_dma2 semaphore(%arg15 : memref<!tpu.dma_semaphore, #tpu.memory_space<semaphore_mem>>) src(%dma_wait3A_1224 : memref<1024xi32, #tpu.memory_space<hbm>>) dst(%arg6 : memref<1024xi32, #tpu.memory_space<vmem>>)
      %dma_wait3A_1225 = arith.constant 0 : i32
      %dma_wait3A_1226 = tpu.memref_slice %arg4[%dma_wait3A_1225] : memref<3276800xf32, #tpu.memory_space<hbm>> -> memref<1024xf32, #tpu.memory_space<hbm>>
      %dma_wait3A_1227 = arith.constant 0 : i32
      %dma_wait3A_1228 = tpu.memref_slice %arg4[%dma_wait3A_1227] : memref<3276800xf32, #tpu.memory_space<hbm>> -> memref<1024xf32, #tpu.memory_space<hbm>>
      tpu.wait_dma2 semaphore(%arg15 : memref<!tpu.dma_semaphore, #tpu.memory_space<semaphore_mem>>) src(%dma_wait3A_1228 : memref<1024xf32, #tpu.memory_space<hbm>>) dst(%arg7 : memref<1024xf32, #tpu.memory_space<vmem>>)
      %dma_start3A_1229 = arith.constant 0 : i32
      %dma_start3A_1230 = tpu.memref_slice %arg14[%dma_start3A_1229] : memref<1048576xf32, #tpu.memory_space<vmem_shared>> -> memref<1048576xf32, #tpu.memory_space<vmem_shared>>
      %dma_start3A_1231 = arith.constant -1 : i32
      tpu.enqueue_indirect_dma source(%arg13 : memref<1024xf32, #tpu.memory_space<vmem>>) target(%dma_start3A_1230 : memref<1048576xf32, #tpu.memory_space<vmem_shared>>) offsets(%arg12 : memref<1024xi32, #tpu.memory_space<vmem>>) offset_filter(%dma_start3A_1231) semaphore(%arg16 : memref<!tpu.dma_semaphore, #tpu.memory_space<semaphore_mem>>) {add = true}
    }
    %scan3A_1057 = arith.constant 50 : i32
    %dma_wait3A = arith.constant 0 : i32
    %dma_wait3A_1058 = tpu.memref_slice %arg3[%dma_wait3A] : memref<6553600xi32, #tpu.memory_space<hbm>> -> memref<1024xi32, #tpu.memory_space<hbm>>
    %dma_wait3A_1059 = arith.constant 0 : i32
    %dma_wait3A_1060 = tpu.memref_slice %arg3[%dma_wait3A_1059] : memref<6553600xi32, #tpu.memory_space<hbm>> -> memref<1024xi32, #tpu.memory_space<hbm>>
    tpu.wait_dma2 semaphore(%arg15 : memref<!tpu.dma_semaphore, #tpu.memory_space<semaphore_mem>>) src(%dma_wait3A_1060 : memref<1024xi32, #tpu.memory_space<hbm>>) dst(%arg6 : memref<1024xi32, #tpu.memory_space<vmem>>)
    %dma_wait3A_1061 = arith.constant 0 : i32
    %dma_wait3A_1062 = tpu.memref_slice %arg4[%dma_wait3A_1061] : memref<3276800xf32, #tpu.memory_space<hbm>> -> memref<1024xf32, #tpu.memory_space<hbm>>
    %dma_wait3A_1063 = arith.constant 0 : i32
    %dma_wait3A_1064 = tpu.memref_slice %arg4[%dma_wait3A_1063] : memref<3276800xf32, #tpu.memory_space<hbm>> -> memref<1024xf32, #tpu.memory_space<hbm>>
    tpu.wait_dma2 semaphore(%arg15 : memref<!tpu.dma_semaphore, #tpu.memory_space<semaphore_mem>>) src(%dma_wait3A_1064 : memref<1024xf32, #tpu.memory_space<hbm>>) dst(%arg7 : memref<1024xf32, #tpu.memory_space<vmem>>)
    %dma_wait3A_1065 = arith.constant 0 : i32
    %dma_wait3A_1066 = tpu.memref_slice %arg4[%dma_wait3A_1065] : memref<3276800xf32, #tpu.memory_space<hbm>> -> memref<1024xf32, #tpu.memory_space<hbm>>
    %dma_wait3A_1067 = arith.constant 0 : i32
    %dma_wait3A_1068 = tpu.memref_slice %arg4[%dma_wait3A_1067] : memref<3276800xf32, #tpu.memory_space<hbm>> -> memref<1024xf32, #tpu.memory_space<hbm>>
    tpu.wait_dma2 semaphore(%arg16 : memref<!tpu.dma_semaphore, #tpu.memory_space<semaphore_mem>>) src(%dma_wait3A_1068 : memref<1024xf32, #tpu.memory_space<hbm>>) dst(%arg7 : memref<1024xf32, #tpu.memory_space<vmem>>)
    %dma_wait3A_1069 = arith.constant 0 : i32
    %dma_wait3A_1070 = tpu.memref_slice %arg4[%dma_wait3A_1069] : memref<3276800xf32, #tpu.memory_space<hbm>> -> memref<1024xf32, #tpu.memory_space<hbm>>
    %dma_wait3A_1071 = arith.constant 0 : i32
    %dma_wait3A_1072 = tpu.memref_slice %arg4[%dma_wait3A_1071] : memref<3276800xf32, #tpu.memory_space<hbm>> -> memref<1024xf32, #tpu.memory_space<hbm>>
    tpu.wait_dma2 semaphore(%arg16 : memref<!tpu.dma_semaphore, #tpu.memory_space<semaphore_mem>>) src(%dma_wait3A_1072 : memref<1024xf32, #tpu.memory_space<hbm>>) dst(%arg7 : memref<1024xf32, #tpu.memory_space<vmem>>)
    %dma_wait3A_1073 = arith.constant 0 : i32
    %dma_wait3A_1074 = tpu.memref_slice %arg4[%dma_wait3A_1073] : memref<3276800xf32, #tpu.memory_space<hbm>> -> memref<1024xf32, #tpu.memory_space<hbm>>
    %dma_wait3A_1075 = arith.constant 0 : i32
    %dma_wait3A_1076 = tpu.memref_slice %arg4[%dma_wait3A_1075] : memref<3276800xf32, #tpu.memory_space<hbm>> -> memref<1024xf32, #tpu.memory_space<hbm>>
    tpu.wait_dma2 semaphore(%arg16 : memref<!tpu.dma_semaphore, #tpu.memory_space<semaphore_mem>>) src(%dma_wait3A_1076 : memref<1024xf32, #tpu.memory_space<hbm>>) dst(%arg7 : memref<1024xf32, #tpu.memory_space<vmem>>)
    %barrier3A_1077 = arith.constant 0 : index
    tpu.barrier barrier_id(%barrier3A_1077)
    %add3A_1078 = arith.constant 0 : i32
    %add3A_1079 = arith.addi %multiple_of3A_12, %add3A_1078 : i32
    %add3A_1080 = arith.constant 0 : i32
    %add3A_1081 = arith.addi %multiple_of3A, %add3A_1080 : i32
    "tpu.region"() ({
      %run_scoped3A = tpu.sem_alloc : memref<!tpu.dma_semaphore, #tpu.memory_space<semaphore_mem>>
      %dma_start3A_1094 = tpu.memref_slice %arg5[%add3A_1081] : memref<2097152xf32, #tpu.memory_space<hbm>> -> memref<16384xf32, #tpu.memory_space<hbm>>
      %dma_start3A_1095 = tpu.memref_slice %arg14[%add3A_1079] : memref<1048576xf32, #tpu.memory_space<vmem_shared>> -> memref<16384xf32, #tpu.memory_space<vmem_shared>>
      tpu.enqueue_dma source(%dma_start3A_1095 : memref<16384xf32, #tpu.memory_space<vmem_shared>>) target(%dma_start3A_1094 : memref<16384xf32, #tpu.memory_space<hbm>>) target_semaphore(%run_scoped3A : memref<!tpu.dma_semaphore, #tpu.memory_space<semaphore_mem>>)
      %dma_wait3A_1096 = tpu.memref_slice %arg5[%add3A_1081] : memref<2097152xf32, #tpu.memory_space<hbm>> -> memref<16384xf32, #tpu.memory_space<hbm>>
      %dma_wait3A_1097 = tpu.memref_slice %arg14[%add3A_1079] : memref<1048576xf32, #tpu.memory_space<vmem_shared>> -> memref<16384xf32, #tpu.memory_space<vmem_shared>>
      tpu.wait_dma2 semaphore(%run_scoped3A : memref<!tpu.dma_semaphore, #tpu.memory_space<semaphore_mem>>) src(%dma_wait3A_1097 : memref<16384xf32, #tpu.memory_space<vmem_shared>>) dst(%dma_wait3A_1096 : memref<16384xf32, #tpu.memory_space<hbm>>)
      tpu.yield
    }) : () -> ()
    %add3A_1082 = arith.constant 16384 : i32
    %add3A_1083 = arith.addi %multiple_of3A_12, %add3A_1082 : i32
    %add3A_1084 = arith.constant 16384 : i32
    %add3A_1085 = arith.addi %multiple_of3A, %add3A_1084 : i32
    "tpu.region"() ({
      %run_scoped3A = tpu.sem_alloc : memref<!tpu.dma_semaphore, #tpu.memory_space<semaphore_mem>>
      %dma_start3A_1094 = tpu.memref_slice %arg5[%add3A_1085] : memref<2097152xf32, #tpu.memory_space<hbm>> -> memref<16384xf32, #tpu.memory_space<hbm>>
      %dma_start3A_1095 = tpu.memref_slice %arg14[%add3A_1083] : memref<1048576xf32, #tpu.memory_space<vmem_shared>> -> memref<16384xf32, #tpu.memory_space<vmem_shared>>
      tpu.enqueue_dma source(%dma_start3A_1095 : memref<16384xf32, #tpu.memory_space<vmem_shared>>) target(%dma_start3A_1094 : memref<16384xf32, #tpu.memory_space<hbm>>) target_semaphore(%run_scoped3A : memref<!tpu.dma_semaphore, #tpu.memory_space<semaphore_mem>>)
      %dma_wait3A_1096 = tpu.memref_slice %arg5[%add3A_1085] : memref<2097152xf32, #tpu.memory_space<hbm>> -> memref<16384xf32, #tpu.memory_space<hbm>>
      %dma_wait3A_1097 = tpu.memref_slice %arg14[%add3A_1083] : memref<1048576xf32, #tpu.memory_space<vmem_shared>> -> memref<16384xf32, #tpu.memory_space<vmem_shared>>
      tpu.wait_dma2 semaphore(%run_scoped3A : memref<!tpu.dma_semaphore, #tpu.memory_space<semaphore_mem>>) src(%dma_wait3A_1097 : memref<16384xf32, #tpu.memory_space<vmem_shared>>) dst(%dma_wait3A_1096 : memref<16384xf32, #tpu.memory_space<hbm>>)
      tpu.yield
    }) : () -> ()
    %add3A_1086 = arith.constant 32768 : i32
    %add3A_1087 = arith.addi %multiple_of3A_12, %add3A_1086 : i32
    %add3A_1088 = arith.constant 32768 : i32
    %add3A_1089 = arith.addi %multiple_of3A, %add3A_1088 : i32
    "tpu.region"() ({
      %run_scoped3A = tpu.sem_alloc : memref<!tpu.dma_semaphore, #tpu.memory_space<semaphore_mem>>
      %dma_start3A_1094 = tpu.memref_slice %arg5[%add3A_1089] : memref<2097152xf32, #tpu.memory_space<hbm>> -> memref<16384xf32, #tpu.memory_space<hbm>>
      %dma_start3A_1095 = tpu.memref_slice %arg14[%add3A_1087] : memref<1048576xf32, #tpu.memory_space<vmem_shared>> -> memref<16384xf32, #tpu.memory_space<vmem_shared>>
      tpu.enqueue_dma source(%dma_start3A_1095 : memref<16384xf32, #tpu.memory_space<vmem_shared>>) target(%dma_start3A_1094 : memref<16384xf32, #tpu.memory_space<hbm>>) target_semaphore(%run_scoped3A : memref<!tpu.dma_semaphore, #tpu.memory_space<semaphore_mem>>)
      %dma_wait3A_1096 = tpu.memref_slice %arg5[%add3A_1089] : memref<2097152xf32, #tpu.memory_space<hbm>> -> memref<16384xf32, #tpu.memory_space<hbm>>
      %dma_wait3A_1097 = tpu.memref_slice %arg14[%add3A_1087] : memref<1048576xf32, #tpu.memory_space<vmem_shared>> -> memref<16384xf32, #tpu.memory_space<vmem_shared>>
      tpu.wait_dma2 semaphore(%run_scoped3A : memref<!tpu.dma_semaphore, #tpu.memory_space<semaphore_mem>>) src(%dma_wait3A_1097 : memref<16384xf32, #tpu.memory_space<vmem_shared>>) dst(%dma_wait3A_1096 : memref<16384xf32, #tpu.memory_space<hbm>>)
      tpu.yield
    }) : () -> ()
    %add3A_1090 = arith.constant 49152 : i32
    %add3A_1091 = arith.addi %multiple_of3A_12, %add3A_1090 : i32
    %add3A_1092 = arith.constant 49152 : i32
    %add3A_1093 = arith.addi %multiple_of3A, %add3A_1092 : i32
    "tpu.region"() ({
      %run_scoped3A = tpu.sem_alloc : memref<!tpu.dma_semaphore, #tpu.memory_space<semaphore_mem>>
      %dma_start3A_1094 = tpu.memref_slice %arg5[%add3A_1093] : memref<2097152xf32, #tpu.memory_space<hbm>> -> memref<16384xf32, #tpu.memory_space<hbm>>
      %dma_start3A_1095 = tpu.memref_slice %arg14[%add3A_1091] : memref<1048576xf32, #tpu.memory_space<vmem_shared>> -> memref<16384xf32, #tpu.memory_space<vmem_shared>>
      tpu.enqueue_dma source(%dma_start3A_1095 : memref<16384xf32, #tpu.memory_space<vmem_shared>>) target(%dma_start3A_1094 : memref<16384xf32, #tpu.memory_space<hbm>>) target_semaphore(%run_scoped3A : memref<!tpu.dma_semaphore, #tpu.memory_space<semaphore_mem>>)
      %dma_wait3A_1096 = tpu.memref_slice %arg5[%add3A_1093] : memref<2097152xf32, #tpu.memory_space<hbm>> -> memref<16384xf32, #tpu.memory_space<hbm>>
      %dma_wait3A_1097 = tpu.memref_slice %arg14[%add3A_1091] : memref<1048576xf32, #tpu.memory_space<vmem_shared>> -> memref<16384xf32, #tpu.memory_space<vmem_shared>>
      tpu.wait_dma2 semaphore(%run_scoped3A : memref<!tpu.dma_semaphore, #tpu.memory_space<semaphore_mem>>) src(%dma_wait3A_1097 : memref<16384xf32, #tpu.memory_space<vmem_shared>>) dst(%dma_wait3A_1096 : memref<16384xf32, #tpu.memory_space<hbm>>)
      tpu.yield
    }) : () -> ()
    return
  }
}

module attributes {stable_mosaic.version = 14 : i64} {
  func.func @_tc_body(%arg0: i32, %arg1: memref<6x2048xf32, #tpu.memory_space<vmem>>, %arg2: memref<1x2048xf32, #tpu.memory_space<vmem>>, %arg3: memref<2x32x2048xi32, #tpu.memory_space<vmem>>, %arg4: memref<32x2048xf32, #tpu.memory_space<vmem>>) attributes {dimension_semantics = [#tpu.dimension_semantics<arbitrary>], iteration_bounds = array<i64: 50>, scalar_prefetch = 0 : i64, scratch_operands = 0 : i64, tpu.core_type = #tpu.core_type<tc>, window_params = [{transform_indices = @transform_0, window_bounds = array<i64: 6, 2048>}, {transform_indices = @transform_1, window_bounds = array<i64: 1, 2048>}, {transform_indices = @transform_2, window_bounds = array<i64: 2, 32, 2048>}, {transform_indices = @transform_3, window_bounds = array<i64: 32, 2048>}]} {
    %get3A = arith.constant 0 : index
    %get3A_0 = arith.constant 0 : index
    %get3A_1 = vector.load %arg1[%get3A, %get3A_0] : memref<6x2048xf32, #tpu.memory_space<vmem>>, vector<1x2048xf32>
    %get3A_2 = arith.constant 1 : index
    %get3A_3 = arith.constant 0 : index
    %get3A_4 = vector.load %arg1[%get3A_2, %get3A_3] : memref<6x2048xf32, #tpu.memory_space<vmem>>, vector<1x2048xf32>
    %get3A_5 = arith.constant 2 : index
    %get3A_6 = arith.constant 0 : index
    %get3A_7 = vector.load %arg1[%get3A_5, %get3A_6] : memref<6x2048xf32, #tpu.memory_space<vmem>>, vector<1x2048xf32>
    %get3A_8 = arith.constant 3 : index
    %get3A_9 = arith.constant 0 : index
    %get3A_10 = vector.load %arg1[%get3A_8, %get3A_9] : memref<6x2048xf32, #tpu.memory_space<vmem>>, vector<1x2048xf32>
    %sub3A = arith.subf %get3A_10, %get3A_1 : vector<1x2048xf32>
    %get3A_11 = arith.constant 4 : index
    %get3A_12 = arith.constant 0 : index
    %get3A_13 = vector.load %arg1[%get3A_11, %get3A_12] : memref<6x2048xf32, #tpu.memory_space<vmem>>, vector<1x2048xf32>
    %sub3A_14 = arith.subf %get3A_13, %get3A_4 : vector<1x2048xf32>
    %get3A_15 = arith.constant 5 : index
    %get3A_16 = arith.constant 0 : index
    %get3A_17 = vector.load %arg1[%get3A_15, %get3A_16] : memref<6x2048xf32, #tpu.memory_space<vmem>>, vector<1x2048xf32>
    %sub3A_18 = arith.subf %get3A_17, %get3A_7 : vector<1x2048xf32>
    %get3A_19 = arith.constant 0 : index
    %get3A_20 = arith.constant 0 : index
    %get3A_21 = vector.load %arg2[%get3A_19, %get3A_20] : memref<1x2048xf32, #tpu.memory_space<vmem>>, vector<1x2048xf32>
    %mul3A = arith.mulf %sub3A, %sub3A : vector<1x2048xf32>
    %mul3A_22 = arith.mulf %sub3A_14, %sub3A_14 : vector<1x2048xf32>
    %add3A = arith.addf %mul3A, %mul3A_22 : vector<1x2048xf32>
    %mul3A_23 = arith.mulf %sub3A_18, %sub3A_18 : vector<1x2048xf32>
    %add3A_24 = arith.addf %add3A, %mul3A_23 : vector<1x2048xf32>
    %sqrt3A = math.sqrt %add3A_24 : vector<1x2048xf32>
    %mul3A_25 = arith.constant 3.125000e-02 : f32
    %mul3A_26 = vector.broadcast %mul3A_25 : f32 to vector<1x2048xf32>
    %mul3A_27 = arith.mulf %sqrt3A, %mul3A_26 : vector<1x2048xf32>
    %mul3A_28 = arith.mulf %mul3A_27, %get3A_21 : vector<1x2048xf32>
    %broadcast_in_dim3A = vector.shape_cast %mul3A_28 : vector<1x2048xf32> to vector<1x2048xf32>
    %broadcast_in_dim3A_29 = vector.broadcast %broadcast_in_dim3A : vector<1x2048xf32> to vector<32x2048xf32>
    %swap3A = arith.constant 0 : index
    %swap3A_30 = arith.constant 0 : index
    %swap3A_31 = vector.load %arg4[%swap3A, %swap3A_30] : memref<32x2048xf32, #tpu.memory_space<vmem>>, vector<32x2048xf32>
    tpu.vector_store %arg4[%swap3A, %swap3A_30], %broadcast_in_dim3A_29 {strides = array<i32>} : memref<32x2048xf32, #tpu.memory_space<vmem>>, vector<32x2048xf32>,
    %iota3A = tpu.iota {dimensions = array<i32: 0>} : vector<32x1xi32>
    %convert_element_type3A = arith.sitofp %iota3A : vector<32x1xi32> to vector<32x1xf32>
    %add3A_32 = arith.constant 5.000000e-01 : f32
    %add3A_33 = vector.broadcast %add3A_32 : f32 to vector<32x1xf32>
    %add3A_34 = arith.addf %convert_element_type3A, %add3A_33 : vector<32x1xf32>
    %mul3A_35 = arith.constant 3.125000e-02 : f32
    %mul3A_36 = vector.broadcast %mul3A_35 : f32 to vector<32x1xf32>
    %mul3A_37 = arith.mulf %add3A_34, %mul3A_36 : vector<32x1xf32>
    %mul3A_38 = vector.broadcast %mul3A_37 : vector<32x1xf32> to vector<32x2048xf32>
    %mul3A_39 = vector.broadcast %sub3A : vector<1x2048xf32> to vector<32x2048xf32>
    %mul3A_40 = arith.mulf %mul3A_38, %mul3A_39 : vector<32x2048xf32>
    %add3A_41 = vector.broadcast %get3A_1 : vector<1x2048xf32> to vector<32x2048xf32>
    %add3A_42 = arith.addf %add3A_41, %mul3A_40 : vector<32x2048xf32>
    %add3A_43 = arith.constant 6.400000e+01 : f32
    %add3A_44 = vector.broadcast %add3A_43 : f32 to vector<32x2048xf32>
    %add3A_45 = arith.addf %add3A_42, %add3A_44 : vector<32x2048xf32>
    %mul3A_46 = vector.broadcast %mul3A_37 : vector<32x1xf32> to vector<32x2048xf32>
    %mul3A_47 = vector.broadcast %sub3A_14 : vector<1x2048xf32> to vector<32x2048xf32>
    %mul3A_48 = arith.mulf %mul3A_46, %mul3A_47 : vector<32x2048xf32>
    %add3A_49 = vector.broadcast %get3A_4 : vector<1x2048xf32> to vector<32x2048xf32>
    %add3A_50 = arith.addf %add3A_49, %mul3A_48 : vector<32x2048xf32>
    %add3A_51 = arith.constant 6.400000e+01 : f32
    %add3A_52 = vector.broadcast %add3A_51 : f32 to vector<32x2048xf32>
    %add3A_53 = arith.addf %add3A_50, %add3A_52 : vector<32x2048xf32>
    %mul3A_54 = vector.broadcast %mul3A_37 : vector<32x1xf32> to vector<32x2048xf32>
    %mul3A_55 = vector.broadcast %sub3A_18 : vector<1x2048xf32> to vector<32x2048xf32>
    %mul3A_56 = arith.mulf %mul3A_54, %mul3A_55 : vector<32x2048xf32>
    %add3A_57 = vector.broadcast %get3A_7 : vector<1x2048xf32> to vector<32x2048xf32>
    %add3A_58 = arith.addf %add3A_57, %mul3A_56 : vector<32x2048xf32>
    %add3A_59 = arith.constant 6.400000e+01 : f32
    %add3A_60 = vector.broadcast %add3A_59 : f32 to vector<32x2048xf32>
    %add3A_61 = arith.addf %add3A_58, %add3A_60 : vector<32x2048xf32>
    %floor3A = math.floor %add3A_45 : vector<32x2048xf32>
    %floor3A_62 = math.floor %add3A_53 : vector<32x2048xf32>
    %floor3A_63 = math.floor %add3A_61 : vector<32x2048xf32>
    %ge3A = arith.constant 0.000000e+00 : f32
    %ge3A_64 = vector.broadcast %ge3A : f32 to vector<32x2048xf32>
    %ge3A_65 = arith.cmpf oge, %floor3A, %ge3A_64 : vector<32x2048xf32>
    %lt3A = arith.constant 1.280000e+02 : f32
    %lt3A_66 = vector.broadcast %lt3A : f32 to vector<32x2048xf32>
    %lt3A_67 = arith.cmpf olt, %floor3A, %lt3A_66 : vector<32x2048xf32>
    %and3A = arith.andi %ge3A_65, %lt3A_67 : vector<32x2048xi1>
    %ge3A_68 = arith.constant 0.000000e+00 : f32
    %ge3A_69 = vector.broadcast %ge3A_68 : f32 to vector<32x2048xf32>
    %ge3A_70 = arith.cmpf oge, %floor3A_62, %ge3A_69 : vector<32x2048xf32>
    %and3A_71 = arith.andi %and3A, %ge3A_70 : vector<32x2048xi1>
    %lt3A_72 = arith.constant 1.280000e+02 : f32
    %lt3A_73 = vector.broadcast %lt3A_72 : f32 to vector<32x2048xf32>
    %lt3A_74 = arith.cmpf olt, %floor3A_62, %lt3A_73 : vector<32x2048xf32>
    %and3A_75 = arith.andi %and3A_71, %lt3A_74 : vector<32x2048xi1>
    %ge3A_76 = arith.constant 0.000000e+00 : f32
    %ge3A_77 = vector.broadcast %ge3A_76 : f32 to vector<32x2048xf32>
    %ge3A_78 = arith.cmpf oge, %floor3A_63, %ge3A_77 : vector<32x2048xf32>
    %and3A_79 = arith.andi %and3A_75, %ge3A_78 : vector<32x2048xi1>
    %lt3A_80 = arith.constant 1.280000e+02 : f32
    %lt3A_81 = vector.broadcast %lt3A_80 : f32 to vector<32x2048xf32>
    %lt3A_82 = arith.cmpf olt, %floor3A_63, %lt3A_81 : vector<32x2048xf32>
    %and3A_83 = arith.andi %and3A_79, %lt3A_82 : vector<32x2048xi1>
    %convert_element_type3A_84 = arith.fptosi %floor3A : vector<32x2048xf32> to vector<32x2048xi32>
    %convert_element_type3A_85 = arith.fptosi %floor3A_62 : vector<32x2048xf32> to vector<32x2048xi32>
    %convert_element_type3A_86 = arith.fptosi %floor3A_63 : vector<32x2048xf32> to vector<32x2048xi32>
    %shift_left3A = arith.constant 14 : i32
    %shift_left3A_87 = vector.broadcast %shift_left3A : i32 to vector<32x2048xi32>
    %shift_left3A_88 = arith.shli %convert_element_type3A_84, %shift_left3A_87 : vector<32x2048xi32>
    %shift_left3A_89 = arith.constant 7 : i32
    %shift_left3A_90 = vector.broadcast %shift_left3A_89 : i32 to vector<32x2048xi32>
    %shift_left3A_91 = arith.shli %convert_element_type3A_85, %shift_left3A_90 : vector<32x2048xi32>
    %or3A = arith.ori %shift_left3A_88, %shift_left3A_91 : vector<32x2048xi32>
    %or3A_92 = arith.ori %or3A, %convert_element_type3A_86 : vector<32x2048xi32>
    %lt3A_93 = arith.constant 1048576 : i32
    %lt3A_94 = vector.broadcast %lt3A_93 : i32 to vector<32x2048xi32>
    %lt3A_95 = arith.cmpi slt, %or3A_92, %lt3A_94 : vector<32x2048xi32>
    %and3A_96 = arith.andi %and3A_83, %lt3A_95 : vector<32x2048xi1>
    %jit3A = arith.constant -1 : i32
    %broadcast_in_dim3A_97 = vector.broadcast %jit3A : i32 to vector<32x2048xi32>
    %select_n3A = arith.select %and3A_96, %or3A_92, %broadcast_in_dim3A_97 : vector<32x2048xi1>, vector<32x2048xi32>
    %swap3A_98 = arith.constant 0 : index
    %swap3A_99 = arith.constant 0 : index
    %swap3A_100 = arith.constant 0 : index
    %swap3A_101 = vector.load %arg3[%swap3A_98, %swap3A_99, %swap3A_100] : memref<2x32x2048xi32, #tpu.memory_space<vmem>>, vector<1x32x2048xi32>
    %swap3A_102 = vector.shape_cast %swap3A_101 : vector<1x32x2048xi32> to vector<32x2048xi32>
    %swap3A_103 = vector.shape_cast %select_n3A : vector<32x2048xi32> to vector<1x32x2048xi32>
    tpu.vector_store %arg3[%swap3A_98, %swap3A_99, %swap3A_100], %swap3A_103 {strides = array<i32>} : memref<2x32x2048xi32, #tpu.memory_space<vmem>>, vector<1x32x2048xi32>,
    %ge3A_104 = arith.constant 1048576 : i32
    %ge3A_105 = vector.broadcast %ge3A_104 : i32 to vector<32x2048xi32>
    %ge3A_106 = arith.cmpi sge, %or3A_92, %ge3A_105 : vector<32x2048xi32>
    %and3A_107 = arith.andi %and3A_83, %ge3A_106 : vector<32x2048xi1>
    %sub3A_108 = arith.constant 1048576 : i32
    %sub3A_109 = vector.broadcast %sub3A_108 : i32 to vector<32x2048xi32>
    %sub3A_110 = arith.subi %or3A_92, %sub3A_109 : vector<32x2048xi32>
    %jit3A_111 = arith.constant -1 : i32
    %broadcast_in_dim3A_112 = vector.broadcast %jit3A_111 : i32 to vector<32x2048xi32>
    %select_n3A_113 = arith.select %and3A_107, %sub3A_110, %broadcast_in_dim3A_112 : vector<32x2048xi1>, vector<32x2048xi32>
    %swap3A_114 = arith.constant 1 : index
    %swap3A_115 = arith.constant 0 : index
    %swap3A_116 = arith.constant 0 : index
    %swap3A_117 = vector.load %arg3[%swap3A_114, %swap3A_115, %swap3A_116] : memref<2x32x2048xi32, #tpu.memory_space<vmem>>, vector<1x32x2048xi32>
    %swap3A_118 = vector.shape_cast %swap3A_117 : vector<1x32x2048xi32> to vector<32x2048xi32>
    %swap3A_119 = vector.shape_cast %select_n3A_113 : vector<32x2048xi32> to vector<1x32x2048xi32>
    tpu.vector_store %arg3[%swap3A_114, %swap3A_115, %swap3A_116], %swap3A_119 {strides = array<i32>} : memref<2x32x2048xi32, #tpu.memory_space<vmem>>, vector<1x32x2048xi32>,
    return
  }
  func.func @transform_0(%arg0: i32) -> (i32, i32) {
    %c0_i32 = arith.constant 0 : i32
    %c0_i32_0 = arith.constant 0 : i32
    return %c0_i32, %arg0 : i32, i32
  }
  func.func @transform_1(%arg0: i32) -> (i32, i32) {
    %c0_i32 = arith.constant 0 : i32
    %c0_i32_0 = arith.constant 0 : i32
    return %c0_i32, %arg0 : i32, i32
  }
  func.func @transform_2(%arg0: i32) -> (i32, i32, i32) {
    %c0_i32 = arith.constant 0 : i32
    %c0_i32_0 = arith.constant 0 : i32
    %c0_i32_1 = arith.constant 0 : i32
    return %c0_i32, %c0_i32_0, %arg0 : i32, i32, i32
  }
  func.func @transform_3(%arg0: i32) -> (i32, i32) {
    %c0_i32 = arith.constant 0 : i32
    %c0_i32_0 = arith.constant 0 : i32
    return %c0_i32, %arg0 : i32, i32
  }
}

</mosaic_0001>

<sc_bundles>
// kernel: kernel.4.cloned.1.call-start
scs
__scs_entry_jumppad:
0x0: {  	(pc) =	sbr.rel $0x88, $3  }
0x1: {  	(tag) =	ssettag $0x0;
	lr =	simm.s32 $0x1  }
0x2: {  	[smem:$0x3F9E] =	sst lr;
	_ =	strace $0xD0000000  }
0x3: {  	_ = 	snop  }
0x4: {  	_ = 	snop  }
0x5: {  	_ = 	snop  }
0x6: {  	_ = 	snop  }
0x7: {  	_ = 	snop  }
__scs_overlays_trampoline_lowered:
0x8: {  	[smem:$0x3FAD] =	sst s0  }
0x9: {  	[smem:$0x3FAE] =	sst s1  }
0xa: {  	[smem:$0x3FAF] =	sst s2  }
0xb: {  	[smem:$0x3FB0] =	sst s3  }
0xc: {  	[smem:$0x3FB1] =	sst s4  }
0xd: {  	[smem:$0x3FB2] =	sst s5  }
0xe: {  	[smem:$0x3FB3] =	sst s6  }
0xf: {  	[smem:$0x3FB4] =	sst s7  }
0x10: {  	[smem:$0x3FB5] =	sst s8  }
0x11: {  	[smem:$0x3FB6] =	sst s9;
	s0 =	simm.s32 @!p0 $0x0  }
0x12: {  	s1 =	sld [smem:$0x3F9C];
	s0 =	simm.s32 @p0 $0x1  }
0x13: {  	[smem:$0x3FB7] =	sst s0;
	s0 =	simm.s32 @!p1 $0x0  }
0x14: {  	s2 =	sld [smem:$0x3F9B];
	s0 =	simm.s32 @p1 $0x1  }
0x15: {  	[smem:$0x3FB8] =	sst s0;
	s0 =	simm.s32 @!p2 $0x0  }
0x16: {  	s3 =	sld [smem:$0x3FDB];
	s0 =	simm.s32 @p2 $0x1  }
0x17: {  	s4 =	simm.s32 $0x1BF5;
	[smem:$0x3FBA] =	sst s0  }
0x18: {  	s0 =	sld [smem:$0x3F9D];
	_ =	swait.ge [sflag:s4], $0x0  }
0x19: {  	s7 =	sld [smem:$0x3F9E]  }
0x1a: {  	s8 =	sadd.s32 $0xFFFFE003, lr  }
0x1b: {  	s9 =	sadd.s32 $0xFFFFFEF7, lr;
	s5 =	simm.s32 $0xFFFFFFFF;
	p2 =	slt.u32 s8, $0xFFFFF086  }
0x1c: {  	p1 =	slt.u32 s9, $0xF7A;
	s5 =	simm.s32 @!p2 $0x0  }
0x1d: {  	s5 =	simm.s32 @p1 $0x1;
	p0 =	seq.s32 s7, s2  }
0x1e: {  	s7 =	smul.u32 @!p0 $0xF7A, s2;
	p2 =	seq.s32 @!p0 s5, $0x0  }
0x1f: {  	s9 =	smul.u32 $0xF7A, s1;
	s8 =	simm.s32 @!p0 $0x1BF5;
	p2 =	por !p2, p0  }
0x20: {  	[sflag:s8] =	ssyncset.s32 @!p0 $0xFFFFF086;
	s6 =	sadd.s32 @!p0 s3, s7;
	s7 =	simm.s32 @!p0 $0x108  }
0x21: {  	s3 =	sadd.s32 s3, s9;
	s6 =	sadd.s32 @!p0 $0x88, s6;
	s7 =	simm.s32 @p2 $0x1082  }
0x22: {  	[simem:s7], [sflag:s8] =	dma.local @!p0 [hbm:s6], $0xF7A  }
0x23: {  	s9 =	sor.u32 $0xD0000000, s2;
	s6 =	simm.s32 $0x108;
	_ =	swait.ge @!p0 [sflag:s8], $0x0  }
0x24: {  	s3 =	sadd.s32 $0x88, s3;
	s6 =	simm.s32 @!p1 $0x1082;
	[sflag:s4] =	ssyncset.s32 $0xFFFFF086  }
0x25: {  	[simem:s6], [sflag:s4] =	dma.local [hbm:s3], $0xF7A  }
0x26: {  	[smem:$0x3F9E] =	sst s1;
	(tag) =	ssettag s2;
	_ =	strace s9  }
0x27: {  	s1 =	sld [smem:$0x3FAE]  }
0x28: {  	s2 =	sld [smem:$0x3FAF]  }
0x29: {  	s4 =	sld [smem:$0x3FB1]  }
0x2a: {  	p0 =	seq.s32 s5, $0x0;
	s5 =	sld [smem:$0x3FB2]  }
0x2b: {  	s6 =	sld [smem:$0x3FB3]  }
0x2c: {  	s7 =	sld [smem:$0x3FB4]  }
0x2d: {  	s3 =	simm.s32 $0x108;
	s8 =	sld [smem:$0x3FB5]  }
0x2e: {  	s3 =	simm.s32 @!p0 $0x1082;
	s9 =	sld [smem:$0x3FB6]  }
0x2f: {  	lr =	sadd.s32 s0, s3;
	s0 =	sld [smem:$0x3FAD]  }
0x30: {  	s3 =	sld [smem:$0x3FB0]  }
0x31: {  	[smem:$0x3FB9] =	sst s10  }
0x32: {  	s10 =	sld [smem:$0x3FB7];
	_ =	sdelay $0x3  }
0x33: {  	p0 =	seq.s32 s10, $0x1;
	s10 =	sld [smem:$0x3FB9];
	_ =	sdelay $0x3  }
0x34: {  	[smem:$0x3FB9] =	sst s10  }
0x35: {  	s10 =	sld [smem:$0x3FB8];
	_ =	sdelay $0x3  }
0x36: {  	p1 =	seq.s32 s10, $0x1;
	s10 =	sld [smem:$0x3FB9];
	_ =	sdelay $0x3  }
0x37: {  	[smem:$0x3FB9] =	sst s10  }
0x38: {  	s10 =	sld [smem:$0x3FBA]  }
0x39: {  	_ = 	snop;
	(pc) =	sbr.ind lr, $3  }
0x3a: {  	_ = 	snop  }
0x3b: {  	_ = 	snop  }
0x3c: {  	p2 =	seq.s32 s10, $0x1;
	s10 =	sld [smem:$0x3FB9]  }
0x3d: {  	_ =	shalt  }
0x3e: {  	_ =	shalt  }
0x3f: {  	_ =	shalt  }
0x40: {  	_ =	shalt  }
0x41: {  	_ =	shalt  }
0x42: {  	_ =	shalt  }
0x43: {  	_ =	shalt  }
0x44: {  	_ =	shalt  }
0x45: {  	_ =	shalt  }
0x46: {  	_ =	shalt  }
0x47: {  	_ =	shalt  }
0x48: {  	_ =	shalt  }
0x49: {  	_ =	shalt  }
0x4a: {  	_ =	shalt  }
0x4b: {  	_ =	shalt  }
0x4c: {  	_ =	shalt  }
0x4d: {  	_ =	shalt  }
0x4e: {  	_ =	shalt  }
0x4f: {  	_ =	shalt  }
0x50: {  	_ =	shalt  }
0x51: {  	_ =	shalt  }
0x52: {  	_ =	shalt  }
0x53: {  	_ =	shalt  }
0x54: {  	_ =	shalt  }
0x55: {  	_ =	shalt  }
0x56: {  	_ =	shalt  }
0x57: {  	_ =	shalt  }
0x58: {  	_ =	shalt  }
0x59: {  	_ =	shalt  }
0x5a: {  	_ =	shalt  }
0x5b: {  	_ =	shalt  }
0x5c: {  	_ =	shalt  }
0x5d: {  	_ =	shalt  }
0x5e: {  	_ =	shalt  }
0x5f: {  	_ =	shalt  }
0x60: {  	_ =	shalt  }
0x61: {  	_ =	shalt  }
0x62: {  	_ =	shalt  }
0x63: {  	_ =	shalt  }
0x64: {  	_ =	shalt  }
0x65: {  	_ =	shalt  }
0x66: {  	_ =	shalt  }
0x67: {  	_ =	shalt  }
0x68: {  	_ =	shalt  }
0x69: {  	_ =	shalt  }
0x6a: {  	_ =	shalt  }
0x6b: {  	_ =	shalt  }
0x6c: {  	_ =	shalt  }
0x6d: {  	_ =	shalt  }
0x6e: {  	_ =	shalt  }
0x6f: {  	_ =	shalt  }
0x70: {  	_ =	shalt  }
0x71: {  	_ =	shalt  }
0x72: {  	_ =	shalt  }
0x73: {  	_ =	shalt  }
0x74: {  	_ =	shalt  }
0x75: {  	_ =	shalt  }
0x76: {  	_ =	shalt  }
0x77: {  	_ =	shalt  }
0x78: {  	_ =	shalt  }
0x79: {  	_ =	shalt  }
0x7a: {  	_ =	shalt  }
0x7b: {  	_ =	shalt  }
0x7c: {  	_ =	shalt  }
0x7d: {  	_ =	shalt  }
0x7e: {  	_ =	shalt  }
0x7f: {  	_ =	shalt  }
0x80: {  	_ =	shalt  }
0x81: {  	_ =	shalt  }
0x82: {  	_ =	shalt  }
0x83: {  	_ =	shalt  }
0x84: {  	_ =	shalt  }
0x85: {  	_ =	shalt  }
0x86: {  	_ =	shalt  }
0x87: {  	_ =	shalt  }
.Lfunc_end0:
.L_simem_size_0:
called_computation_lowered:
.L_overlay_start_0:
0x88: {  	s2 =	sld [smem:$0x3FD9]  }
0x89: {  	s3 =	sld [smem:$0x3FFE];
	_ =	sdelay $0x1  }
0x8a: {  	s1 =	srdreg.scid  }
0x8b: {  	s0 =	sand.u32 $0x1, s1  }
0x8c: {  	s17 =	sshll.u32 s0, $0xA;
	s2 =	sadd.s32 s3, s2  }
0x8d: {  	s2 =	sadd.s32 s2, s17  }
0x8e: {  	[smem:$0x3FC5] =	sst s2  }
0x8f: {  	_ = 	snop  }
0x90: {  	s2 =	sld [smem:$0x3FC9]  }
0x91: {  	s18 =	sld [smem:$0x3FD0];
	(tm) =	ssettm $0x1  }
0x92: {  	s4 =	sld [smem:$0x3FFB];
	_ =	sdelay $0x3  }
0x93: {  	_ =	strace s4  }
0x94: {  	s4 =	sld [smem:$0x3FFC];
	_ =	sdelay $0x3  }
0x95: {  	_ =	strace s4  }
0x96: {  	s4 =	sld [smem:$0x3FFD];
	_ =	sdelay $0x3  }
0x97: {  	_ =	strace s4  }
0x98: {  	_ =	strace $0x8FFFFFFF  }
0x99: {  	s19 =	sld [smem:$0x3FDB];
	_ =	sdelay $0x1  }
0x9a: {  	s5 =	simm.s32 $_scs_section_size  }
0x9b: {  	s6 =	simm.s32 $_size__tile_overlayer_lowered;
	s7 =	simm.s32 $_tile_overlayer_lowered  }
0x9c: {  	s22 =	simm.s32 $0x1BFF;
	s21 =	sshll.u32 s7, $0x1;
	s4 =	sadd.s32 s5, s19  }
0x9d: {  	s8 =	simm.s32 $0x0;
	s20 =	sshll.u32 s6, $0x1;
	s6 =	sadd.s32 s21, s4  }
0x9e: {  	[timem:s8], [sflag:s22] =	dma.local [hbm:s6], s20  }
0x9f: {  	_ =	swait.ge [sflag:s22], s20  }
0xa0: {  	s5 =	ssub.s32 $0x0, s20;
	[sflag:s22] =	ssyncset.done $0x0  }
0xa1: {  	[sflag:s22] =	ssyncadd.s32 s5;
	_ =	sdelay $0x1  }
0xa2: {  	s23 =	simm.s32 $0x1B8B  }
0xa3: {  	_ =	swait.ge [sflag:s23], $0x1  }
0xa4: {  	[sflag:s23] =	ssyncset.done $0x0  }
0xa5: {  	s25 =	simm.s32 $0x1B8E;
	s24 =	sld [smem:$0x3FFE];
	[sflag:s23] =	ssyncadd.s32 $0xFFFFFFFF  }
0xa6: {  	s26 =	simm.s32 $execute0_lowered;
	[smem:$0x3FD2] =	sst s25  }
0xa7: {  	s6 =	sshll.u32 s26, $0x1;
	_ =	strace $0x80000046;
	[dreg:$0x1] =	wrdreg $0xFFFFFFFF  }
0xa8: {  	s28 =	simm.s32 $_size_execute0_lowered;
	s4 =	sadd.s32 s4, s6;
	[dreg:$0x0] =	wrdreg $0x0  }
0xa9: {  	s6 =	sshll.u32 s28, $0x1;
	[dreg:$0x2] =	wrdreg s4  }
0xaa: {  	[dreg:$0x3] =	wrdreg s6  }
0xab: {  	[dreg:$0x4] =	wrdreg $0xC0  }
0xac: {  	_ =	task [dreg:s8], $0x5FFFF  }
0xad: {  	[dreg:$0x1] =	wrdreg $0xFFFFFFFF  }
0xae: {  	[dreg:$0x0] =	wrdreg $0x60  }
0xaf: {  	[dreg:$0x2] =	wrdreg s2  }
0xb0: {  	[dreg:$0x3] =	wrdreg s24  }
0xb1: {  	[dreg:$0x4] =	wrdreg s18  }
0xb2: {  	[dreg:$0x5] =	wrdreg $0x20000  }
0xb3: {  	[dreg:$0x6] =	wrdreg $0x9  }
0xb4: {  	_ =	task.clear_ibuf [dreg:s8], $0x7FFFF;
	_ =	strace $0x90000046  }
0xb5: {  	s29 =	simm.s32 $0x9;
	_ =	strace $0x80000048  }
0xb6: {  	_ =	swait.ge [sflag:s29], $0x1  }
0xb7: {  	[sflag:s29] =	ssyncadd.s32 $0xFFFFFFFF  }
0xb8: {  	_ =	strace $0x90000048  }
0xb9: {  	_ =	sfence  }
0xba: {  	s30 =	sld [smem:$0x0];
	_ =	sdelay $0x2  }
0xbb: {  	s31 =	sshll.u32 s1, $0xD;
	s1 =	sshrl.u32 s1, $0x2  }
0xbc: {  	s3 =	sand.u32 $0x4000, s31;
	s1 =	sadd.s32 s1, s30  }
0xbd: {  	s0 =	sor.u32 s3, s0;
	s1 =	sshll.u32 s1, $0x11  }
0xbe: {  	s0 =	sor.u32 s1, s0  }
0xbf: {  	s0 =	sadd.s32 $0x8F2B, s0  }
0xc0: {  	[sflag:s0] =	ssyncadd.remote.s32 $0x1  }
0xc1: {  	_ =	sfence.sel $0xFFFF  }
0xc2: {  	[dreg:$0x0] =	wrdreg $0xFFFFFFFF;
	(pc) =	sbr.abs _section_cstart, $3  }
0xc3: {  	[dreg:$0x1] =	wrdreg $0xFFFFFFFF  }
0xc4: {  	_ =	task.clear_ibuf [dreg:s8], $0x2FFFF;
	_ =	strace $0x9FFFFFFF  }
0xc5: {  	(tm) =	ssettm $0x7FFFFFFF  }
tec
execute0_lowered:
.L_overlay_start_1:
0x0: {  	(tag) =	ssettag $0x1  }
0x1: {  	s0 =	rddreg [dreg:$0x0]  }
0x2: {  	s3 =	rddreg [dreg:$0x1]  }
0x3: {  	s8 =	rddreg [dreg:$0x2]  }
0x4: {  	s1 =	rddreg [dreg:$0x3]  }
0x5: {  	s2 =	simm.s32 $0x0;
	s5 =	srdreg.scid;
	s13 =	stileid.u32  }
0x6: {  	s28 =	simm.s32 $0x2;
	s29 =	simm.s32 $0x1;
	s30 =	simm.s32 $0x1000  }
0x7: {  	s31 =	simm.s32 $0x1800;
	[smem:$0x7FF] =	sst s2;
	s4 =	sadd.s32 $0xC8600, s3  }
0x8: {  	s6 =	sand.u32 $0x1, s5;
	s5 =	smul.u32 $0x32000, s13;
	s11 =	sshll.u32 s13, $0x10  }
0x9: {  	s19 =	sshll.u32 s13, $0x6;
	s13 =	smul.u32 $0x6400, s13;
	_ =	strace $0x80000047  }
0xa: {  	s7 =	ssub.s32 $0x2, s6;
	s9 =	smul.u32 $0x320000, s6;
	s10 =	sshll.u32 s6, $0x14  }
0xb: {  	s6 =	sadd.s32 $0x600, s3;
	s18 =	sshrl.u32 s7, $0x1;
	s10 =	sor.u32 s11, s10  }
0xc: {  	s11 =	sadd.s32 s11, s1;
	s12 =	sshrl.u32 s5, $0x3;
	s13 =	sadd.s32 s13, s6  }
0xd: {  	s3 =	ssub.s32 s7, s18;
	s7 =	sadd.s32 s5, s9;
	s10 =	sshrl.u32 s10, $0x3  }
0xe: {  	s9 =	sor.u32 $0x1C03, s19;
	s21 =	sadd.s32 s6, s12;
	s23 =	sadd.s32 $0x4000, s11  }
0xf: {  	s15 =	sadd.s32 $0x8000, s11;
	s25 =	sadd.s32 $0xC000, s11;
	[dreg:$0x6] =	wrdreg s13  }
0x10: {  	s18 =	sshrl.u32 s11, $0x3;
	s19 =	simm.s32 $0x3;
	s0 =	sadd.s32 s0, s10  }
0x11: {  	s20 =	sshrl.u32 s7, $0x3;
	[dreg:$0xa] =	wrdreg s21;
	s12 =	sadd.s32 s8, s10  }
0x12: {  	s14 =	sor.u32 $0xC00, s7;
	s24 =	sor.u32 $0x800, s7;
	s16 =	sor.u32 $0x400, s7  }
0x13: {  	s21 =	simm.s32 $0x800;
	s23 =	sshrl.u32 s23, $0x3;
	s25 =	sshrl.u32 s25, $0x3  }
0x14: {  	[dreg:$0x8] =	wrdreg s0;
	s0 =	sadd.s32 s4, s20;
	s22 =	sadd.s32 $0x800, s12  }
0x15: {  	s10 =	sadd.s32 $0x1000, s12;
	s8 =	sshrl.u32 s14, $0x3;
	[dreg:$0x9] =	wrdreg s0  }
0x16: {  	s14 =	sadd.s32 $0x1800, s12;
	s26 =	sshrl.u32 s16, $0x3;
	[dreg:$0xb] =	wrdreg s22  }
0x17: {  	s16 =	smax.u32 s3, $0x1;
	s20 =	simm.s32 $0x400;
	[dreg:$0xc] =	wrdreg s10  }
0x18: {  	s3 =	simm.s32 $0x0;
	[dreg:$0xd] =	wrdreg s14;
	s8 =	sadd.s32 s8, s4  }
0x19: {  	s17 =	sadd.s32 s26, s4;
	[dreg:$0x5] =	wrdreg s8;
	s8 =	sshrl.u32 s24, $0x3  }
0x1a: {  	s22 =	simm.s32 $0xC00;
	s26 =	simm.s32 $0x1400;
	s8 =	sadd.s32 s8, s4  }
0x1b: {  	v0 =	vimm.s32 $0xFFFFFFFF;
	s0 =	simm.s32 $0x1C00;
	s24 =	sshrl.u32 s15, $0x3;
	[dreg:$0x7] =	wrdreg s8  }
.LBB2_1:
0x1c: {  	s8 =	rddreg [dreg:$0x8]  }
0x1d: {  	[spmem:s18], [sflag:s9] =	dma.local [hbm:s8], $0x2000  }
0x1e: {  	_ =	swait.ge [sflag:s19], $0x2000  }
0x1f: {  	[sflag:s19] =	ssyncset.done $0x0  }
0x20: {  	[sflag:s19] =	ssyncadd.s32 $0xFFFFE000  }
0x21: {  	[tilespmem:$0x0] =	vst v0  }
0x22: {  	[tilespmem:$0x10] =	vst v0  }
0x23: {  	[tilespmem:$0x20] =	vst v0  }
0x24: {  	[tilespmem:$0x30] =	vst v0  }
0x25: {  	[tilespmem:$0x40] =	vst v0  }
0x26: {  	[tilespmem:$0x50] =	vst v0  }
0x27: {  	[tilespmem:$0x60] =	vst v0  }
0x28: {  	[tilespmem:$0x70] =	vst v0  }
0x29: {  	[tilespmem:$0x80] =	vst v0  }
0x2a: {  	[tilespmem:$0x90] =	vst v0  }
0x2b: {  	[tilespmem:$0xA0] =	vst v0  }
0x2c: {  	[tilespmem:$0xB0] =	vst v0  }
0x2d: {  	[tilespmem:$0xC0] =	vst v0  }
0x2e: {  	[tilespmem:$0xD0] =	vst v0  }
0x2f: {  	[tilespmem:$0xE0] =	vst v0  }
0x30: {  	[tilespmem:$0xF0] =	vst v0  }
0x31: {  	[tilespmem:$0x100] =	vst v0  }
0x32: {  	[tilespmem:$0x110] =	vst v0  }
0x33: {  	[tilespmem:$0x120] =	vst v0  }
0x34: {  	[tilespmem:$0x130] =	vst v0  }
0x35: {  	[tilespmem:$0x140] =	vst v0  }
0x36: {  	[tilespmem:$0x150] =	vst v0  }
0x37: {  	[tilespmem:$0x160] =	vst v0  }
0x38: {  	[tilespmem:$0x170] =	vst v0  }
0x39: {  	[tilespmem:$0x180] =	vst v0  }
0x3a: {  	[tilespmem:$0x190] =	vst v0  }
0x3b: {  	[tilespmem:$0x1A0] =	vst v0  }
0x3c: {  	[tilespmem:$0x1B0] =	vst v0  }
0x3d: {  	[tilespmem:$0x1C0] =	vst v0  }
0x3e: {  	[tilespmem:$0x1D0] =	vst v0  }
0x3f: {  	[tilespmem:$0x1E0] =	vst v0  }
0x40: {  	[tilespmem:$0x1F0] =	vst v0  }
0x41: {  	[tilespmem:$0x200] =	vst v0  }
0x42: {  	[tilespmem:$0x210] =	vst v0  }
0x43: {  	[tilespmem:$0x220] =	vst v0  }
0x44: {  	[tilespmem:$0x230] =	vst v0  }
0x45: {  	[tilespmem:$0x240] =	vst v0  }
0x46: {  	[tilespmem:$0x250] =	vst v0  }
0x47: {  	[tilespmem:$0x260] =	vst v0  }
0x48: {  	[tilespmem:$0x270] =	vst v0  }
0x49: {  	[tilespmem:$0x280] =	vst v0  }
0x4a: {  	[tilespmem:$0x290] =	vst v0  }
0x4b: {  	[tilespmem:$0x2A0] =	vst v0  }
0x4c: {  	[tilespmem:$0x2B0] =	vst v0  }
0x4d: {  	[tilespmem:$0x2C0] =	vst v0  }
0x4e: {  	[tilespmem:$0x2D0] =	vst v0  }
0x4f: {  	[tilespmem:$0x2E0] =	vst v0  }
0x50: {  	[tilespmem:$0x2F0] =	vst v0  }
0x51: {  	[tilespmem:$0x300] =	vst v0  }
0x52: {  	[tilespmem:$0x310] =	vst v0  }
0x53: {  	[tilespmem:$0x320] =	vst v0  }
0x54: {  	[tilespmem:$0x330] =	vst v0  }
0x55: {  	[tilespmem:$0x340] =	vst v0  }
0x56: {  	[tilespmem:$0x350] =	vst v0  }
0x57: {  	[tilespmem:$0x360] =	vst v0  }
0x58: {  	[tilespmem:$0x370] =	vst v0  }
0x59: {  	[tilespmem:$0x380] =	vst v0  }
0x5a: {  	[tilespmem:$0x390] =	vst v0  }
0x5b: {  	[tilespmem:$0x3A0] =	vst v0  }
0x5c: {  	[tilespmem:$0x3B0] =	vst v0  }
0x5d: {  	[tilespmem:$0x3C0] =	vst v0  }
0x5e: {  	[tilespmem:$0x3D0] =	vst v0  }
0x5f: {  	[tilespmem:$0x3E0] =	vst v0  }
0x60: {  	[tilespmem:$0x3F0] =	vst v0  }
0x61: {  	[tilespmem:$0x800] =	vst v0  }
0x62: {  	[tilespmem:$0x810] =	vst v0  }
0x63: {  	[tilespmem:$0x820] =	vst v0  }
0x64: {  	[tilespmem:$0x830] =	vst v0  }
0x65: {  	[tilespmem:$0x840] =	vst v0  }
0x66: {  	[tilespmem:$0x850] =	vst v0  }
0x67: {  	[tilespmem:$0x860] =	vst v0  }
0x68: {  	[tilespmem:$0x870] =	vst v0  }
0x69: {  	[tilespmem:$0x880] =	vst v0  }
0x6a: {  	[tilespmem:$0x890] =	vst v0  }
0x6b: {  	[tilespmem:$0x8A0] =	vst v0  }
0x6c: {  	[tilespmem:$0x8B0] =	vst v0  }
0x6d: {  	[tilespmem:$0x8C0] =	vst v0  }
0x6e: {  	[tilespmem:$0x8D0] =	vst v0  }
0x6f: {  	[tilespmem:$0x8E0] =	vst v0  }
0x70: {  	[tilespmem:$0x8F0] =	vst v0  }
0x71: {  	[tilespmem:$0x900] =	vst v0  }
0x72: {  	[tilespmem:$0x910] =	vst v0  }
0x73: {  	[tilespmem:$0x920] =	vst v0  }
0x74: {  	[tilespmem:$0x930] =	vst v0  }
0x75: {  	[tilespmem:$0x940] =	vst v0  }
0x76: {  	[tilespmem:$0x950] =	vst v0  }
0x77: {  	[tilespmem:$0x960] =	vst v0  }
0x78: {  	[tilespmem:$0x970] =	vst v0  }
0x79: {  	[tilespmem:$0x980] =	vst v0  }
0x7a: {  	[tilespmem:$0x990] =	vst v0  }
0x7b: {  	[tilespmem:$0x9A0] =	vst v0  }
0x7c: {  	[tilespmem:$0x9B0] =	vst v0  }
0x7d: {  	[tilespmem:$0x9C0] =	vst v0  }
0x7e: {  	[tilespmem:$0x9D0] =	vst v0  }
0x7f: {  	[tilespmem:$0x9E0] =	vst v0  }
0x80: {  	[tilespmem:$0x9F0] =	vst v0  }
0x81: {  	[tilespmem:$0xA00] =	vst v0  }
0x82: {  	[tilespmem:$0xA10] =	vst v0  }
0x83: {  	[tilespmem:$0xA20] =	vst v0  }
0x84: {  	[tilespmem:$0xA30] =	vst v0  }
0x85: {  	[tilespmem:$0xA40] =	vst v0  }
0x86: {  	[tilespmem:$0xA50] =	vst v0  }
0x87: {  	[tilespmem:$0xA60] =	vst v0  }
0x88: {  	[tilespmem:$0xA70] =	vst v0  }
0x89: {  	[tilespmem:$0xA80] =	vst v0  }
0x8a: {  	[tilespmem:$0xA90] =	vst v0  }
0x8b: {  	[tilespmem:$0xAA0] =	vst v0  }
0x8c: {  	[tilespmem:$0xAB0] =	vst v0  }
0x8d: {  	[tilespmem:$0xAC0] =	vst v0  }
0x8e: {  	[tilespmem:$0xAD0] =	vst v0  }
0x8f: {  	[tilespmem:$0xAE0] =	vst v0  }
0x90: {  	[tilespmem:$0xAF0] =	vst v0  }
0x91: {  	[tilespmem:$0xB00] =	vst v0  }
0x92: {  	[tilespmem:$0xB10] =	vst v0  }
0x93: {  	[tilespmem:$0xB20] =	vst v0  }
0x94: {  	[tilespmem:$0xB30] =	vst v0  }
0x95: {  	[tilespmem:$0xB40] =	vst v0  }
0x96: {  	[tilespmem:$0xB50] =	vst v0  }
0x97: {  	[tilespmem:$0xB60] =	vst v0  }
0x98: {  	[tilespmem:$0xB70] =	vst v0  }
0x99: {  	[tilespmem:$0xB80] =	vst v0  }
0x9a: {  	[tilespmem:$0xB90] =	vst v0  }
0x9b: {  	[tilespmem:$0xBA0] =	vst v0  }
0x9c: {  	[tilespmem:$0xBB0] =	vst v0  }
0x9d: {  	[tilespmem:$0xBC0] =	vst v0  }
0x9e: {  	[tilespmem:$0xBD0] =	vst v0  }
0x9f: {  	[tilespmem:$0xBE0] =	vst v0  }
0xa0: {  	[tilespmem:$0xBF0] =	vst v0  }
0xa1: {  	[tilespmem:$0x1000] =	vst v0  }
0xa2: {  	[tilespmem:$0x1010] =	vst v0  }
0xa3: {  	[tilespmem:$0x1020] =	vst v0  }
0xa4: {  	[tilespmem:$0x1030] =	vst v0  }
0xa5: {  	[tilespmem:$0x1040] =	vst v0  }
0xa6: {  	[tilespmem:$0x1050] =	vst v0  }
0xa7: {  	[tilespmem:$0x1060] =	vst v0  }
0xa8: {  	[tilespmem:$0x1070] =	vst v0  }
0xa9: {  	[tilespmem:$0x1080] =	vst v0  }
0xaa: {  	[tilespmem:$0x1090] =	vst v0  }
0xab: {  	[tilespmem:$0x10A0] =	vst v0  }
0xac: {  	[tilespmem:$0x10B0] =	vst v0  }
0xad: {  	[tilespmem:$0x10C0] =	vst v0  }
0xae: {  	[tilespmem:$0x10D0] =	vst v0  }
0xaf: {  	[tilespmem:$0x10E0] =	vst v0  }
0xb0: {  	[tilespmem:$0x10F0] =	vst v0  }
0xb1: {  	[tilespmem:$0x1100] =	vst v0  }
0xb2: {  	[tilespmem:$0x1110] =	vst v0  }
0xb3: {  	[tilespmem:$0x1120] =	vst v0  }
0xb4: {  	[tilespmem:$0x1130] =	vst v0  }
0xb5: {  	[tilespmem:$0x1140] =	vst v0  }
0xb6: {  	[tilespmem:$0x1150] =	vst v0  }
0xb7: {  	[tilespmem:$0x1160] =	vst v0  }
0xb8: {  	[tilespmem:$0x1170] =	vst v0  }
0xb9: {  	[tilespmem:$0x1180] =	vst v0  }
0xba: {  	[tilespmem:$0x1190] =	vst v0  }
0xbb: {  	[tilespmem:$0x11A0] =	vst v0  }
0xbc: {  	[tilespmem:$0x11B0] =	vst v0  }
0xbd: {  	[tilespmem:$0x11C0] =	vst v0  }
0xbe: {  	[tilespmem:$0x11D0] =	vst v0  }
0xbf: {  	[tilespmem:$0x11E0] =	vst v0  }
0xc0: {  	[tilespmem:$0x11F0] =	vst v0  }
0xc1: {  	[tilespmem:$0x1200] =	vst v0  }
0xc2: {  	[tilespmem:$0x1210] =	vst v0  }
0xc3: {  	[tilespmem:$0x1220] =	vst v0  }
0xc4: {  	[tilespmem:$0x1230] =	vst v0  }
0xc5: {  	[tilespmem:$0x1240] =	vst v0  }
0xc6: {  	[tilespmem:$0x1250] =	vst v0  }
0xc7: {  	[tilespmem:$0x1260] =	vst v0  }
0xc8: {  	[tilespmem:$0x1270] =	vst v0  }
0xc9: {  	[tilespmem:$0x1280] =	vst v0  }
0xca: {  	[tilespmem:$0x1290] =	vst v0  }
0xcb: {  	[tilespmem:$0x12A0] =	vst v0  }
0xcc: {  	[tilespmem:$0x12B0] =	vst v0  }
0xcd: {  	[tilespmem:$0x12C0] =	vst v0  }
0xce: {  	[tilespmem:$0x12D0] =	vst v0  }
0xcf: {  	[tilespmem:$0x12E0] =	vst v0  }
0xd0: {  	[tilespmem:$0x12F0] =	vst v0  }
0xd1: {  	[tilespmem:$0x1300] =	vst v0  }
0xd2: {  	[tilespmem:$0x1310] =	vst v0  }
0xd3: {  	[tilespmem:$0x1320] =	vst v0  }
0xd4: {  	[tilespmem:$0x1330] =	vst v0  }
0xd5: {  	[tilespmem:$0x1340] =	vst v0  }
0xd6: {  	[tilespmem:$0x1350] =	vst v0  }
0xd7: {  	[tilespmem:$0x1360] =	vst v0  }
0xd8: {  	[tilespmem:$0x1370] =	vst v0  }
0xd9: {  	[tilespmem:$0x1380] =	vst v0  }
0xda: {  	[tilespmem:$0x1390] =	vst v0  }
0xdb: {  	[tilespmem:$0x13A0] =	vst v0  }
0xdc: {  	[tilespmem:$0x13B0] =	vst v0  }
0xdd: {  	[tilespmem:$0x13C0] =	vst v0  }
0xde: {  	[tilespmem:$0x13D0] =	vst v0  }
0xdf: {  	[tilespmem:$0x13E0] =	vst v0  }
0xe0: {  	[tilespmem:$0x13F0] =	vst v0  }
0xe1: {  	[tilespmem:$0x1800] =	vst v0  }
0xe2: {  	[tilespmem:$0x1810] =	vst v0  }
0xe3: {  	[tilespmem:$0x1820] =	vst v0  }
0xe4: {  	[tilespmem:$0x1830] =	vst v0  }
0xe5: {  	[tilespmem:$0x1840] =	vst v0  }
0xe6: {  	[tilespmem:$0x1850] =	vst v0  }
0xe7: {  	[tilespmem:$0x1860] =	vst v0  }
0xe8: {  	[tilespmem:$0x1870] =	vst v0  }
0xe9: {  	[tilespmem:$0x1880] =	vst v0  }
0xea: {  	[tilespmem:$0x1890] =	vst v0  }
0xeb: {  	[tilespmem:$0x18A0] =	vst v0  }
0xec: {  	[tilespmem:$0x18B0] =	vst v0  }
0xed: {  	[tilespmem:$0x18C0] =	vst v0  }
0xee: {  	[tilespmem:$0x18D0] =	vst v0  }
0xef: {  	[tilespmem:$0x18E0] =	vst v0  }
0xf0: {  	[tilespmem:$0x18F0] =	vst v0  }
0xf1: {  	[tilespmem:$0x1900] =	vst v0  }
0xf2: {  	[tilespmem:$0x1910] =	vst v0  }
0xf3: {  	[tilespmem:$0x1920] =	vst v0  }
0xf4: {  	[tilespmem:$0x1930] =	vst v0  }
0xf5: {  	[tilespmem:$0x1940] =	vst v0  }
0xf6: {  	[tilespmem:$0x1950] =	vst v0  }
0xf7: {  	[tilespmem:$0x1960] =	vst v0  }
0xf8: {  	[tilespmem:$0x1970] =	vst v0  }
0xf9: {  	[tilespmem:$0x1980] =	vst v0  }
0xfa: {  	[tilespmem:$0x1990] =	vst v0  }
0xfb: {  	[tilespmem:$0x19A0] =	vst v0  }
0xfc: {  	[tilespmem:$0x19B0] =	vst v0  }
0xfd: {  	[tilespmem:$0x19C0] =	vst v0  }
0xfe: {  	[tilespmem:$0x19D0] =	vst v0  }
0xff: {  	[tilespmem:$0x19E0] =	vst v0  }
0x100: {  	[tilespmem:$0x19F0] =	vst v0  }
0x101: {  	[tilespmem:$0x1A00] =	vst v0  }
0x102: {  	[tilespmem:$0x1A10] =	vst v0  }
0x103: {  	[tilespmem:$0x1A20] =	vst v0  }
0x104: {  	[tilespmem:$0x1A30] =	vst v0  }
0x105: {  	[tilespmem:$0x1A40] =	vst v0  }
0x106: {  	[tilespmem:$0x1A50] =	vst v0  }
0x107: {  	[tilespmem:$0x1A60] =	vst v0  }
0x108: {  	[tilespmem:$0x1A70] =	vst v0  }
0x109: {  	[tilespmem:$0x1A80] =	vst v0  }
0x10a: {  	[tilespmem:$0x1A90] =	vst v0  }
0x10b: {  	[tilespmem:$0x1AA0] =	vst v0  }
0x10c: {  	[tilespmem:$0x1AB0] =	vst v0  }
0x10d: {  	[tilespmem:$0x1AC0] =	vst v0  }
0x10e: {  	[tilespmem:$0x1AD0] =	vst v0  }
0x10f: {  	[tilespmem:$0x1AE0] =	vst v0  }
0x110: {  	[tilespmem:$0x1AF0] =	vst v0  }
0x111: {  	[tilespmem:$0x1B00] =	vst v0  }
0x112: {  	[tilespmem:$0x1B10] =	vst v0  }
0x113: {  	[tilespmem:$0x1B20] =	vst v0  }
0x114: {  	[tilespmem:$0x1B30] =	vst v0  }
0x115: {  	[tilespmem:$0x1B40] =	vst v0  }
0x116: {  	[tilespmem:$0x1B50] =	vst v0  }
0x117: {  	[tilespmem:$0x1B60] =	vst v0  }
0x118: {  	[tilespmem:$0x1B70] =	vst v0  }
0x119: {  	[tilespmem:$0x1B80] =	vst v0  }
0x11a: {  	[tilespmem:$0x1B90] =	vst v0  }
0x11b: {  	[tilespmem:$0x1BA0] =	vst v0  }
0x11c: {  	[tilespmem:$0x1BB0] =	vst v0  }
0x11d: {  	[tilespmem:$0x1BC0] =	vst v0  }
0x11e: {  	[tilespmem:$0x1BD0] =	vst v0  }
0x11f: {  	[tilespmem:$0x1BE0] =	vst v0  }
0x120: {  	[tilespmem:$0x1BF0] =	vst v0  }
0x121: {  	[bflag:$0x0] =	sbarrier.arrive $0xFFFF  }
0x122: {  	(ifvalue) =	ssetifvalue $0xFFFFFFFF  }
0x123: {  	[spmem:s1] =	stream.indirect.scatter.add.f32 [tilespmem:s20], [sflag:$0x2], $0x1, s2, s20, $0x40b8;
	[tilespmem:$0x12000] =	vst v63  }
0x124: {  	(ifvalue) =	ssetifvalue $0xFFFFFFFF  }
0x125: {  	[spmem:s1] =	stream.indirect.scatter.add.f32 [tilespmem:s22], [sflag:$0x2], $0x1, s21, s20, $0x40b8;
	[tilespmem:$0x12000] =	vst v63  }
0x126: {  	(ifvalue) =	ssetifvalue $0xFFFFFFFF  }
0x127: {  	[spmem:s1] =	stream.indirect.scatter.add.f32 [tilespmem:s26], [sflag:$0x2], $0x1, s30, s20, $0x40b8;
	[tilespmem:$0x12000] =	vst v63  }
0x128: {  	s11 =	rddreg [dreg:$0x9]  }
0x129: {  	[tilespmem:s2], [sflag:$0x1] =	stream.linear.gather [hbm4b:s11+s2], $0x400, $0x38;
	[tilespmem:$0x12000] =	vst v63  }
0x12a: {  	s13 =	rddreg [dreg:$0xa]  }
0x12b: {  	[tilespmem:s20], [sflag:$0x1] =	stream.linear.gather [hbm4b:s13+s2], $0x400, $0x38;
	[tilespmem:$0x12000] =	vst v63  }
0x12c: {  	_ =	swait.ge [sflag:s28], $0x400  }
0x12d: {  	[sflag:s28] =	ssyncset.done $0x0;
	s14 =	rddreg [dreg:$0x6]  }
0x12e: {  	s10 =	sadd.s32 $0x0, s17;
	[sflag:s28] =	ssyncadd.s32 $0xFFFFFC00;
	s8 =	sadd.s32 $0x0, s14  }
0x12f: {  	[tilespmem:s21], [sflag:$0x1] =	stream.linear.gather [hbm4b:s10+s2], $0x400, $0x38;
	[tilespmem:$0x12000] =	vst v63  }
0x130: {  	s15 =	sadd.s32 $0x80, s8  }
0x131: {  	[tilespmem:s22], [sflag:$0x1] =	stream.linear.gather [hbm4b:s15+s2], $0x400, $0x38;
	[tilespmem:$0x12000] =	vst v63  }
0x132: {  	_ =	swait.ge [sflag:s29], $0x400  }
0x133: {  	[sflag:s29] =	ssyncset.done $0x0  }
0x134: {  	[sflag:s29] =	ssyncadd.s32 $0xFFFFFC00  }
0x135: {  	_ =	swait.ge [sflag:s29], $0x400  }
0x136: {  	[sflag:s29] =	ssyncset.done $0x0  }
0x137: {  	[sflag:s29] =	ssyncadd.s32 $0xFFFFFC00;
	(ifvalue) =	ssetifvalue $0xFFFFFFFF  }
0x138: {  	[spmem:s1] =	stream.indirect.scatter.add.f32 [tilespmem:s20], [sflag:$0x2], $0x1, s2, s20, $0x40b8;
	[tilespmem:$0x12000] =	vst v63  }
0x139: {  	_ =	swait.ge [sflag:s28], $0x400  }
0x13a: {  	s11 =	rddreg [dreg:$0x7];
	[sflag:s28] =	ssyncset.done $0x0  }
0x13b: {  	[sflag:s28] =	ssyncadd.s32 $0xFFFFFC00;
	s10 =	sadd.s32 $0x0, s11  }
0x13c: {  	[tilespmem:s30], [sflag:$0x1] =	stream.linear.gather [hbm4b:s10+s2], $0x400, $0x38;
	[tilespmem:$0x12000] =	vst v63  }
0x13d: {  	s13 =	sadd.s32 $0x100, s8  }
0x13e: {  	[tilespmem:s26], [sflag:$0x1] =	stream.linear.gather [hbm4b:s13+s2], $0x400, $0x38;
	[tilespmem:$0x12000] =	vst v63  }
0x13f: {  	_ =	swait.ge [sflag:s29], $0x400  }
0x140: {  	[sflag:s29] =	ssyncset.done $0x0  }
0x141: {  	[sflag:s29] =	ssyncadd.s32 $0xFFFFFC00  }
0x142: {  	_ =	swait.ge [sflag:s29], $0x400  }
0x143: {  	[sflag:s29] =	ssyncset.done $0x0  }
0x144: {  	[sflag:s29] =	ssyncadd.s32 $0xFFFFFC00;
	(ifvalue) =	ssetifvalue $0xFFFFFFFF  }
0x145: {  	[spmem:s1] =	stream.indirect.scatter.add.f32 [tilespmem:s22], [sflag:$0x2], $0x1, s21, s20, $0x40b8;
	[tilespmem:$0x12000] =	vst v63  }
0x146: {  	_ =	swait.ge [sflag:s28], $0x400  }
0x147: {  	s14 =	rddreg [dreg:$0x5];
	[sflag:s28] =	ssyncset.done $0x0  }
0x148: {  	[sflag:s28] =	ssyncadd.s32 $0xFFFFFC00;
	s10 =	sadd.s32 $0x0, s14  }
0x149: {  	[tilespmem:s31], [sflag:$0x1] =	stream.linear.gather [hbm4b:s10+s2], $0x400, $0x38;
	[tilespmem:$0x12000] =	vst v63  }
0x14a: {  	s8 =	sadd.s32 $0x180, s8  }
0x14b: {  	[tilespmem:s0], [sflag:$0x1] =	stream.linear.gather [hbm4b:s8+s2], $0x400, $0x38;
	[tilespmem:$0x12000] =	vst v63  }
0x14c: {  	_ =	swait.ge [sflag:s29], $0x400  }
0x14d: {  	[sflag:s29] =	ssyncset.done $0x0  }
0x14e: {  	[sflag:s29] =	ssyncadd.s32 $0xFFFFFC00  }
0x14f: {  	_ =	swait.ge [sflag:s29], $0x400  }
0x150: {  	p0 =	por $0x0, $0x0;
	s8 =	simm.s32 $0x1000;
	[sflag:s29] =	ssyncset.done $0x0  }
0x151: {  	s8 =	simm.s32 @p0 $0x0;
	[sflag:s29] =	ssyncadd.s32 $0xFFFFFC00;
	(ifvalue) =	ssetifvalue $0xFFFFFFFF  }
0x152: {  	[spmem:s1] =	stream.indirect.scatter.add.f32 [tilespmem:s26], [sflag:$0x2], $0x1, s30, s20, $0x40b8;
	[tilespmem:$0x12000] =	vst v63  }
0x153: {  	s15 =	sadd.s32 s7, s8;
	_ =	swait.ge [sflag:s28], $0x400  }
0x154: {  	s8 =	sadd.s32 s5, s8;
	s10 =	sshrl.u32 s15, $0x3;
	[sflag:s28] =	ssyncset.done $0x0  }
0x155: {  	s8 =	sshrl.u32 s8, $0x3;
	s10 =	sadd.s32 s4, s10;
	[sflag:s28] =	ssyncadd.s32 $0xFFFFFC00  }
0x156: {  	[tilespmem:s2], [sflag:$0x1] =	stream.linear.gather [hbm4b:s10+s2], $0x400, $0x38;
	[tilespmem:$0x12000] =	vst v63  }
0x157: {  	s8 =	sadd.s32 s6, s8  }
0x158: {  	[tilespmem:s20], [sflag:$0x1] =	stream.linear.gather [hbm4b:s8+s2], $0x400, $0x38;
	[tilespmem:$0x12000] =	vst v63  }
0x159: {  	_ =	swait.ge [sflag:s29], $0x400  }
0x15a: {  	[sflag:s29] =	ssyncset.done $0x0  }
0x15b: {  	[sflag:s29] =	ssyncadd.s32 $0xFFFFFC00  }
0x15c: {  	_ =	swait.ge [sflag:s29], $0x400  }
0x15d: {  	[sflag:s29] =	ssyncset.done $0x0  }
0x15e: {  	s10 =	simm.s32 $0x2000;
	s8 =	simm.s32 $0x200;
	[sflag:s29] =	ssyncadd.s32 $0xFFFFFC00  }
.LBB2_2:
0x15f: {  	(ifvalue) =	ssetifvalue $0xFFFFFFFF  }
0x160: {  	[spmem:s1] =	stream.indirect.scatter.add.f32 [tilespmem:s0], [sflag:$0x2], $0x1, s31, s20, $0x40b8;
	[tilespmem:$0x12000] =	vst v63  }
0x161: {  	_ =	swait.ge [sflag:s28], $0x400  }
0x162: {  	s11 =	smov.u32 s8;
	[sflag:s28] =	ssyncset.done $0x0;
	s13 =	rddreg [dreg:$0x6]  }
0x163: {  	s14 =	sadd.s32 s11, s17;
	[sflag:s28] =	ssyncadd.s32 $0xFFFFFC00;
	s13 =	sadd.s32 s11, s13  }
0x164: {  	[tilespmem:s21], [sflag:$0x1] =	stream.linear.gather [hbm4b:s14+s2], $0x400, $0x38;
	[tilespmem:$0x12000] =	vst v63  }
0x165: {  	s15 =	sadd.s32 $0x80, s13  }
0x166: {  	[tilespmem:s22], [sflag:$0x1] =	stream.linear.gather [hbm4b:s15+s2], $0x400, $0x38;
	[tilespmem:$0x12000] =	vst v63  }
0x167: {  	_ =	swait.ge [sflag:s29], $0x400  }
0x168: {  	[sflag:s29] =	ssyncset.done $0x0  }
0x169: {  	[sflag:s29] =	ssyncadd.s32 $0xFFFFFC00  }
0x16a: {  	_ =	swait.ge [sflag:s29], $0x400  }
0x16b: {  	[sflag:s29] =	ssyncset.done $0x0  }
0x16c: {  	[sflag:s29] =	ssyncadd.s32 $0xFFFFFC00;
	(ifvalue) =	ssetifvalue $0xFFFFFFFF  }
0x16d: {  	[spmem:s1] =	stream.indirect.scatter.add.f32 [tilespmem:s20], [sflag:$0x2], $0x1, s2, s20, $0x40b8;
	[tilespmem:$0x12000] =	vst v63  }
0x16e: {  	_ =	swait.ge [sflag:s28], $0x400  }
0x16f: {  	s15 =	rddreg [dreg:$0x7];
	[sflag:s28] =	ssyncset.done $0x0  }
0x170: {  	[sflag:s28] =	ssyncadd.s32 $0xFFFFFC00;
	s14 =	sadd.s32 s11, s15  }
0x171: {  	[tilespmem:s30], [sflag:$0x1] =	stream.linear.gather [hbm4b:s14+s2], $0x400, $0x38;
	[tilespmem:$0x12000] =	vst v63  }
0x172: {  	s15 =	sadd.s32 $0x100, s13  }
0x173: {  	[tilespmem:s26], [sflag:$0x1] =	stream.linear.gather [hbm4b:s15+s2], $0x400, $0x38;
	[tilespmem:$0x12000] =	vst v63  }
0x174: {  	_ =	swait.ge [sflag:s29], $0x400  }
0x175: {  	[sflag:s29] =	ssyncset.done $0x0  }
0x176: {  	[sflag:s29] =	ssyncadd.s32 $0xFFFFFC00  }
0x177: {  	_ =	swait.ge [sflag:s29], $0x400  }
0x178: {  	[sflag:s29] =	ssyncset.done $0x0  }
0x179: {  	[sflag:s29] =	ssyncadd.s32 $0xFFFFFC00;
	(ifvalue) =	ssetifvalue $0xFFFFFFFF  }
0x17a: {  	[spmem:s1] =	stream.indirect.scatter.add.f32 [tilespmem:s22], [sflag:$0x2], $0x1, s21, s20, $0x40b8;
	[tilespmem:$0x12000] =	vst v63  }
0x17b: {  	_ =	swait.ge [sflag:s28], $0x400  }
0x17c: {  	s15 =	rddreg [dreg:$0x5];
	[sflag:s28] =	ssyncset.done $0x0  }
0x17d: {  	[sflag:s28] =	ssyncadd.s32 $0xFFFFFC00;
	s14 =	sadd.s32 s11, s15  }
0x17e: {  	[tilespmem:s31], [sflag:$0x1] =	stream.linear.gather [hbm4b:s14+s2], $0x400, $0x38;
	[tilespmem:$0x12000] =	vst v63  }
0x17f: {  	s13 =	sadd.s32 $0x180, s13  }
0x180: {  	[tilespmem:s0], [sflag:$0x1] =	stream.linear.gather [hbm4b:s13+s2], $0x400, $0x38;
	[tilespmem:$0x12000] =	vst v63  }
0x181: {  	_ =	swait.ge [sflag:s29], $0x400  }
0x182: {  	[sflag:s29] =	ssyncset.done $0x0  }
0x183: {  	[sflag:s29] =	ssyncadd.s32 $0xFFFFFC00  }
0x184: {  	_ =	swait.ge [sflag:s29], $0x400  }
0x185: {  	p1 =	seq.s32 s11, $0x6200;
	s11 =	smov.u32 s10;
	[sflag:s29] =	ssyncset.done $0x0  }
0x186: {  	s11 =	simm.s32 @p1 $0x0;
	[sflag:s29] =	ssyncadd.s32 $0xFFFFFC00;
	(ifvalue) =	ssetifvalue $0xFFFFFFFF  }
0x187: {  	[spmem:s1] =	stream.indirect.scatter.add.f32 [tilespmem:s26], [sflag:$0x2], $0x1, s30, s20, $0x40b8;
	[tilespmem:$0x12000] =	vst v63  }
0x188: {  	s15 =	sadd.s32 s7, s11;
	_ =	swait.ge [sflag:s28], $0x400  }
0x189: {  	s11 =	sadd.s32 s5, s11;
	s13 =	sshrl.u32 s15, $0x3;
	[sflag:s28] =	ssyncset.done $0x0  }
0x18a: {  	s11 =	sshrl.u32 s11, $0x3;
	s13 =	sadd.s32 s4, s13;
	[sflag:s28] =	ssyncadd.s32 $0xFFFFFC00  }
0x18b: {  	[tilespmem:s2], [sflag:$0x1] =	stream.linear.gather [hbm4b:s13+s2], $0x400, $0x38;
	[tilespmem:$0x12000] =	vst v63  }
0x18c: {  	s11 =	sadd.s32 s6, s11  }
0x18d: {  	[tilespmem:s20], [sflag:$0x1] =	stream.linear.gather [hbm4b:s11+s2], $0x400, $0x38;
	[tilespmem:$0x12000] =	vst v63  }
0x18e: {  	p0 =	sne.s32 s8, $0x6200;
	_ =	swait.ge [sflag:s29], $0x400  }
.Ltmp0:
0x18f: {  	[sflag:s29] =	ssyncset.done $0x0;
	(pc) =	sbr.rel @p0 .LBB2_2-.Ltmp0, $4  }
0x190: {  	[sflag:s29] =	ssyncadd.s32 $0xFFFFFC00  }
0x191: {  	_ =	swait.ge [sflag:s29], $0x400  }
0x192: {  	[sflag:s29] =	ssyncset.done $0x0  }
0x193: {  	s8 =	sadd.s32 $0x200, s8;
	s10 =	sadd.s32 $0x1000, s10;
	[sflag:s29] =	ssyncadd.s32 $0xFFFFFC00  }
0x194: {  	(ifvalue) =	ssetifvalue $0xFFFFFFFF  }
0x195: {  	[spmem:s1] =	stream.indirect.scatter.add.f32 [tilespmem:s0], [sflag:$0x2], $0x1, s31, s20, $0x40b8;
	[tilespmem:$0x12000] =	vst v63  }
0x196: {  	_ =	swait.ge [sflag:s29], $0x400  }
0x197: {  	[sflag:s29] =	ssyncset.done $0x0  }
0x198: {  	[sflag:s29] =	ssyncadd.s32 $0xFFFFFC00  }
0x199: {  	_ =	swait.ge [sflag:s29], $0x400  }
0x19a: {  	[sflag:s29] =	ssyncset.done $0x0  }
0x19b: {  	[sflag:s29] =	ssyncadd.s32 $0xFFFFFC00  }
0x19c: {  	_ =	swait.ge [sflag:s28], $0x400  }
0x19d: {  	[sflag:s28] =	ssyncset.done $0x0  }
0x19e: {  	[sflag:s28] =	ssyncadd.s32 $0xFFFFFC00  }
0x19f: {  	_ =	swait.ge [sflag:s28], $0x400  }
0x1a0: {  	[sflag:s28] =	ssyncset.done $0x0  }
0x1a1: {  	[sflag:s28] =	ssyncadd.s32 $0xFFFFFC00  }
0x1a2: {  	_ =	swait.ge [sflag:s28], $0x400  }
0x1a3: {  	[sflag:s28] =	ssyncset.done $0x0  }
0x1a4: {  	[sflag:s28] =	ssyncadd.s32 $0xFFFFFC00  }
0x1a5: {  	[bflag:$0x0] =	sbarrier.arrive $0xFFFF  }
0x1a6: {  	[hbm:s12], [sflag:s9] =	dma.local [spmem:s18], $0x800  }
0x1a7: {  	_ =	swait.ge [sflag:s19], $0x800  }
0x1a8: {  	[sflag:s19] =	ssyncset.done $0x0  }
0x1a9: {  	s8 =	rddreg [dreg:$0xb];
	[sflag:s19] =	ssyncadd.s32 $0xFFFFF800  }
0x1aa: {  	[hbm:s8], [sflag:s9] =	dma.local [spmem:s23], $0x800  }
0x1ab: {  	_ =	swait.ge [sflag:s19], $0x800  }
0x1ac: {  	[sflag:s19] =	ssyncset.done $0x0  }
0x1ad: {  	s14 =	rddreg [dreg:$0xc];
	[sflag:s19] =	ssyncadd.s32 $0xFFFFF800  }
0x1ae: {  	[hbm:s14], [sflag:s9] =	dma.local [spmem:s24], $0x800  }
0x1af: {  	s3 =	sadd.s32 $0x1, s3;
	_ =	swait.ge [sflag:s19], $0x800  }
0x1b0: {  	p0 =	sne.s32 s3, s16;
	[sflag:s19] =	ssyncset.done $0x0  }
.Ltmp1:
0x1b1: {  	s15 =	rddreg [dreg:$0xd];
	[sflag:s19] =	ssyncadd.s32 $0xFFFFF800;
	(pc) =	sbr.rel @p0 .LBB2_1-.Ltmp1, $4  }
0x1b2: {  	[hbm:s15], [sflag:s9] =	dma.local [spmem:s25], $0x800  }
0x1b3: {  	_ =	swait.ge [sflag:s19], $0x800  }
0x1b4: {  	[sflag:s19] =	ssyncset.done $0x0  }
0x1b5: {  	[sflag:s19] =	ssyncadd.s32 $0xFFFFF800  }
0x1b6: {  	_ =	sfence.sel $0x180000  }
0x1b7: {  	[bflag:$0x0] =	sbarrier.arrive $0xFFFF  }
0x1b8: {  	_ =	strace $0x90000047  }
0x1b9: {  	s0 =	stileid.u32;
	[bflag:$0x2] =	sbarrier.arrive $0xFFFF  }
0x1ba: {  	p0 =	sne.s32 s0, $0x0;
	s0 =	rddreg [dreg:$0x4]  }
0x1bb: {  	s0 =	sadd.s32 @!p0 $0x100000, s0  }
0x1bc: {  	[sflag:s0] =	ssyncadd.tile.s32 @!p0 $0x1;
	_ =	shalt  }
.Lfunc_end2:
_tile_overlayer_lowered:
.L_overlay_start_2:
0x1bd: {  	(tag) =	ssettag $0x2  }
0x1be: {  	s0 =	rddreg [dreg:$0x0];
	s2 =	stileid.u32  }
0x1bf: {  	s1 =	rddreg [dreg:$0x1];
	p0 =	sne.s32 s2, $0x0  }
0x1c0: {  	s3 =	rddreg [dreg:$0x2];
	[bflag:$0x3] =	sbarrier.arrive $0xFFFF;
	s2 =	simm.s32 @!p0 $0x1C03  }
0x1c1: {  	[timem:s3], [sflag:s2] =	dma.local @!p0 [hbm:s0], s1  }
0x1c2: {  	s0 =	simm.s32 @!p0 $0x3  }
0x1c3: {  	_ =	swait.ge @!p0 [sflag:s0], s1  }
0x1c4: {  	s1 =	ssub.s32 @!p0 $0x0, s1;
	[sflag:s0] =	ssyncset.done @!p0 $0x0  }
0x1c5: {  	[sflag:s0] =	ssyncadd.s32 @!p0 s1  }
0x1c6: {  	[bflag:$0x3] =	sbarrier.arrive $0xFFFF  }
0x1c7: {  	_ =	shalt  }

</sc_bundles>
